<compile_context>
chip_gen: v7x
topology: tpu7x:2x2x1
jax: 0.10.2.dev20260603
libtpu: 0.0.44.dev20260713+nightly
codegen_flags: <defaults>
</compile_context>

<pallas_src>
import functools

import jax
import jax.numpy as jnp
from jax import lax
from jax.experimental import pallas as pl
from jax.experimental.pallas import tpu as pltpu
from jax.experimental.pallas import tpu_sc as plsc

N_NODES = 10000
ACC = 10240
DUMMY = N_NODES
NC, NS = 2, 16
NW = NC * NS
CHUNK = 128
ZROWS = ACC // NS


def _sc_mesh():
    return plsc.VectorSubcoreMesh(core_axis_name="c", subcore_axis_name="s")


_UNTILED = pltpu.CompilerParams(use_tc_tiling_on_sc=False)


def _make_deg_kernel(idx_rows):

    @functools.partial(
        pl.kernel,
        out_type=jax.ShapeDtypeStruct((NC, ACC, 16), jnp.float32),
        mesh=_sc_mesh(),
        compiler_params=_UNTILED,
        scratch_types=[
            pltpu.VMEM((idx_rows, CHUNK), jnp.int32),
            pltpu.VMEM((CHUNK, 16), jnp.float32),
            pltpu.VMEM((ZROWS, 16), jnp.float32),
            pltpu.VMEM_SHARED((ACC, 16), jnp.float32),
        ],
    )
    def deg_kernel(dst_hbm, out_hbm, dst_v, ones_v, zbuf_v, acc_sh):
        cid = lax.axis_index("c")
        sid = lax.axis_index("s")
        wid = cid * NS + sid

        zero16 = jnp.zeros((16,), jnp.float32)
        one16 = jnp.ones((16,), jnp.float32)

        def _fill_z(i, carry):
            zbuf_v[i] = zero16
            return carry

        lax.fori_loop(0, ZROWS, _fill_z, None)

        def _fill_o(i, carry):
            ones_v[i] = one16
            return carry

        lax.fori_loop(0, CHUNK, _fill_o, None)

        pltpu.sync_copy(zbuf_v, acc_sh.at[pl.ds(sid * ZROWS, ZROWS)])
        plsc.subcore_barrier()

        pltpu.sync_copy(dst_hbm.at[pl.ds(wid * idx_rows, idx_rows)], dst_v)

        def _chunk(j, carry):
            pltpu.sync_copy(ones_v, acc_sh.at[dst_v.at[j]], add=True)
            return carry

        lax.fori_loop(0, idx_rows, _chunk, None)
        plsc.subcore_barrier()

        pltpu.sync_copy(
            acc_sh.at[pl.ds(sid * ZROWS, ZROWS)],
            out_hbm.at[cid, pl.ds(sid * ZROWS, ZROWS)],
        )

    return deg_kernel


def _make_edge_scatter_kernel(rows_c0, rows_c1, d, grp, dtype=jnp.float32,
                              stage_rows=0):
    assert rows_c0 % (2 * grp) == 0 and rows_c1 % (2 * grp) == 0
    buf_rows = 2 * grp * CHUNK
    idx_rows = max(rows_c0, rows_c1)
    vec = 32 if dtype == jnp.bfloat16 else 16
    stage_scratch = (
        [pltpu.VMEM_SHARED((stage_rows, d), dtype)] if stage_rows else [])

    @functools.partial(
        pl.kernel,
        out_type=jax.ShapeDtypeStruct((NC, ACC, d), dtype),
        mesh=_sc_mesh(),
        compiler_params=_UNTILED if (d % 128 != 0 or dtype != jnp.float32) else None,
        scratch_types=[
            pltpu.VMEM((idx_rows, CHUNK), jnp.int32),
            pltpu.VMEM((idx_rows, CHUNK), jnp.int32),
            pltpu.VMEM((buf_rows, d), dtype),
            pltpu.VMEM_SHARED((ACC, d), dtype),
            pltpu.SemaphoreType.DMA,
            pltpu.SemaphoreType.DMA,
        ] + stage_scratch,
    )
    def scatter_kernel(ys_hbm, src_hbm, dst_hbm, out_hbm,
                       src_v, dst_v, rows_v, acc_sh, sem_a, sem_b,
                       *maybe_stage):
        cid = lax.axis_index("c")
        sid = lax.axis_index("s")
        if stage_rows:
            ys_sh = maybe_stage[0]
            per = stage_rows // NS
            pltpu.sync_copy(ys_hbm.at[pl.ds(sid * per, per)],
                            ys_sh.at[pl.ds(sid * per, per)])
            ys_src = ys_sh
        else:
            ys_src = ys_hbm

        zerov = jnp.zeros((vec,), dtype)
        nvec = d // vec

        def _fill_z(i, carry):
            for v in range(nvec):
                rows_v[i, pl.ds(v * vec, vec)] = zerov
            return carry

        lax.fori_loop(0, buf_rows, _fill_z, None)

        off = 0
        while off < ZROWS:
            step = min(buf_rows, ZROWS - off)
            pltpu.sync_copy(
                rows_v.at[pl.ds(0, step)],
                acc_sh.at[pl.ds(sid * ZROWS + off, step)],
            )
            off += step
        plsc.subcore_barrier()

        def _gather_group(gi, buf, sem):
            base = gi * grp
            for t in range(grp):
                pltpu.async_copy(
                    ys_src.at[src_v.at[base + t]],
                    rows_v.at[pl.ds((buf * grp + t) * CHUNK, CHUNK)],
                    sem,
                )

        def _wait_group(buf, sem):
            for t in range(grp):
                pltpu.make_async_copy(
                    ys_src.at[src_v.at[0]],
                    rows_v.at[pl.ds((buf * grp + t) * CHUNK, CHUNK)],
                    sem,
                ).wait()

        def _scatter_group(gi, buf):
            base = gi * grp
            for t in range(grp):
                pltpu.sync_copy(
                    rows_v.at[pl.ds((buf * grp + t) * CHUNK, CHUNK)],
                    acc_sh.at[dst_v.at[base + t]],
                    add=True,
                )

        def _run(row0, nrows):
            if nrows == 0:
                return
            pltpu.sync_copy(src_hbm.at[pl.ds(row0, nrows)],
                            src_v.at[pl.ds(0, nrows)])
            pltpu.sync_copy(dst_hbm.at[pl.ds(row0, nrows)],
                            dst_v.at[pl.ds(0, nrows)])
            half = nrows // (2 * grp)
            _gather_group(0, 0, sem_a)

            def _pipe(q, carry):
                _gather_group(2 * q + 1, 1, sem_b)
                _wait_group(0, sem_a)
                _scatter_group(2 * q, 0)

                @pl.when(q < half - 1)
                def _prefetch():
                    _gather_group(2 * q + 2, 0, sem_a)

                _wait_group(1, sem_b)
                _scatter_group(2 * q + 1, 1)
                return carry

            lax.fori_loop(0, half, _pipe, None)

        @pl.when(cid == 0)
        def _run_c0():
            _run(sid * rows_c0, rows_c0)

        @pl.when(cid == 1)
        def _run_c1():
            _run(NS * rows_c0 + sid * rows_c1, rows_c1)

        plsc.subcore_barrier()

        pltpu.sync_copy(
            acc_sh.at[pl.ds(sid * ZROWS, ZROWS)],
            out_hbm.at[cid, pl.ds(sid * ZROWS, ZROWS)],
        )

    return scatter_kernel



RB = 2000


def _dis_block(degp_ref):
    deg = degp_ref[0, :, 0:1] + degp_ref[1, :, 0:1] + 1.0
    return lax.rsqrt(deg)


def _tc1_body(x_ref, w1_ref, degp_ref, y1_ref, ys1_ref):
    y = jnp.dot(x_ref[...], w1_ref[...], preferred_element_type=jnp.float32)
    dis = _dis_block(degp_ref)
    y1_ref[...] = y
    ys1_ref[...] = (y * dis).astype(jnp.bfloat16)


def _tc2_body(z1p_ref, y1_ref, degp_ref, b1_ref, w2_ref, y2_ref, ys2_ref):
    dis = _dis_block(degp_ref)
    z = z1p_ref[0].astype(jnp.float32) + z1p_ref[1].astype(jnp.float32)
    h = jnp.maximum(dis * z + (dis * dis) * y1_ref[...] + b1_ref[...], 0.0)
    y2 = jnp.dot(h, w2_ref[...], preferred_element_type=jnp.float32)
    y2_ref[...] = y2
    ys2_ref[...] = y2 * dis


def _tc3_body(z2p_ref, y2_ref, degp_ref, b2_ref, out_ref):
    dis = _dis_block(degp_ref)
    z = z2p_ref[0] + z2p_ref[1]
    o = dis * z + (dis * dis) * y2_ref[...] + b2_ref[...]
    m = jnp.max(o, axis=1, keepdims=True)
    e = o - m
    lse = jnp.log(jnp.sum(jnp.exp(e), axis=1, keepdims=True))
    out_ref[...] = e - lse


def _row_spec(d):
    return pl.BlockSpec((RB, d), lambda i: (i, 0))


def _part_spec(d):
    return pl.BlockSpec((NC, RB, d), lambda i: (0, i, 0))


def _full_spec(shape):
    nd = len(shape)
    return pl.BlockSpec(shape, lambda i: (0,) * nd)


def kernel(x, edge_index, W1, b1, W2, b2):
    n, in_dim = x.shape
    hid = W1.shape[1]
    out_dim = W2.shape[1]
    e = edge_index.shape[1]

    idx_rows_total = -(-e // (NW * CHUNK)) * NW
    e_pad = idx_rows_total * CHUNK
    idx_rows = idx_rows_total // NW
    src = jnp.concatenate(
        [edge_index[0].astype(jnp.int32),
         jnp.zeros((e_pad - e,), jnp.int32)]).reshape(idx_rows_total, CHUNK)
    dst = jnp.concatenate(
        [edge_index[1].astype(jnp.int32),
         jnp.full((e_pad - e,), DUMMY, jnp.int32)]).reshape(idx_rows_total, CHUNK)
    b1r = b1.reshape(1, hid)
    b2r = b2.reshape(1, out_dim)

    grid = n // RB

    degp = _make_deg_kernel(idx_rows)(dst)

    y1, ys1 = pl.pallas_call(
        _tc1_body,
        grid=(grid,),
        in_specs=[
            _row_spec(in_dim),
            _full_spec((in_dim, hid)),
            _part_spec(16),
        ],
        out_specs=[_row_spec(hid), _row_spec(hid)],
        out_shape=[
            jax.ShapeDtypeStruct((n, hid), jnp.float32),
            jax.ShapeDtypeStruct((n, hid), jnp.bfloat16),
        ],
    )(x, W1, degp)

    rows_c0 = 2 * idx_rows - ((2 * idx_rows * 3) // 10) // 8 * 8
    rows_c1 = 2 * idx_rows - rows_c0
    z1p = _make_edge_scatter_kernel(rows_c0, rows_c1, hid, 2,
                                    jnp.bfloat16)(ys1, src, dst)

    y2, ys2 = pl.pallas_call(
        _tc2_body,
        grid=(grid,),
        in_specs=[
            _part_spec(hid),
            _row_spec(hid),
            _part_spec(16),
            _full_spec((1, hid)),
            _full_spec((hid, out_dim)),
        ],
        out_specs=[_row_spec(out_dim), _row_spec(out_dim)],
        out_shape=[
            jax.ShapeDtypeStruct((n, out_dim), jnp.float32),
            jax.ShapeDtypeStruct((n, out_dim), jnp.float32),
        ],
    )(z1p, y1, degp, b1r, W2)

    z2p = _make_edge_scatter_kernel(rows_c0, rows_c1, out_dim, 2,
                                    stage_rows=n)(ys2, src, dst)

    out = pl.pallas_call(
        _tc3_body,
        grid=(grid,),
        in_specs=[
            _part_spec(out_dim),
            _row_spec(out_dim),
            _part_spec(16),
            _full_spec((1, out_dim)),
        ],
        out_specs=_row_spec(out_dim),
        out_shape=jax.ShapeDtypeStruct((n, out_dim), jnp.float32),
    )(z2p, y2, degp, b2r)

    return out

# --- scband reference (transcript-rebuilt; emitter-appended) ---
"""Pipeline reference for scband-gnn-23751169147538 (READ-ONLY COPY).

The authoritative reference and input builder live on the scoring server;
editing this copy changes nothing except your own understanding.
"""

import jax, jax.numpy as jnp
import numpy as np

NUM_NODES = 10000
NUM_EDGES = 160000
IN_DIM = 256
HID_DIM = 128
OUT_DIM = 16


def setup_inputs(seed: int = 0) -> dict:
    key = jax.random.key(seed)
    k1, k2, k3, k4, k5, k6 = jax.random.split(key, 6)
    x = jax.random.normal(k1, (NUM_NODES, IN_DIM), dtype=jnp.float32)
    edge_index = jax.random.randint(k2, (2, NUM_EDGES), 0, NUM_NODES, dtype=jnp.int64)
    # GCNConv params (glorot-like init)
    W1 = jax.random.normal(k3, (IN_DIM, HID_DIM), dtype=jnp.float32) * (1.0 / np.sqrt(IN_DIM))
    b1 = jnp.zeros((HID_DIM,), dtype=jnp.float32)
    W2 = jax.random.normal(k4, (HID_DIM, OUT_DIM), dtype=jnp.float32) * (1.0 / np.sqrt(HID_DIM))
    b2 = jnp.zeros((OUT_DIM,), dtype=jnp.float32)
    return {"x": x, "edge_index": edge_index, "W1": W1, "b1": b1, "W2": W2, "b2": b2}


def gcn_conv(x, src, dst, W, b, num_nodes):
    # linear transform
    xw = x @ W
    # symmetric normalization with self-loops (PyG GCNConv default)
    deg = jnp.zeros((num_nodes,), dtype=xw.dtype).at[dst].add(1.0)
    deg_inv_sqrt = jnp.where(deg > 0, jax.lax.rsqrt(jnp.maximum(deg, 1e-12)), 0.0)
    norm = deg_inv_sqrt[src] * deg_inv_sqrt[dst]
    msg = xw[src] * norm[:, None]
    out = jnp.zeros((num_nodes, xw.shape[1]), dtype=xw.dtype).at[dst].add(msg)
    return out + b


def reference(x, edge_index, W1, b1, W2, b2):
    num_nodes = x.shape[0]
    loop = jnp.arange(num_nodes, dtype=edge_index.dtype)
    src = jnp.concatenate([edge_index[0], loop])
    dst = jnp.concatenate([edge_index[1], loop])
    h = gcn_conv(x, src, dst, W1, b1, num_nodes)
    h = jax.nn.relu(h)
    h = gcn_conv(h, src, dst, W2, b2, num_nodes)
    return jax.nn.log_softmax(h, axis=1)

if __name__ == "__main__":
    import jax
    _d = setup_inputs()
    print(jax.jit(kernel)(*tuple(_d.values())))

</pallas_src>

<mosaic_0001>
#map = affine_map<(d0, d1) -> (0, 0)>
#map1 = affine_map<(d0, d1) -> (0, 0, 0)>
module attributes {stable_mosaic.version = 14 : i64} {
  func.func @scatter_kernel(%arg0: i32, %arg1: i32, %arg2: memref<10000x128xbf16, #tpu.memory_space<hbm>>, %arg3: memref<1280x128xi32, #tpu.memory_space<hbm>>, %arg4: memref<1280x128xi32, #tpu.memory_space<hbm>>, %arg5: memref<2x10240x128xbf16, #tpu.memory_space<hbm>>, %arg6: memref<56x128xi32, #tpu.memory_space<vmem>>, %arg7: memref<56x128xi32, #tpu.memory_space<vmem>>, %arg8: memref<512x128xbf16, #tpu.memory_space<vmem>>, %arg9: memref<10240x128xbf16, #tpu.memory_space<vmem_shared>>, %arg10: memref<!tpu.dma_semaphore, #tpu.memory_space<semaphore_mem>>, %arg11: memref<!tpu.dma_semaphore, #tpu.memory_space<semaphore_mem>>) attributes {dimension_semantics = [#tpu.dimension_semantics<core_parallel>, #tpu.dimension_semantics<subcore_parallel>], iteration_bounds = array<i64: 2, 16>, scalar_prefetch = 0 : i64, scratch_operands = 6 : i64, tpu.core_type = #tpu.core_type<sc_vector_subcore>, window_params = [{transform_indices = #map}, {transform_indices = #map}, {transform_indices = #map}, {transform_indices = #map1}]} {
    %broadcast_in_dim3A = arith.constant 0.000000e+00 : bf16
    %broadcast_in_dim3A_0 = vector.broadcast %broadcast_in_dim3A : bf16 to vector<32xbf16>
    %scan3A = arith.constant 0 : i32
    %scan3A_1 = arith.constant 512 : i32
    %scan3A_2 = arith.addi %scan3A, %scan3A_1 : i32
    %scan3A_3 = arith.constant 1 : i32
    scf.for %scan3A_23 = %scan3A to %scan3A_2 step %scan3A_3  : i32 {
      %swap3A = arith.index_cast %scan3A_23 : i32 to index
      %swap3A_24 = arith.constant 0 : index
      %swap3A_25 = tpu.vector_load %arg8[%swap3A, %swap3A_24] {strides = array<i32>} : memref<512x128xbf16, #tpu.memory_space<vmem>>, vector<1x32xbf16>,
      %swap3A_26 = vector.shape_cast %swap3A_25 : vector<1x32xbf16> to vector<32xbf16>
      %swap3A_27 = vector.shape_cast %broadcast_in_dim3A_0 : vector<32xbf16> to vector<1x32xbf16>
      tpu.vector_store %arg8[%swap3A, %swap3A_24], %swap3A_27 {strides = array<i32>} : memref<512x128xbf16, #tpu.memory_space<vmem>>, vector<1x32xbf16>,
      %swap3A_28 = arith.index_cast %scan3A_23 : i32 to index
      %swap3A_29 = arith.constant 32 : index
      %swap3A_30 = tpu.vector_load %arg8[%swap3A_28, %swap3A_29] {strides = array<i32>} : memref<512x128xbf16, #tpu.memory_space<vmem>>, vector<1x32xbf16>,
      %swap3A_31 = vector.shape_cast %swap3A_30 : vector<1x32xbf16> to vector<32xbf16>
      %swap3A_32 = vector.shape_cast %broadcast_in_dim3A_0 : vector<32xbf16> to vector<1x32xbf16>
      tpu.vector_store %arg8[%swap3A_28, %swap3A_29], %swap3A_32 {strides = array<i32>} : memref<512x128xbf16, #tpu.memory_space<vmem>>, vector<1x32xbf16>,
      %swap3A_33 = arith.index_cast %scan3A_23 : i32 to index
      %swap3A_34 = arith.constant 64 : index
      %swap3A_35 = tpu.vector_load %arg8[%swap3A_33, %swap3A_34] {strides = array<i32>} : memref<512x128xbf16, #tpu.memory_space<vmem>>, vector<1x32xbf16>,
      %swap3A_36 = vector.shape_cast %swap3A_35 : vector<1x32xbf16> to vector<32xbf16>
      %swap3A_37 = vector.shape_cast %broadcast_in_dim3A_0 : vector<32xbf16> to vector<1x32xbf16>
      tpu.vector_store %arg8[%swap3A_33, %swap3A_34], %swap3A_37 {strides = array<i32>} : memref<512x128xbf16, #tpu.memory_space<vmem>>, vector<1x32xbf16>,
      %swap3A_38 = arith.index_cast %scan3A_23 : i32 to index
      %swap3A_39 = arith.constant 96 : index
      %swap3A_40 = tpu.vector_load %arg8[%swap3A_38, %swap3A_39] {strides = array<i32>} : memref<512x128xbf16, #tpu.memory_space<vmem>>, vector<1x32xbf16>,
      %swap3A_41 = vector.shape_cast %swap3A_40 : vector<1x32xbf16> to vector<32xbf16>
      %swap3A_42 = vector.shape_cast %broadcast_in_dim3A_0 : vector<32xbf16> to vector<1x32xbf16>
      tpu.vector_store %arg8[%swap3A_38, %swap3A_39], %swap3A_42 {strides = array<i32>} : memref<512x128xbf16, #tpu.memory_space<vmem>>, vector<1x32xbf16>,
    }
    %scan3A_4 = arith.constant 512 : i32
    %mul3A = arith.constant 640 : i32
    %mul3A_5 = arith.muli %arg1, %mul3A : i32
    %add3A = arith.constant 0 : i32
    %add3A_6 = arith.addi %mul3A_5, %add3A : i32
    "tpu.region"() ({
      %run_scoped3A = tpu.sem_alloc : memref<!tpu.dma_semaphore, #tpu.memory_space<semaphore_mem>>
      %dma_start3A = arith.constant 0 : i32
      %dma_start3A_23 = arith.constant 0 : i32
      %dma_start3A_24 = tpu.memref_slice %arg8[%dma_start3A, %dma_start3A_23] : memref<512x128xbf16, #tpu.memory_space<vmem>> -> memref<512x128xbf16, #tpu.memory_space<vmem>>
      %dma_start3A_25 = arith.constant 0 : i32
      %dma_start3A_26 = tpu.memref_slice %arg9[%add3A_6, %dma_start3A_25] : memref<10240x128xbf16, #tpu.memory_space<vmem_shared>> -> memref<512x128xbf16, #tpu.memory_space<vmem_shared>>
      %dma_start3A_27 = arith.constant 0 : i32
      %dma_start3A_28 = tpu.memref_slice %arg9[%add3A_6, %dma_start3A_27] : memref<10240x128xbf16, #tpu.memory_space<vmem_shared>> -> memref<512x128xbf16, #tpu.memory_space<vmem_shared>>
      %dma_start3A_29 = arith.constant 0 : i32
      %dma_start3A_30 = arith.constant 0 : i32
      %dma_start3A_31 = tpu.memref_slice %arg8[%dma_start3A_29, %dma_start3A_30] : memref<512x128xbf16, #tpu.memory_space<vmem>> -> memref<512x128xbf16, #tpu.memory_space<vmem>>
      tpu.enqueue_dma source(%dma_start3A_31 : memref<512x128xbf16, #tpu.memory_space<vmem>>) target(%dma_start3A_28 : memref<512x128xbf16, #tpu.memory_space<vmem_shared>>) target_semaphore(%run_scoped3A : memref<!tpu.dma_semaphore, #tpu.memory_space<semaphore_mem>>)
      %dma_wait3A = arith.constant 0 : i32
      %dma_wait3A_32 = arith.constant 0 : i32
      %dma_wait3A_33 = tpu.memref_slice %arg8[%dma_wait3A, %dma_wait3A_32] : memref<512x128xbf16, #tpu.memory_space<vmem>> -> memref<512x128xbf16, #tpu.memory_space<vmem>>
      %dma_wait3A_34 = arith.constant 0 : i32
      %dma_wait3A_35 = tpu.memref_slice %arg9[%add3A_6, %dma_wait3A_34] : memref<10240x128xbf16, #tpu.memory_space<vmem_shared>> -> memref<512x128xbf16, #tpu.memory_space<vmem_shared>>
      %dma_wait3A_36 = arith.constant 0 : i32
      %dma_wait3A_37 = tpu.memref_slice %arg9[%add3A_6, %dma_wait3A_36] : memref<10240x128xbf16, #tpu.memory_space<vmem_shared>> -> memref<512x128xbf16, #tpu.memory_space<vmem_shared>>
      %dma_wait3A_38 = arith.constant 0 : i32
      %dma_wait3A_39 = arith.constant 0 : i32
      %dma_wait3A_40 = tpu.memref_slice %arg8[%dma_wait3A_38, %dma_wait3A_39] : memref<512x128xbf16, #tpu.memory_space<vmem>> -> memref<512x128xbf16, #tpu.memory_space<vmem>>
      tpu.wait_dma2 semaphore(%run_scoped3A : memref<!tpu.dma_semaphore, #tpu.memory_space<semaphore_mem>>) src(%dma_wait3A_40 : memref<512x128xbf16, #tpu.memory_space<vmem>>) dst(%dma_wait3A_37 : memref<512x128xbf16, #tpu.memory_space<vmem_shared>>)
      tpu.yield
    }) : () -> ()
    %mul3A_7 = arith.constant 640 : i32
    %mul3A_8 = arith.muli %arg1, %mul3A_7 : i32
    %add3A_9 = arith.constant 512 : i32
    %add3A_10 = arith.addi %mul3A_8, %add3A_9 : i32
    "tpu.region"() ({
      %run_scoped3A = tpu.sem_alloc : memref<!tpu.dma_semaphore, #tpu.memory_space<semaphore_mem>>
      %dma_start3A = arith.constant 0 : i32
      %dma_start3A_23 = arith.constant 0 : i32
      %dma_start3A_24 = tpu.memref_slice %arg8[%dma_start3A, %dma_start3A_23] : memref<512x128xbf16, #tpu.memory_space<vmem>> -> memref<128x128xbf16, #tpu.memory_space<vmem>>
      %dma_start3A_25 = arith.constant 0 : i32
      %dma_start3A_26 = tpu.memref_slice %arg9[%add3A_10, %dma_start3A_25] : memref<10240x128xbf16, #tpu.memory_space<vmem_shared>> -> memref<128x128xbf16, #tpu.memory_space<vmem_shared>>
      %dma_start3A_27 = arith.constant 0 : i32
      %dma_start3A_28 = tpu.memref_slice %arg9[%add3A_10, %dma_start3A_27] : memref<10240x128xbf16, #tpu.memory_space<vmem_shared>> -> memref<128x128xbf16, #tpu.memory_space<vmem_shared>>
      %dma_start3A_29 = arith.constant 0 : i32
      %dma_start3A_30 = arith.constant 0 : i32
      %dma_start3A_31 = tpu.memref_slice %arg8[%dma_start3A_29, %dma_start3A_30] : memref<512x128xbf16, #tpu.memory_space<vmem>> -> memref<128x128xbf16, #tpu.memory_space<vmem>>
      tpu.enqueue_dma source(%dma_start3A_31 : memref<128x128xbf16, #tpu.memory_space<vmem>>) target(%dma_start3A_28 : memref<128x128xbf16, #tpu.memory_space<vmem_shared>>) target_semaphore(%run_scoped3A : memref<!tpu.dma_semaphore, #tpu.memory_space<semaphore_mem>>)
      %dma_wait3A = arith.constant 0 : i32
      %dma_wait3A_32 = arith.constant 0 : i32
      %dma_wait3A_33 = tpu.memref_slice %arg8[%dma_wait3A, %dma_wait3A_32] : memref<512x128xbf16, #tpu.memory_space<vmem>> -> memref<128x128xbf16, #tpu.memory_space<vmem>>
      %dma_wait3A_34 = arith.constant 0 : i32
      %dma_wait3A_35 = tpu.memref_slice %arg9[%add3A_10, %dma_wait3A_34] : memref<10240x128xbf16, #tpu.memory_space<vmem_shared>> -> memref<128x128xbf16, #tpu.memory_space<vmem_shared>>
      %dma_wait3A_36 = arith.constant 0 : i32
      %dma_wait3A_37 = tpu.memref_slice %arg9[%add3A_10, %dma_wait3A_36] : memref<10240x128xbf16, #tpu.memory_space<vmem_shared>> -> memref<128x128xbf16, #tpu.memory_space<vmem_shared>>
      %dma_wait3A_38 = arith.constant 0 : i32
      %dma_wait3A_39 = arith.constant 0 : i32
      %dma_wait3A_40 = tpu.memref_slice %arg8[%dma_wait3A_38, %dma_wait3A_39] : memref<512x128xbf16, #tpu.memory_space<vmem>> -> memref<128x128xbf16, #tpu.memory_space<vmem>>
      tpu.wait_dma2 semaphore(%run_scoped3A : memref<!tpu.dma_semaphore, #tpu.memory_space<semaphore_mem>>) src(%dma_wait3A_40 : memref<128x128xbf16, #tpu.memory_space<vmem>>) dst(%dma_wait3A_37 : memref<128x128xbf16, #tpu.memory_space<vmem_shared>>)
      tpu.yield
    }) : () -> ()
    %barrier3A = arith.constant 0 : index
    tpu.barrier barrier_id(%barrier3A)
    %eq3A = arith.constant 0 : i32
    %eq3A_11 = arith.cmpi eq, %arg0, %eq3A : i32
    %convert_element_type3A = arith.extui %eq3A_11 : i1 to i32
    %cond3A = arith.constant 0 : i32
    %cond3A_12 = arith.cmpi ne, %convert_element_type3A, %cond3A : i32
    scf.if %cond3A_12 {
      %mul3A_23 = arith.constant 56 : i32
      %mul3A_24 = arith.muli %arg1, %mul3A_23 : i32
      "tpu.region"() ({
        %run_scoped3A = tpu.sem_alloc : memref<!tpu.dma_semaphore, #tpu.memory_space<semaphore_mem>>
        %dma_start3A_49 = arith.constant 0 : i32
        %dma_start3A_50 = arith.constant 0 : i32
        %dma_start3A_51 = tpu.memref_slice %arg6[%dma_start3A_49, %dma_start3A_50] : memref<56x128xi32, #tpu.memory_space<vmem>> -> memref<56x128xi32, #tpu.memory_space<vmem>>
        %dma_start3A_52 = arith.constant 0 : i32
        %dma_start3A_53 = tpu.memref_slice %arg3[%mul3A_24, %dma_start3A_52] : memref<1280x128xi32, #tpu.memory_space<hbm>> -> memref<56x128xi32, #tpu.memory_space<hbm>>
        %dma_start3A_54 = arith.constant 0 : i32
        %dma_start3A_55 = arith.constant 0 : i32
        %dma_start3A_56 = tpu.memref_slice %arg6[%dma_start3A_54, %dma_start3A_55] : memref<56x128xi32, #tpu.memory_space<vmem>> -> memref<56x128xi32, #tpu.memory_space<vmem>>
        %dma_start3A_57 = arith.constant 0 : i32
        %dma_start3A_58 = tpu.memref_slice %arg3[%mul3A_24, %dma_start3A_57] : memref<1280x128xi32, #tpu.memory_space<hbm>> -> memref<56x128xi32, #tpu.memory_space<hbm>>
        tpu.enqueue_dma source(%dma_start3A_58 : memref<56x128xi32, #tpu.memory_space<hbm>>) target(%dma_start3A_56 : memref<56x128xi32, #tpu.memory_space<vmem>>) target_semaphore(%run_scoped3A : memref<!tpu.dma_semaphore, #tpu.memory_space<semaphore_mem>>)
        %dma_wait3A = arith.constant 0 : i32
        %dma_wait3A_59 = arith.constant 0 : i32
        %dma_wait3A_60 = tpu.memref_slice %arg6[%dma_wait3A, %dma_wait3A_59] : memref<56x128xi32, #tpu.memory_space<vmem>> -> memref<56x128xi32, #tpu.memory_space<vmem>>
        %dma_wait3A_61 = arith.constant 0 : i32
        %dma_wait3A_62 = tpu.memref_slice %arg3[%mul3A_24, %dma_wait3A_61] : memref<1280x128xi32, #tpu.memory_space<hbm>> -> memref<56x128xi32, #tpu.memory_space<hbm>>
        %dma_wait3A_63 = arith.constant 0 : i32
        %dma_wait3A_64 = arith.constant 0 : i32
        %dma_wait3A_65 = tpu.memref_slice %arg6[%dma_wait3A_63, %dma_wait3A_64] : memref<56x128xi32, #tpu.memory_space<vmem>> -> memref<56x128xi32, #tpu.memory_space<vmem>>
        %dma_wait3A_66 = arith.constant 0 : i32
        %dma_wait3A_67 = tpu.memref_slice %arg3[%mul3A_24, %dma_wait3A_66] : memref<1280x128xi32, #tpu.memory_space<hbm>> -> memref<56x128xi32, #tpu.memory_space<hbm>>
        tpu.wait_dma2 semaphore(%run_scoped3A : memref<!tpu.dma_semaphore, #tpu.memory_space<semaphore_mem>>) src(%dma_wait3A_67 : memref<56x128xi32, #tpu.memory_space<hbm>>) dst(%dma_wait3A_65 : memref<56x128xi32, #tpu.memory_space<vmem>>)
        tpu.yield
      }) : () -> ()
      "tpu.region"() ({
        %run_scoped3A = tpu.sem_alloc : memref<!tpu.dma_semaphore, #tpu.memory_space<semaphore_mem>>
        %dma_start3A_49 = arith.constant 0 : i32
        %dma_start3A_50 = arith.constant 0 : i32
        %dma_start3A_51 = tpu.memref_slice %arg7[%dma_start3A_49, %dma_start3A_50] : memref<56x128xi32, #tpu.memory_space<vmem>> -> memref<56x128xi32, #tpu.memory_space<vmem>>
        %dma_start3A_52 = arith.constant 0 : i32
        %dma_start3A_53 = tpu.memref_slice %arg4[%mul3A_24, %dma_start3A_52] : memref<1280x128xi32, #tpu.memory_space<hbm>> -> memref<56x128xi32, #tpu.memory_space<hbm>>
        %dma_start3A_54 = arith.constant 0 : i32
        %dma_start3A_55 = arith.constant 0 : i32
        %dma_start3A_56 = tpu.memref_slice %arg7[%dma_start3A_54, %dma_start3A_55] : memref<56x128xi32, #tpu.memory_space<vmem>> -> memref<56x128xi32, #tpu.memory_space<vmem>>
        %dma_start3A_57 = arith.constant 0 : i32
        %dma_start3A_58 = tpu.memref_slice %arg4[%mul3A_24, %dma_start3A_57] : memref<1280x128xi32, #tpu.memory_space<hbm>> -> memref<56x128xi32, #tpu.memory_space<hbm>>
        tpu.enqueue_dma source(%dma_start3A_58 : memref<56x128xi32, #tpu.memory_space<hbm>>) target(%dma_start3A_56 : memref<56x128xi32, #tpu.memory_space<vmem>>) target_semaphore(%run_scoped3A : memref<!tpu.dma_semaphore, #tpu.memory_space<semaphore_mem>>)
        %dma_wait3A = arith.constant 0 : i32
        %dma_wait3A_59 = arith.constant 0 : i32
        %dma_wait3A_60 = tpu.memref_slice %arg7[%dma_wait3A, %dma_wait3A_59] : memref<56x128xi32, #tpu.memory_space<vmem>> -> memref<56x128xi32, #tpu.memory_space<vmem>>
        %dma_wait3A_61 = arith.constant 0 : i32
        %dma_wait3A_62 = tpu.memref_slice %arg4[%mul3A_24, %dma_wait3A_61] : memref<1280x128xi32, #tpu.memory_space<hbm>> -> memref<56x128xi32, #tpu.memory_space<hbm>>
        %dma_wait3A_63 = arith.constant 0 : i32
        %dma_wait3A_64 = arith.constant 0 : i32
        %dma_wait3A_65 = tpu.memref_slice %arg7[%dma_wait3A_63, %dma_wait3A_64] : memref<56x128xi32, #tpu.memory_space<vmem>> -> memref<56x128xi32, #tpu.memory_space<vmem>>
        %dma_wait3A_66 = arith.constant 0 : i32
        %dma_wait3A_67 = tpu.memref_slice %arg4[%mul3A_24, %dma_wait3A_66] : memref<1280x128xi32, #tpu.memory_space<hbm>> -> memref<56x128xi32, #tpu.memory_space<hbm>>
        tpu.wait_dma2 semaphore(%run_scoped3A : memref<!tpu.dma_semaphore, #tpu.memory_space<semaphore_mem>>) src(%dma_wait3A_67 : memref<56x128xi32, #tpu.memory_space<hbm>>) dst(%dma_wait3A_65 : memref<56x128xi32, #tpu.memory_space<vmem>>)
        tpu.yield
      }) : () -> ()
      %dma_start3A = arith.constant 0 : i32
      %dma_start3A_25 = arith.constant 0 : i32
      %dma_start3A_26 = arith.constant 0 : i32
      %dma_start3A_27 = tpu.memref_slice %arg8[%dma_start3A_25, %dma_start3A_26] : memref<512x128xbf16, #tpu.memory_space<vmem>> -> memref<128x128xbf16, #tpu.memory_space<vmem>>
      %dma_start3A_28 = arith.constant 0 : i32
      %dma_start3A_29 = tpu.memref_slice %arg6[%dma_start3A, %dma_start3A_28] : memref<56x128xi32, #tpu.memory_space<vmem>> -> memref<1x128xi32, #tpu.memory_space<vmem>>
      %dma_start3A_30 = tpu.memref_squeeze %dma_start3A_29 : memref<1x128xi32, #tpu.memory_space<vmem>> -> memref<128xi32, #tpu.memory_space<vmem>>
      %dma_start3A_31 = arith.constant 0 : i32
      %dma_start3A_32 = arith.constant 0 : i32
      %dma_start3A_33 = tpu.memref_slice %arg2[%dma_start3A_31, %dma_start3A_32] : memref<10000x128xbf16, #tpu.memory_space<hbm>> -> memref<10000x128xbf16, #tpu.memory_space<hbm>>
      tpu.enqueue_indirect_dma source(%dma_start3A_33 : memref<10000x128xbf16, #tpu.memory_space<hbm>>) target(%dma_start3A_27 : memref<128x128xbf16, #tpu.memory_space<vmem>>) offsets(%dma_start3A_30 : memref<128xi32, #tpu.memory_space<vmem>>) semaphore(%arg10 : memref<!tpu.dma_semaphore, #tpu.memory_space<semaphore_mem>>)
      %dma_start3A_34 = arith.constant 1 : i32
      %dma_start3A_35 = arith.constant 128 : i32
      %dma_start3A_36 = arith.constant 0 : i32
      %dma_start3A_37 = tpu.memref_slice %arg8[%dma_start3A_35, %dma_start3A_36] : memref<512x128xbf16, #tpu.memory_space<vmem>> -> memref<128x128xbf16, #tpu.memory_space<vmem>>
      %dma_start3A_38 = arith.constant 0 : i32
      %dma_start3A_39 = tpu.memref_slice %arg6[%dma_start3A_34, %dma_start3A_38] : memref<56x128xi32, #tpu.memory_space<vmem>> -> memref<1x128xi32, #tpu.memory_space<vmem>>
      %dma_start3A_40 = tpu.memref_squeeze %dma_start3A_39 : memref<1x128xi32, #tpu.memory_space<vmem>> -> memref<128xi32, #tpu.memory_space<vmem>>
      %dma_start3A_41 = arith.constant 0 : i32
      %dma_start3A_42 = arith.constant 0 : i32
      %dma_start3A_43 = tpu.memref_slice %arg2[%dma_start3A_41, %dma_start3A_42] : memref<10000x128xbf16, #tpu.memory_space<hbm>> -> memref<10000x128xbf16, #tpu.memory_space<hbm>>
      tpu.enqueue_indirect_dma source(%dma_start3A_43 : memref<10000x128xbf16, #tpu.memory_space<hbm>>) target(%dma_start3A_37 : memref<128x128xbf16, #tpu.memory_space<vmem>>) offsets(%dma_start3A_40 : memref<128xi32, #tpu.memory_space<vmem>>) semaphore(%arg10 : memref<!tpu.dma_semaphore, #tpu.memory_space<semaphore_mem>>)
      %scan3A_44 = arith.constant 0 : i32
      %scan3A_45 = arith.constant 14 : i32
      %scan3A_46 = arith.addi %scan3A_44, %scan3A_45 : i32
      %scan3A_47 = arith.constant 1 : i32
      scf.for %scan3A_49 = %scan3A_44 to %scan3A_46 step %scan3A_47  : i32 {
        %mul3A_50 = arith.constant 2 : i32
        %mul3A_51 = arith.muli %mul3A_50, %scan3A_49 : i32
        %add3A_52 = arith.constant 1 : i32
        %add3A_53 = arith.addi %mul3A_51, %add3A_52 : i32
        %mul3A_54 = arith.constant 2 : i32
        %mul3A_55 = arith.muli %add3A_53, %mul3A_54 : i32
        %add3A_56 = arith.constant 0 : i32
        %add3A_57 = arith.addi %mul3A_55, %add3A_56 : i32
        %dma_start3A_58 = arith.constant 256 : i32
        %dma_start3A_59 = arith.constant 0 : i32
        %dma_start3A_60 = tpu.memref_slice %arg8[%dma_start3A_58, %dma_start3A_59] : memref<512x128xbf16, #tpu.memory_space<vmem>> -> memref<128x128xbf16, #tpu.memory_space<vmem>>
        %dma_start3A_61 = arith.constant 0 : i32
        %dma_start3A_62 = tpu.memref_slice %arg6[%add3A_57, %dma_start3A_61] : memref<56x128xi32, #tpu.memory_space<vmem>> -> memref<1x128xi32, #tpu.memory_space<vmem>>
        %dma_start3A_63 = tpu.memref_squeeze %dma_start3A_62 : memref<1x128xi32, #tpu.memory_space<vmem>> -> memref<128xi32, #tpu.memory_space<vmem>>
        %dma_start3A_64 = arith.constant 0 : i32
        %dma_start3A_65 = arith.constant 0 : i32
        %dma_start3A_66 = tpu.memref_slice %arg2[%dma_start3A_64, %dma_start3A_65] : memref<10000x128xbf16, #tpu.memory_space<hbm>> -> memref<10000x128xbf16, #tpu.memory_space<hbm>>
        tpu.enqueue_indirect_dma source(%dma_start3A_66 : memref<10000x128xbf16, #tpu.memory_space<hbm>>) target(%dma_start3A_60 : memref<128x128xbf16, #tpu.memory_space<vmem>>) offsets(%dma_start3A_63 : memref<128xi32, #tpu.memory_space<vmem>>) semaphore(%arg11 : memref<!tpu.dma_semaphore, #tpu.memory_space<semaphore_mem>>)
        %add3A_67 = arith.constant 1 : i32
        %add3A_68 = arith.addi %mul3A_55, %add3A_67 : i32
        %dma_start3A_69 = arith.constant 384 : i32
        %dma_start3A_70 = arith.constant 0 : i32
        %dma_start3A_71 = tpu.memref_slice %arg8[%dma_start3A_69, %dma_start3A_70] : memref<512x128xbf16, #tpu.memory_space<vmem>> -> memref<128x128xbf16, #tpu.memory_space<vmem>>
        %dma_start3A_72 = arith.constant 0 : i32
        %dma_start3A_73 = tpu.memref_slice %arg6[%add3A_68, %dma_start3A_72] : memref<56x128xi32, #tpu.memory_space<vmem>> -> memref<1x128xi32, #tpu.memory_space<vmem>>
        %dma_start3A_74 = tpu.memref_squeeze %dma_start3A_73 : memref<1x128xi32, #tpu.memory_space<vmem>> -> memref<128xi32, #tpu.memory_space<vmem>>
        %dma_start3A_75 = arith.constant 0 : i32
        %dma_start3A_76 = arith.constant 0 : i32
        %dma_start3A_77 = tpu.memref_slice %arg2[%dma_start3A_75, %dma_start3A_76] : memref<10000x128xbf16, #tpu.memory_space<hbm>> -> memref<10000x128xbf16, #tpu.memory_space<hbm>>
        tpu.enqueue_indirect_dma source(%dma_start3A_77 : memref<10000x128xbf16, #tpu.memory_space<hbm>>) target(%dma_start3A_71 : memref<128x128xbf16, #tpu.memory_space<vmem>>) offsets(%dma_start3A_74 : memref<128xi32, #tpu.memory_space<vmem>>) semaphore(%arg11 : memref<!tpu.dma_semaphore, #tpu.memory_space<semaphore_mem>>)
        %dma_wait3A = arith.constant 0 : i32
        %dma_wait3A_78 = arith.constant 0 : i32
        %dma_wait3A_79 = arith.constant 0 : i32
        %dma_wait3A_80 = tpu.memref_slice %arg8[%dma_wait3A_78, %dma_wait3A_79] : memref<512x128xbf16, #tpu.memory_space<vmem>> -> memref<128x128xbf16, #tpu.memory_space<vmem>>
        %dma_wait3A_81 = arith.constant 0 : i32
        %dma_wait3A_82 = tpu.memref_slice %arg6[%dma_wait3A, %dma_wait3A_81] : memref<56x128xi32, #tpu.memory_space<vmem>> -> memref<1x128xi32, #tpu.memory_space<vmem>>
        %dma_wait3A_83 = tpu.memref_squeeze %dma_wait3A_82 : memref<1x128xi32, #tpu.memory_space<vmem>> -> memref<128xi32, #tpu.memory_space<vmem>>
        %dma_wait3A_84 = arith.constant 0 : i32
        %dma_wait3A_85 = arith.constant 0 : i32
        %dma_wait3A_86 = tpu.memref_slice %arg2[%dma_wait3A_84, %dma_wait3A_85] : memref<10000x128xbf16, #tpu.memory_space<hbm>> -> memref<10000x128xbf16, #tpu.memory_space<hbm>>
        tpu.wait_indirect_dma semaphore(%arg10 : memref<!tpu.dma_semaphore, #tpu.memory_space<semaphore_mem>>) src(%dma_wait3A_86 : memref<10000x128xbf16, #tpu.memory_space<hbm>>) dst(%dma_wait3A_80 : memref<128x128xbf16, #tpu.memory_space<vmem>>)
        %dma_wait3A_87 = arith.constant 0 : i32
        %dma_wait3A_88 = arith.constant 128 : i32
        %dma_wait3A_89 = arith.constant 0 : i32
        %dma_wait3A_90 = tpu.memref_slice %arg8[%dma_wait3A_88, %dma_wait3A_89] : memref<512x128xbf16, #tpu.memory_space<vmem>> -> memref<128x128xbf16, #tpu.memory_space<vmem>>
        %dma_wait3A_91 = arith.constant 0 : i32
        %dma_wait3A_92 = tpu.memref_slice %arg6[%dma_wait3A_87, %dma_wait3A_91] : memref<56x128xi32, #tpu.memory_space<vmem>> -> memref<1x128xi32, #tpu.memory_space<vmem>>
        %dma_wait3A_93 = tpu.memref_squeeze %dma_wait3A_92 : memref<1x128xi32, #tpu.memory_space<vmem>> -> memref<128xi32, #tpu.memory_space<vmem>>
        %dma_wait3A_94 = arith.constant 0 : i32
        %dma_wait3A_95 = arith.constant 0 : i32
        %dma_wait3A_96 = tpu.memref_slice %arg2[%dma_wait3A_94, %dma_wait3A_95] : memref<10000x128xbf16, #tpu.memory_space<hbm>> -> memref<10000x128xbf16, #tpu.memory_space<hbm>>
        tpu.wait_indirect_dma semaphore(%arg10 : memref<!tpu.dma_semaphore, #tpu.memory_space<semaphore_mem>>) src(%dma_wait3A_96 : memref<10000x128xbf16, #tpu.memory_space<hbm>>) dst(%dma_wait3A_90 : memref<128x128xbf16, #tpu.memory_space<vmem>>)
        %mul3A_97 = arith.constant 2 : i32
        %mul3A_98 = arith.muli %mul3A_97, %scan3A_49 : i32
        %mul3A_99 = arith.constant 2 : i32
        %mul3A_100 = arith.muli %mul3A_98, %mul3A_99 : i32
        %add3A_101 = arith.constant 0 : i32
        %add3A_102 = arith.addi %mul3A_100, %add3A_101 : i32
        "tpu.region"() ({
          %run_scoped3A = tpu.sem_alloc : memref<!tpu.dma_semaphore, #tpu.memory_space<semaphore_mem>>
          %dma_start3A_139 = arith.constant 0 : i32
          %dma_start3A_140 = arith.constant 0 : i32
          %dma_start3A_141 = tpu.memref_slice %arg8[%dma_start3A_139, %dma_start3A_140] : memref<512x128xbf16, #tpu.memory_space<vmem>> -> memref<128x128xbf16, #tpu.memory_space<vmem>>
          %dma_start3A_142 = arith.constant 0 : i32
          %dma_start3A_143 = tpu.memref_slice %arg7[%add3A_102, %dma_start3A_142] : memref<56x128xi32, #tpu.memory_space<vmem>> -> memref<1x128xi32, #tpu.memory_space<vmem>>
          %dma_start3A_144 = tpu.memref_squeeze %dma_start3A_143 : memref<1x128xi32, #tpu.memory_space<vmem>> -> memref<128xi32, #tpu.memory_space<vmem>>
          %dma_start3A_145 = arith.constant 0 : i32
          %dma_start3A_146 = arith.constant 0 : i32
          %dma_start3A_147 = tpu.memref_slice %arg9[%dma_start3A_145, %dma_start3A_146] : memref<10240x128xbf16, #tpu.memory_space<vmem_shared>> -> memref<10240x128xbf16, #tpu.memory_space<vmem_shared>>
          tpu.enqueue_indirect_dma source(%dma_start3A_141 : memref<128x128xbf16, #tpu.memory_space<vmem>>) target(%dma_start3A_147 : memref<10240x128xbf16, #tpu.memory_space<vmem_shared>>) offsets(%dma_start3A_144 : memref<128xi32, #tpu.memory_space<vmem>>) semaphore(%run_scoped3A : memref<!tpu.dma_semaphore, #tpu.memory_space<semaphore_mem>>) {add = true}
          %dma_wait3A_148 = arith.constant 0 : i32
          %dma_wait3A_149 = arith.constant 0 : i32
          %dma_wait3A_150 = tpu.memref_slice %arg8[%dma_wait3A_148, %dma_wait3A_149] : memref<512x128xbf16, #tpu.memory_space<vmem>> -> memref<128x128xbf16, #tpu.memory_space<vmem>>
          %dma_wait3A_151 = arith.constant 0 : i32
          %dma_wait3A_152 = tpu.memref_slice %arg7[%add3A_102, %dma_wait3A_151] : memref<56x128xi32, #tpu.memory_space<vmem>> -> memref<1x128xi32, #tpu.memory_space<vmem>>
          %dma_wait3A_153 = tpu.memref_squeeze %dma_wait3A_152 : memref<1x128xi32, #tpu.memory_space<vmem>> -> memref<128xi32, #tpu.memory_space<vmem>>
          %dma_wait3A_154 = arith.constant 0 : i32
          %dma_wait3A_155 = arith.constant 0 : i32
          %dma_wait3A_156 = tpu.memref_slice %arg9[%dma_wait3A_154, %dma_wait3A_155] : memref<10240x128xbf16, #tpu.memory_space<vmem_shared>> -> memref<10240x128xbf16, #tpu.memory_space<vmem_shared>>
          tpu.wait_indirect_dma semaphore(%run_scoped3A : memref<!tpu.dma_semaphore, #tpu.memory_space<semaphore_mem>>) src(%dma_wait3A_150 : memref<128x128xbf16, #tpu.memory_space<vmem>>) dst(%dma_wait3A_156 : memref<10240x128xbf16, #tpu.memory_space<vmem_shared>>)
          tpu.yield
        }) : () -> ()
        %add3A_103 = arith.constant 1 : i32
        %add3A_104 = arith.addi %mul3A_100, %add3A_103 : i32
        "tpu.region"() ({
          %run_scoped3A = tpu.sem_alloc : memref<!tpu.dma_semaphore, #tpu.memory_space<semaphore_mem>>
          %dma_start3A_139 = arith.constant 128 : i32
          %dma_start3A_140 = arith.constant 0 : i32
          %dma_start3A_141 = tpu.memref_slice %arg8[%dma_start3A_139, %dma_start3A_140] : memref<512x128xbf16, #tpu.memory_space<vmem>> -> memref<128x128xbf16, #tpu.memory_space<vmem>>
          %dma_start3A_142 = arith.constant 0 : i32
          %dma_start3A_143 = tpu.memref_slice %arg7[%add3A_104, %dma_start3A_142] : memref<56x128xi32, #tpu.memory_space<vmem>> -> memref<1x128xi32, #tpu.memory_space<vmem>>
          %dma_start3A_144 = tpu.memref_squeeze %dma_start3A_143 : memref<1x128xi32, #tpu.memory_space<vmem>> -> memref<128xi32, #tpu.memory_space<vmem>>
          %dma_start3A_145 = arith.constant 0 : i32
          %dma_start3A_146 = arith.constant 0 : i32
          %dma_start3A_147 = tpu.memref_slice %arg9[%dma_start3A_145, %dma_start3A_146] : memref<10240x128xbf16, #tpu.memory_space<vmem_shared>> -> memref<10240x128xbf16, #tpu.memory_space<vmem_shared>>
          tpu.enqueue_indirect_dma source(%dma_start3A_141 : memref<128x128xbf16, #tpu.memory_space<vmem>>) target(%dma_start3A_147 : memref<10240x128xbf16, #tpu.memory_space<vmem_shared>>) offsets(%dma_start3A_144 : memref<128xi32, #tpu.memory_space<vmem>>) semaphore(%run_scoped3A : memref<!tpu.dma_semaphore, #tpu.memory_space<semaphore_mem>>) {add = true}
          %dma_wait3A_148 = arith.constant 128 : i32
          %dma_wait3A_149 = arith.constant 0 : i32
          %dma_wait3A_150 = tpu.memref_slice %arg8[%dma_wait3A_148, %dma_wait3A_149] : memref<512x128xbf16, #tpu.memory_space<vmem>> -> memref<128x128xbf16, #tpu.memory_space<vmem>>
          %dma_wait3A_151 = arith.constant 0 : i32
          %dma_wait3A_152 = tpu.memref_slice %arg7[%add3A_104, %dma_wait3A_151] : memref<56x128xi32, #tpu.memory_space<vmem>> -> memref<1x128xi32, #tpu.memory_space<vmem>>
          %dma_wait3A_153 = tpu.memref_squeeze %dma_wait3A_152 : memref<1x128xi32, #tpu.memory_space<vmem>> -> memref<128xi32, #tpu.memory_space<vmem>>
          %dma_wait3A_154 = arith.constant 0 : i32
          %dma_wait3A_155 = arith.constant 0 : i32
          %dma_wait3A_156 = tpu.memref_slice %arg9[%dma_wait3A_154, %dma_wait3A_155] : memref<10240x128xbf16, #tpu.memory_space<vmem_shared>> -> memref<10240x128xbf16, #tpu.memory_space<vmem_shared>>
          tpu.wait_indirect_dma semaphore(%run_scoped3A : memref<!tpu.dma_semaphore, #tpu.memory_space<semaphore_mem>>) src(%dma_wait3A_150 : memref<128x128xbf16, #tpu.memory_space<vmem>>) dst(%dma_wait3A_156 : memref<10240x128xbf16, #tpu.memory_space<vmem_shared>>)
          tpu.yield
        }) : () -> ()
        %lt3A = arith.constant 13 : i32
        %lt3A_105 = arith.cmpi slt, %scan3A_49, %lt3A : i32
        %convert_element_type3A_106 = arith.extui %lt3A_105 : i1 to i32
        %cond3A_107 = arith.constant 0 : i32
        %cond3A_108 = arith.cmpi ne, %convert_element_type3A_106, %cond3A_107 : i32
        scf.if %cond3A_108 {
          %mul3A_139 = arith.constant 2 : i32
          %mul3A_140 = arith.muli %mul3A_139, %scan3A_49 : i32
          %add3A_141 = arith.constant 2 : i32
          %add3A_142 = arith.addi %mul3A_140, %add3A_141 : i32
          %mul3A_143 = arith.constant 2 : i32
          %mul3A_144 = arith.muli %add3A_142, %mul3A_143 : i32
          %add3A_145 = arith.constant 0 : i32
          %add3A_146 = arith.addi %mul3A_144, %add3A_145 : i32
          %dma_start3A_147 = arith.constant 0 : i32
          %dma_start3A_148 = arith.constant 0 : i32
          %dma_start3A_149 = tpu.memref_slice %arg8[%dma_start3A_147, %dma_start3A_148] : memref<512x128xbf16, #tpu.memory_space<vmem>> -> memref<128x128xbf16, #tpu.memory_space<vmem>>
          %dma_start3A_150 = arith.constant 0 : i32
          %dma_start3A_151 = tpu.memref_slice %arg6[%add3A_146, %dma_start3A_150] : memref<56x128xi32, #tpu.memory_space<vmem>> -> memref<1x128xi32, #tpu.memory_space<vmem>>
          %dma_start3A_152 = tpu.memref_squeeze %dma_start3A_151 : memref<1x128xi32, #tpu.memory_space<vmem>> -> memref<128xi32, #tpu.memory_space<vmem>>
          %dma_start3A_153 = arith.constant 0 : i32
          %dma_start3A_154 = arith.constant 0 : i32
          %dma_start3A_155 = tpu.memref_slice %arg2[%dma_start3A_153, %dma_start3A_154] : memref<10000x128xbf16, #tpu.memory_space<hbm>> -> memref<10000x128xbf16, #tpu.memory_space<hbm>>
          tpu.enqueue_indirect_dma source(%dma_start3A_155 : memref<10000x128xbf16, #tpu.memory_space<hbm>>) target(%dma_start3A_149 : memref<128x128xbf16, #tpu.memory_space<vmem>>) offsets(%dma_start3A_152 : memref<128xi32, #tpu.memory_space<vmem>>) semaphore(%arg10 : memref<!tpu.dma_semaphore, #tpu.memory_space<semaphore_mem>>)
          %add3A_156 = arith.constant 1 : i32
          %add3A_157 = arith.addi %mul3A_144, %add3A_156 : i32
          %dma_start3A_158 = arith.constant 128 : i32
          %dma_start3A_159 = arith.constant 0 : i32
          %dma_start3A_160 = tpu.memref_slice %arg8[%dma_start3A_158, %dma_start3A_159] : memref<512x128xbf16, #tpu.memory_space<vmem>> -> memref<128x128xbf16, #tpu.memory_space<vmem>>
          %dma_start3A_161 = arith.constant 0 : i32
          %dma_start3A_162 = tpu.memref_slice %arg6[%add3A_157, %dma_start3A_161] : memref<56x128xi32, #tpu.memory_space<vmem>> -> memref<1x128xi32, #tpu.memory_space<vmem>>
          %dma_start3A_163 = tpu.memref_squeeze %dma_start3A_162 : memref<1x128xi32, #tpu.memory_space<vmem>> -> memref<128xi32, #tpu.memory_space<vmem>>
          %dma_start3A_164 = arith.constant 0 : i32
          %dma_start3A_165 = arith.constant 0 : i32
          %dma_start3A_166 = tpu.memref_slice %arg2[%dma_start3A_164, %dma_start3A_165] : memref<10000x128xbf16, #tpu.memory_space<hbm>> -> memref<10000x128xbf16, #tpu.memory_space<hbm>>
          tpu.enqueue_indirect_dma source(%dma_start3A_166 : memref<10000x128xbf16, #tpu.memory_space<hbm>>) target(%dma_start3A_160 : memref<128x128xbf16, #tpu.memory_space<vmem>>) offsets(%dma_start3A_163 : memref<128xi32, #tpu.memory_space<vmem>>) semaphore(%arg10 : memref<!tpu.dma_semaphore, #tpu.memory_space<semaphore_mem>>)
        } else {
        }
        %dma_wait3A_109 = arith.constant 0 : i32
        %dma_wait3A_110 = arith.constant 256 : i32
        %dma_wait3A_111 = arith.constant 0 : i32
        %dma_wait3A_112 = tpu.memref_slice %arg8[%dma_wait3A_110, %dma_wait3A_111] : memref<512x128xbf16, #tpu.memory_space<vmem>> -> memref<128x128xbf16, #tpu.memory_space<vmem>>
        %dma_wait3A_113 = arith.constant 0 : i32
        %dma_wait3A_114 = tpu.memref_slice %arg6[%dma_wait3A_109, %dma_wait3A_113] : memref<56x128xi32, #tpu.memory_space<vmem>> -> memref<1x128xi32, #tpu.memory_space<vmem>>
        %dma_wait3A_115 = tpu.memref_squeeze %dma_wait3A_114 : memref<1x128xi32, #tpu.memory_space<vmem>> -> memref<128xi32, #tpu.memory_space<vmem>>
        %dma_wait3A_116 = arith.constant 0 : i32
        %dma_wait3A_117 = arith.constant 0 : i32
        %dma_wait3A_118 = tpu.memref_slice %arg2[%dma_wait3A_116, %dma_wait3A_117] : memref<10000x128xbf16, #tpu.memory_space<hbm>> -> memref<10000x128xbf16, #tpu.memory_space<hbm>>
        tpu.wait_indirect_dma semaphore(%arg11 : memref<!tpu.dma_semaphore, #tpu.memory_space<semaphore_mem>>) src(%dma_wait3A_118 : memref<10000x128xbf16, #tpu.memory_space<hbm>>) dst(%dma_wait3A_112 : memref<128x128xbf16, #tpu.memory_space<vmem>>)
        %dma_wait3A_119 = arith.constant 0 : i32
        %dma_wait3A_120 = arith.constant 384 : i32
        %dma_wait3A_121 = arith.constant 0 : i32
        %dma_wait3A_122 = tpu.memref_slice %arg8[%dma_wait3A_120, %dma_wait3A_121] : memref<512x128xbf16, #tpu.memory_space<vmem>> -> memref<128x128xbf16, #tpu.memory_space<vmem>>
        %dma_wait3A_123 = arith.constant 0 : i32
        %dma_wait3A_124 = tpu.memref_slice %arg6[%dma_wait3A_119, %dma_wait3A_123] : memref<56x128xi32, #tpu.memory_space<vmem>> -> memref<1x128xi32, #tpu.memory_space<vmem>>
        %dma_wait3A_125 = tpu.memref_squeeze %dma_wait3A_124 : memref<1x128xi32, #tpu.memory_space<vmem>> -> memref<128xi32, #tpu.memory_space<vmem>>
        %dma_wait3A_126 = arith.constant 0 : i32
        %dma_wait3A_127 = arith.constant 0 : i32
        %dma_wait3A_128 = tpu.memref_slice %arg2[%dma_wait3A_126, %dma_wait3A_127] : memref<10000x128xbf16, #tpu.memory_space<hbm>> -> memref<10000x128xbf16, #tpu.memory_space<hbm>>
        tpu.wait_indirect_dma semaphore(%arg11 : memref<!tpu.dma_semaphore, #tpu.memory_space<semaphore_mem>>) src(%dma_wait3A_128 : memref<10000x128xbf16, #tpu.memory_space<hbm>>) dst(%dma_wait3A_122 : memref<128x128xbf16, #tpu.memory_space<vmem>>)
        %mul3A_129 = arith.constant 2 : i32
        %mul3A_130 = arith.muli %mul3A_129, %scan3A_49 : i32
        %add3A_131 = arith.constant 1 : i32
        %add3A_132 = arith.addi %mul3A_130, %add3A_131 : i32
        %mul3A_133 = arith.constant 2 : i32
        %mul3A_134 = arith.muli %add3A_132, %mul3A_133 : i32
        %add3A_135 = arith.constant 0 : i32
        %add3A_136 = arith.addi %mul3A_134, %add3A_135 : i32
        "tpu.region"() ({
          %run_scoped3A = tpu.sem_alloc : memref<!tpu.dma_semaphore, #tpu.memory_space<semaphore_mem>>
          %dma_start3A_139 = arith.constant 256 : i32
          %dma_start3A_140 = arith.constant 0 : i32
          %dma_start3A_141 = tpu.memref_slice %arg8[%dma_start3A_139, %dma_start3A_140] : memref<512x128xbf16, #tpu.memory_space<vmem>> -> memref<128x128xbf16, #tpu.memory_space<vmem>>
          %dma_start3A_142 = arith.constant 0 : i32
          %dma_start3A_143 = tpu.memref_slice %arg7[%add3A_136, %dma_start3A_142] : memref<56x128xi32, #tpu.memory_space<vmem>> -> memref<1x128xi32, #tpu.memory_space<vmem>>
          %dma_start3A_144 = tpu.memref_squeeze %dma_start3A_143 : memref<1x128xi32, #tpu.memory_space<vmem>> -> memref<128xi32, #tpu.memory_space<vmem>>
          %dma_start3A_145 = arith.constant 0 : i32
          %dma_start3A_146 = arith.constant 0 : i32
          %dma_start3A_147 = tpu.memref_slice %arg9[%dma_start3A_145, %dma_start3A_146] : memref<10240x128xbf16, #tpu.memory_space<vmem_shared>> -> memref<10240x128xbf16, #tpu.memory_space<vmem_shared>>
          tpu.enqueue_indirect_dma source(%dma_start3A_141 : memref<128x128xbf16, #tpu.memory_space<vmem>>) target(%dma_start3A_147 : memref<10240x128xbf16, #tpu.memory_space<vmem_shared>>) offsets(%dma_start3A_144 : memref<128xi32, #tpu.memory_space<vmem>>) semaphore(%run_scoped3A : memref<!tpu.dma_semaphore, #tpu.memory_space<semaphore_mem>>) {add = true}
          %dma_wait3A_148 = arith.constant 256 : i32
          %dma_wait3A_149 = arith.constant 0 : i32
          %dma_wait3A_150 = tpu.memref_slice %arg8[%dma_wait3A_148, %dma_wait3A_149] : memref<512x128xbf16, #tpu.memory_space<vmem>> -> memref<128x128xbf16, #tpu.memory_space<vmem>>
          %dma_wait3A_151 = arith.constant 0 : i32
          %dma_wait3A_152 = tpu.memref_slice %arg7[%add3A_136, %dma_wait3A_151] : memref<56x128xi32, #tpu.memory_space<vmem>> -> memref<1x128xi32, #tpu.memory_space<vmem>>
          %dma_wait3A_153 = tpu.memref_squeeze %dma_wait3A_152 : memref<1x128xi32, #tpu.memory_space<vmem>> -> memref<128xi32, #tpu.memory_space<vmem>>
          %dma_wait3A_154 = arith.constant 0 : i32
          %dma_wait3A_155 = arith.constant 0 : i32
          %dma_wait3A_156 = tpu.memref_slice %arg9[%dma_wait3A_154, %dma_wait3A_155] : memref<10240x128xbf16, #tpu.memory_space<vmem_shared>> -> memref<10240x128xbf16, #tpu.memory_space<vmem_shared>>
          tpu.wait_indirect_dma semaphore(%run_scoped3A : memref<!tpu.dma_semaphore, #tpu.memory_space<semaphore_mem>>) src(%dma_wait3A_150 : memref<128x128xbf16, #tpu.memory_space<vmem>>) dst(%dma_wait3A_156 : memref<10240x128xbf16, #tpu.memory_space<vmem_shared>>)
          tpu.yield
        }) : () -> ()
        %add3A_137 = arith.constant 1 : i32
        %add3A_138 = arith.addi %mul3A_134, %add3A_137 : i32
        "tpu.region"() ({
          %run_scoped3A = tpu.sem_alloc : memref<!tpu.dma_semaphore, #tpu.memory_space<semaphore_mem>>
          %dma_start3A_139 = arith.constant 384 : i32
          %dma_start3A_140 = arith.constant 0 : i32
          %dma_start3A_141 = tpu.memref_slice %arg8[%dma_start3A_139, %dma_start3A_140] : memref<512x128xbf16, #tpu.memory_space<vmem>> -> memref<128x128xbf16, #tpu.memory_space<vmem>>
          %dma_start3A_142 = arith.constant 0 : i32
          %dma_start3A_143 = tpu.memref_slice %arg7[%add3A_138, %dma_start3A_142] : memref<56x128xi32, #tpu.memory_space<vmem>> -> memref<1x128xi32, #tpu.memory_space<vmem>>
          %dma_start3A_144 = tpu.memref_squeeze %dma_start3A_143 : memref<1x128xi32, #tpu.memory_space<vmem>> -> memref<128xi32, #tpu.memory_space<vmem>>
          %dma_start3A_145 = arith.constant 0 : i32
          %dma_start3A_146 = arith.constant 0 : i32
          %dma_start3A_147 = tpu.memref_slice %arg9[%dma_start3A_145, %dma_start3A_146] : memref<10240x128xbf16, #tpu.memory_space<vmem_shared>> -> memref<10240x128xbf16, #tpu.memory_space<vmem_shared>>
          tpu.enqueue_indirect_dma source(%dma_start3A_141 : memref<128x128xbf16, #tpu.memory_space<vmem>>) target(%dma_start3A_147 : memref<10240x128xbf16, #tpu.memory_space<vmem_shared>>) offsets(%dma_start3A_144 : memref<128xi32, #tpu.memory_space<vmem>>) semaphore(%run_scoped3A : memref<!tpu.dma_semaphore, #tpu.memory_space<semaphore_mem>>) {add = true}
          %dma_wait3A_148 = arith.constant 384 : i32
          %dma_wait3A_149 = arith.constant 0 : i32
          %dma_wait3A_150 = tpu.memref_slice %arg8[%dma_wait3A_148, %dma_wait3A_149] : memref<512x128xbf16, #tpu.memory_space<vmem>> -> memref<128x128xbf16, #tpu.memory_space<vmem>>
          %dma_wait3A_151 = arith.constant 0 : i32
          %dma_wait3A_152 = tpu.memref_slice %arg7[%add3A_138, %dma_wait3A_151] : memref<56x128xi32, #tpu.memory_space<vmem>> -> memref<1x128xi32, #tpu.memory_space<vmem>>
          %dma_wait3A_153 = tpu.memref_squeeze %dma_wait3A_152 : memref<1x128xi32, #tpu.memory_space<vmem>> -> memref<128xi32, #tpu.memory_space<vmem>>
          %dma_wait3A_154 = arith.constant 0 : i32
          %dma_wait3A_155 = arith.constant 0 : i32
          %dma_wait3A_156 = tpu.memref_slice %arg9[%dma_wait3A_154, %dma_wait3A_155] : memref<10240x128xbf16, #tpu.memory_space<vmem_shared>> -> memref<10240x128xbf16, #tpu.memory_space<vmem_shared>>
          tpu.wait_indirect_dma semaphore(%run_scoped3A : memref<!tpu.dma_semaphore, #tpu.memory_space<semaphore_mem>>) src(%dma_wait3A_150 : memref<128x128xbf16, #tpu.memory_space<vmem>>) dst(%dma_wait3A_156 : memref<10240x128xbf16, #tpu.memory_space<vmem_shared>>)
          tpu.yield
        }) : () -> ()
      }
      %scan3A_48 = arith.constant 14 : i32
    } else {
    }
    %eq3A_13 = arith.constant 1 : i32
    %eq3A_14 = arith.cmpi eq, %arg0, %eq3A_13 : i32
    %convert_element_type3A_15 = arith.extui %eq3A_14 : i1 to i32
    %cond3A_16 = arith.constant 0 : i32
    %cond3A_17 = arith.cmpi ne, %convert_element_type3A_15, %cond3A_16 : i32
    scf.if %cond3A_17 {
      %mul3A_23 = arith.constant 24 : i32
      %mul3A_24 = arith.muli %arg1, %mul3A_23 : i32
      %add3A_25 = arith.constant 896 : i32
      %add3A_26 = arith.addi %add3A_25, %mul3A_24 : i32
      "tpu.region"() ({
        %run_scoped3A = tpu.sem_alloc : memref<!tpu.dma_semaphore, #tpu.memory_space<semaphore_mem>>
        %dma_start3A_51 = arith.constant 0 : i32
        %dma_start3A_52 = arith.constant 0 : i32
        %dma_start3A_53 = tpu.memref_slice %arg6[%dma_start3A_51, %dma_start3A_52] : memref<56x128xi32, #tpu.memory_space<vmem>> -> memref<24x128xi32, #tpu.memory_space<vmem>>
        %dma_start3A_54 = arith.constant 0 : i32
        %dma_start3A_55 = tpu.memref_slice %arg3[%add3A_26, %dma_start3A_54] : memref<1280x128xi32, #tpu.memory_space<hbm>> -> memref<24x128xi32, #tpu.memory_space<hbm>>
        %dma_start3A_56 = arith.constant 0 : i32
        %dma_start3A_57 = arith.constant 0 : i32
        %dma_start3A_58 = tpu.memref_slice %arg6[%dma_start3A_56, %dma_start3A_57] : memref<56x128xi32, #tpu.memory_space<vmem>> -> memref<24x128xi32, #tpu.memory_space<vmem>>
        %dma_start3A_59 = arith.constant 0 : i32
        %dma_start3A_60 = tpu.memref_slice %arg3[%add3A_26, %dma_start3A_59] : memref<1280x128xi32, #tpu.memory_space<hbm>> -> memref<24x128xi32, #tpu.memory_space<hbm>>
        tpu.enqueue_dma source(%dma_start3A_60 : memref<24x128xi32, #tpu.memory_space<hbm>>) target(%dma_start3A_58 : memref<24x128xi32, #tpu.memory_space<vmem>>) target_semaphore(%run_scoped3A : memref<!tpu.dma_semaphore, #tpu.memory_space<semaphore_mem>>)
        %dma_wait3A = arith.constant 0 : i32
        %dma_wait3A_61 = arith.constant 0 : i32
        %dma_wait3A_62 = tpu.memref_slice %arg6[%dma_wait3A, %dma_wait3A_61] : memref<56x128xi32, #tpu.memory_space<vmem>> -> memref<24x128xi32, #tpu.memory_space<vmem>>
        %dma_wait3A_63 = arith.constant 0 : i32
        %dma_wait3A_64 = tpu.memref_slice %arg3[%add3A_26, %dma_wait3A_63] : memref<1280x128xi32, #tpu.memory_space<hbm>> -> memref<24x128xi32, #tpu.memory_space<hbm>>
        %dma_wait3A_65 = arith.constant 0 : i32
        %dma_wait3A_66 = arith.constant 0 : i32
        %dma_wait3A_67 = tpu.memref_slice %arg6[%dma_wait3A_65, %dma_wait3A_66] : memref<56x128xi32, #tpu.memory_space<vmem>> -> memref<24x128xi32, #tpu.memory_space<vmem>>
        %dma_wait3A_68 = arith.constant 0 : i32
        %dma_wait3A_69 = tpu.memref_slice %arg3[%add3A_26, %dma_wait3A_68] : memref<1280x128xi32, #tpu.memory_space<hbm>> -> memref<24x128xi32, #tpu.memory_space<hbm>>
        tpu.wait_dma2 semaphore(%run_scoped3A : memref<!tpu.dma_semaphore, #tpu.memory_space<semaphore_mem>>) src(%dma_wait3A_69 : memref<24x128xi32, #tpu.memory_space<hbm>>) dst(%dma_wait3A_67 : memref<24x128xi32, #tpu.memory_space<vmem>>)
        tpu.yield
      }) : () -> ()
      "tpu.region"() ({
        %run_scoped3A = tpu.sem_alloc : memref<!tpu.dma_semaphore, #tpu.memory_space<semaphore_mem>>
        %dma_start3A_51 = arith.constant 0 : i32
        %dma_start3A_52 = arith.constant 0 : i32
        %dma_start3A_53 = tpu.memref_slice %arg7[%dma_start3A_51, %dma_start3A_52] : memref<56x128xi32, #tpu.memory_space<vmem>> -> memref<24x128xi32, #tpu.memory_space<vmem>>
        %dma_start3A_54 = arith.constant 0 : i32
        %dma_start3A_55 = tpu.memref_slice %arg4[%add3A_26, %dma_start3A_54] : memref<1280x128xi32, #tpu.memory_space<hbm>> -> memref<24x128xi32, #tpu.memory_space<hbm>>
        %dma_start3A_56 = arith.constant 0 : i32
        %dma_start3A_57 = arith.constant 0 : i32
        %dma_start3A_58 = tpu.memref_slice %arg7[%dma_start3A_56, %dma_start3A_57] : memref<56x128xi32, #tpu.memory_space<vmem>> -> memref<24x128xi32, #tpu.memory_space<vmem>>
        %dma_start3A_59 = arith.constant 0 : i32
        %dma_start3A_60 = tpu.memref_slice %arg4[%add3A_26, %dma_start3A_59] : memref<1280x128xi32, #tpu.memory_space<hbm>> -> memref<24x128xi32, #tpu.memory_space<hbm>>
        tpu.enqueue_dma source(%dma_start3A_60 : memref<24x128xi32, #tpu.memory_space<hbm>>) target(%dma_start3A_58 : memref<24x128xi32, #tpu.memory_space<vmem>>) target_semaphore(%run_scoped3A : memref<!tpu.dma_semaphore, #tpu.memory_space<semaphore_mem>>)
        %dma_wait3A = arith.constant 0 : i32
        %dma_wait3A_61 = arith.constant 0 : i32
        %dma_wait3A_62 = tpu.memref_slice %arg7[%dma_wait3A, %dma_wait3A_61] : memref<56x128xi32, #tpu.memory_space<vmem>> -> memref<24x128xi32, #tpu.memory_space<vmem>>
        %dma_wait3A_63 = arith.constant 0 : i32
        %dma_wait3A_64 = tpu.memref_slice %arg4[%add3A_26, %dma_wait3A_63] : memref<1280x128xi32, #tpu.memory_space<hbm>> -> memref<24x128xi32, #tpu.memory_space<hbm>>
        %dma_wait3A_65 = arith.constant 0 : i32
        %dma_wait3A_66 = arith.constant 0 : i32
        %dma_wait3A_67 = tpu.memref_slice %arg7[%dma_wait3A_65, %dma_wait3A_66] : memref<56x128xi32, #tpu.memory_space<vmem>> -> memref<24x128xi32, #tpu.memory_space<vmem>>
        %dma_wait3A_68 = arith.constant 0 : i32
        %dma_wait3A_69 = tpu.memref_slice %arg4[%add3A_26, %dma_wait3A_68] : memref<1280x128xi32, #tpu.memory_space<hbm>> -> memref<24x128xi32, #tpu.memory_space<hbm>>
        tpu.wait_dma2 semaphore(%run_scoped3A : memref<!tpu.dma_semaphore, #tpu.memory_space<semaphore_mem>>) src(%dma_wait3A_69 : memref<24x128xi32, #tpu.memory_space<hbm>>) dst(%dma_wait3A_67 : memref<24x128xi32, #tpu.memory_space<vmem>>)
        tpu.yield
      }) : () -> ()
      %dma_start3A = arith.constant 0 : i32
      %dma_start3A_27 = arith.constant 0 : i32
      %dma_start3A_28 = arith.constant 0 : i32
      %dma_start3A_29 = tpu.memref_slice %arg8[%dma_start3A_27, %dma_start3A_28] : memref<512x128xbf16, #tpu.memory_space<vmem>> -> memref<128x128xbf16, #tpu.memory_space<vmem>>
      %dma_start3A_30 = arith.constant 0 : i32
      %dma_start3A_31 = tpu.memref_slice %arg6[%dma_start3A, %dma_start3A_30] : memref<56x128xi32, #tpu.memory_space<vmem>> -> memref<1x128xi32, #tpu.memory_space<vmem>>
      %dma_start3A_32 = tpu.memref_squeeze %dma_start3A_31 : memref<1x128xi32, #tpu.memory_space<vmem>> -> memref<128xi32, #tpu.memory_space<vmem>>
      %dma_start3A_33 = arith.constant 0 : i32
      %dma_start3A_34 = arith.constant 0 : i32
      %dma_start3A_35 = tpu.memref_slice %arg2[%dma_start3A_33, %dma_start3A_34] : memref<10000x128xbf16, #tpu.memory_space<hbm>> -> memref<10000x128xbf16, #tpu.memory_space<hbm>>
      tpu.enqueue_indirect_dma source(%dma_start3A_35 : memref<10000x128xbf16, #tpu.memory_space<hbm>>) target(%dma_start3A_29 : memref<128x128xbf16, #tpu.memory_space<vmem>>) offsets(%dma_start3A_32 : memref<128xi32, #tpu.memory_space<vmem>>) semaphore(%arg10 : memref<!tpu.dma_semaphore, #tpu.memory_space<semaphore_mem>>)
      %dma_start3A_36 = arith.constant 1 : i32
      %dma_start3A_37 = arith.constant 128 : i32
      %dma_start3A_38 = arith.constant 0 : i32
      %dma_start3A_39 = tpu.memref_slice %arg8[%dma_start3A_37, %dma_start3A_38] : memref<512x128xbf16, #tpu.memory_space<vmem>> -> memref<128x128xbf16, #tpu.memory_space<vmem>>
      %dma_start3A_40 = arith.constant 0 : i32
      %dma_start3A_41 = tpu.memref_slice %arg6[%dma_start3A_36, %dma_start3A_40] : memref<56x128xi32, #tpu.memory_space<vmem>> -> memref<1x128xi32, #tpu.memory_space<vmem>>
      %dma_start3A_42 = tpu.memref_squeeze %dma_start3A_41 : memref<1x128xi32, #tpu.memory_space<vmem>> -> memref<128xi32, #tpu.memory_space<vmem>>
      %dma_start3A_43 = arith.constant 0 : i32
      %dma_start3A_44 = arith.constant 0 : i32
      %dma_start3A_45 = tpu.memref_slice %arg2[%dma_start3A_43, %dma_start3A_44] : memref<10000x128xbf16, #tpu.memory_space<hbm>> -> memref<10000x128xbf16, #tpu.memory_space<hbm>>
      tpu.enqueue_indirect_dma source(%dma_start3A_45 : memref<10000x128xbf16, #tpu.memory_space<hbm>>) target(%dma_start3A_39 : memref<128x128xbf16, #tpu.memory_space<vmem>>) offsets(%dma_start3A_42 : memref<128xi32, #tpu.memory_space<vmem>>) semaphore(%arg10 : memref<!tpu.dma_semaphore, #tpu.memory_space<semaphore_mem>>)
      %scan3A_46 = arith.constant 0 : i32
      %scan3A_47 = arith.constant 6 : i32
      %scan3A_48 = arith.addi %scan3A_46, %scan3A_47 : i32
      %scan3A_49 = arith.constant 1 : i32
      scf.for %scan3A_51 = %scan3A_46 to %scan3A_48 step %scan3A_49  : i32 {
        %mul3A_52 = arith.constant 2 : i32
        %mul3A_53 = arith.muli %mul3A_52, %scan3A_51 : i32
        %add3A_54 = arith.constant 1 : i32
        %add3A_55 = arith.addi %mul3A_53, %add3A_54 : i32
        %mul3A_56 = arith.constant 2 : i32
        %mul3A_57 = arith.muli %add3A_55, %mul3A_56 : i32
        %add3A_58 = arith.constant 0 : i32
        %add3A_59 = arith.addi %mul3A_57, %add3A_58 : i32
        %dma_start3A_60 = arith.constant 256 : i32
        %dma_start3A_61 = arith.constant 0 : i32
        %dma_start3A_62 = tpu.memref_slice %arg8[%dma_start3A_60, %dma_start3A_61] : memref<512x128xbf16, #tpu.memory_space<vmem>> -> memref<128x128xbf16, #tpu.memory_space<vmem>>
        %dma_start3A_63 = arith.constant 0 : i32
        %dma_start3A_64 = tpu.memref_slice %arg6[%add3A_59, %dma_start3A_63] : memref<56x128xi32, #tpu.memory_space<vmem>> -> memref<1x128xi32, #tpu.memory_space<vmem>>
        %dma_start3A_65 = tpu.memref_squeeze %dma_start3A_64 : memref<1x128xi32, #tpu.memory_space<vmem>> -> memref<128xi32, #tpu.memory_space<vmem>>
        %dma_start3A_66 = arith.constant 0 : i32
        %dma_start3A_67 = arith.constant 0 : i32
        %dma_start3A_68 = tpu.memref_slice %arg2[%dma_start3A_66, %dma_start3A_67] : memref<10000x128xbf16, #tpu.memory_space<hbm>> -> memref<10000x128xbf16, #tpu.memory_space<hbm>>
        tpu.enqueue_indirect_dma source(%dma_start3A_68 : memref<10000x128xbf16, #tpu.memory_space<hbm>>) target(%dma_start3A_62 : memref<128x128xbf16, #tpu.memory_space<vmem>>) offsets(%dma_start3A_65 : memref<128xi32, #tpu.memory_space<vmem>>) semaphore(%arg11 : memref<!tpu.dma_semaphore, #tpu.memory_space<semaphore_mem>>)
        %add3A_69 = arith.constant 1 : i32
        %add3A_70 = arith.addi %mul3A_57, %add3A_69 : i32
        %dma_start3A_71 = arith.constant 384 : i32
        %dma_start3A_72 = arith.constant 0 : i32
        %dma_start3A_73 = tpu.memref_slice %arg8[%dma_start3A_71, %dma_start3A_72] : memref<512x128xbf16, #tpu.memory_space<vmem>> -> memref<128x128xbf16, #tpu.memory_space<vmem>>
        %dma_start3A_74 = arith.constant 0 : i32
        %dma_start3A_75 = tpu.memref_slice %arg6[%add3A_70, %dma_start3A_74] : memref<56x128xi32, #tpu.memory_space<vmem>> -> memref<1x128xi32, #tpu.memory_space<vmem>>
        %dma_start3A_76 = tpu.memref_squeeze %dma_start3A_75 : memref<1x128xi32, #tpu.memory_space<vmem>> -> memref<128xi32, #tpu.memory_space<vmem>>
        %dma_start3A_77 = arith.constant 0 : i32
        %dma_start3A_78 = arith.constant 0 : i32
        %dma_start3A_79 = tpu.memref_slice %arg2[%dma_start3A_77, %dma_start3A_78] : memref<10000x128xbf16, #tpu.memory_space<hbm>> -> memref<10000x128xbf16, #tpu.memory_space<hbm>>
        tpu.enqueue_indirect_dma source(%dma_start3A_79 : memref<10000x128xbf16, #tpu.memory_space<hbm>>) target(%dma_start3A_73 : memref<128x128xbf16, #tpu.memory_space<vmem>>) offsets(%dma_start3A_76 : memref<128xi32, #tpu.memory_space<vmem>>) semaphore(%arg11 : memref<!tpu.dma_semaphore, #tpu.memory_space<semaphore_mem>>)
        %dma_wait3A = arith.constant 0 : i32
        %dma_wait3A_80 = arith.constant 0 : i32
        %dma_wait3A_81 = arith.constant 0 : i32
        %dma_wait3A_82 = tpu.memref_slice %arg8[%dma_wait3A_80, %dma_wait3A_81] : memref<512x128xbf16, #tpu.memory_space<vmem>> -> memref<128x128xbf16, #tpu.memory_space<vmem>>
        %dma_wait3A_83 = arith.constant 0 : i32
        %dma_wait3A_84 = tpu.memref_slice %arg6[%dma_wait3A, %dma_wait3A_83] : memref<56x128xi32, #tpu.memory_space<vmem>> -> memref<1x128xi32, #tpu.memory_space<vmem>>
        %dma_wait3A_85 = tpu.memref_squeeze %dma_wait3A_84 : memref<1x128xi32, #tpu.memory_space<vmem>> -> memref<128xi32, #tpu.memory_space<vmem>>
        %dma_wait3A_86 = arith.constant 0 : i32
        %dma_wait3A_87 = arith.constant 0 : i32
        %dma_wait3A_88 = tpu.memref_slice %arg2[%dma_wait3A_86, %dma_wait3A_87] : memref<10000x128xbf16, #tpu.memory_space<hbm>> -> memref<10000x128xbf16, #tpu.memory_space<hbm>>
        tpu.wait_indirect_dma semaphore(%arg10 : memref<!tpu.dma_semaphore, #tpu.memory_space<semaphore_mem>>) src(%dma_wait3A_88 : memref<10000x128xbf16, #tpu.memory_space<hbm>>) dst(%dma_wait3A_82 : memref<128x128xbf16, #tpu.memory_space<vmem>>)
        %dma_wait3A_89 = arith.constant 0 : i32
        %dma_wait3A_90 = arith.constant 128 : i32
        %dma_wait3A_91 = arith.constant 0 : i32
        %dma_wait3A_92 = tpu.memref_slice %arg8[%dma_wait3A_90, %dma_wait3A_91] : memref<512x128xbf16, #tpu.memory_space<vmem>> -> memref<128x128xbf16, #tpu.memory_space<vmem>>
        %dma_wait3A_93 = arith.constant 0 : i32
        %dma_wait3A_94 = tpu.memref_slice %arg6[%dma_wait3A_89, %dma_wait3A_93] : memref<56x128xi32, #tpu.memory_space<vmem>> -> memref<1x128xi32, #tpu.memory_space<vmem>>
        %dma_wait3A_95 = tpu.memref_squeeze %dma_wait3A_94 : memref<1x128xi32, #tpu.memory_space<vmem>> -> memref<128xi32, #tpu.memory_space<vmem>>
        %dma_wait3A_96 = arith.constant 0 : i32
        %dma_wait3A_97 = arith.constant 0 : i32
        %dma_wait3A_98 = tpu.memref_slice %arg2[%dma_wait3A_96, %dma_wait3A_97] : memref<10000x128xbf16, #tpu.memory_space<hbm>> -> memref<10000x128xbf16, #tpu.memory_space<hbm>>
        tpu.wait_indirect_dma semaphore(%arg10 : memref<!tpu.dma_semaphore, #tpu.memory_space<semaphore_mem>>) src(%dma_wait3A_98 : memref<10000x128xbf16, #tpu.memory_space<hbm>>) dst(%dma_wait3A_92 : memref<128x128xbf16, #tpu.memory_space<vmem>>)
        %mul3A_99 = arith.constant 2 : i32
        %mul3A_100 = arith.muli %mul3A_99, %scan3A_51 : i32
        %mul3A_101 = arith.constant 2 : i32
        %mul3A_102 = arith.muli %mul3A_100, %mul3A_101 : i32
        %add3A_103 = arith.constant 0 : i32
        %add3A_104 = arith.addi %mul3A_102, %add3A_103 : i32
        "tpu.region"() ({
          %run_scoped3A = tpu.sem_alloc : memref<!tpu.dma_semaphore, #tpu.memory_space<semaphore_mem>>
          %dma_start3A_141 = arith.constant 0 : i32
          %dma_start3A_142 = arith.constant 0 : i32
          %dma_start3A_143 = tpu.memref_slice %arg8[%dma_start3A_141, %dma_start3A_142] : memref<512x128xbf16, #tpu.memory_space<vmem>> -> memref<128x128xbf16, #tpu.memory_space<vmem>>
          %dma_start3A_144 = arith.constant 0 : i32
          %dma_start3A_145 = tpu.memref_slice %arg7[%add3A_104, %dma_start3A_144] : memref<56x128xi32, #tpu.memory_space<vmem>> -> memref<1x128xi32, #tpu.memory_space<vmem>>
          %dma_start3A_146 = tpu.memref_squeeze %dma_start3A_145 : memref<1x128xi32, #tpu.memory_space<vmem>> -> memref<128xi32, #tpu.memory_space<vmem>>
          %dma_start3A_147 = arith.constant 0 : i32
          %dma_start3A_148 = arith.constant 0 : i32
          %dma_start3A_149 = tpu.memref_slice %arg9[%dma_start3A_147, %dma_start3A_148] : memref<10240x128xbf16, #tpu.memory_space<vmem_shared>> -> memref<10240x128xbf16, #tpu.memory_space<vmem_shared>>
          tpu.enqueue_indirect_dma source(%dma_start3A_143 : memref<128x128xbf16, #tpu.memory_space<vmem>>) target(%dma_start3A_149 : memref<10240x128xbf16, #tpu.memory_space<vmem_shared>>) offsets(%dma_start3A_146 : memref<128xi32, #tpu.memory_space<vmem>>) semaphore(%run_scoped3A : memref<!tpu.dma_semaphore, #tpu.memory_space<semaphore_mem>>) {add = true}
          %dma_wait3A_150 = arith.constant 0 : i32
          %dma_wait3A_151 = arith.constant 0 : i32
          %dma_wait3A_152 = tpu.memref_slice %arg8[%dma_wait3A_150, %dma_wait3A_151] : memref<512x128xbf16, #tpu.memory_space<vmem>> -> memref<128x128xbf16, #tpu.memory_space<vmem>>
          %dma_wait3A_153 = arith.constant 0 : i32
          %dma_wait3A_154 = tpu.memref_slice %arg7[%add3A_104, %dma_wait3A_153] : memref<56x128xi32, #tpu.memory_space<vmem>> -> memref<1x128xi32, #tpu.memory_space<vmem>>
          %dma_wait3A_155 = tpu.memref_squeeze %dma_wait3A_154 : memref<1x128xi32, #tpu.memory_space<vmem>> -> memref<128xi32, #tpu.memory_space<vmem>>
          %dma_wait3A_156 = arith.constant 0 : i32
          %dma_wait3A_157 = arith.constant 0 : i32
          %dma_wait3A_158 = tpu.memref_slice %arg9[%dma_wait3A_156, %dma_wait3A_157] : memref<10240x128xbf16, #tpu.memory_space<vmem_shared>> -> memref<10240x128xbf16, #tpu.memory_space<vmem_shared>>
          tpu.wait_indirect_dma semaphore(%run_scoped3A : memref<!tpu.dma_semaphore, #tpu.memory_space<semaphore_mem>>) src(%dma_wait3A_152 : memref<128x128xbf16, #tpu.memory_space<vmem>>) dst(%dma_wait3A_158 : memref<10240x128xbf16, #tpu.memory_space<vmem_shared>>)
          tpu.yield
        }) : () -> ()
        %add3A_105 = arith.constant 1 : i32
        %add3A_106 = arith.addi %mul3A_102, %add3A_105 : i32
        "tpu.region"() ({
          %run_scoped3A = tpu.sem_alloc : memref<!tpu.dma_semaphore, #tpu.memory_space<semaphore_mem>>
          %dma_start3A_141 = arith.constant 128 : i32
          %dma_start3A_142 = arith.constant 0 : i32
          %dma_start3A_143 = tpu.memref_slice %arg8[%dma_start3A_141, %dma_start3A_142] : memref<512x128xbf16, #tpu.memory_space<vmem>> -> memref<128x128xbf16, #tpu.memory_space<vmem>>
          %dma_start3A_144 = arith.constant 0 : i32
          %dma_start3A_145 = tpu.memref_slice %arg7[%add3A_106, %dma_start3A_144] : memref<56x128xi32, #tpu.memory_space<vmem>> -> memref<1x128xi32, #tpu.memory_space<vmem>>
          %dma_start3A_146 = tpu.memref_squeeze %dma_start3A_145 : memref<1x128xi32, #tpu.memory_space<vmem>> -> memref<128xi32, #tpu.memory_space<vmem>>
          %dma_start3A_147 = arith.constant 0 : i32
          %dma_start3A_148 = arith.constant 0 : i32
          %dma_start3A_149 = tpu.memref_slice %arg9[%dma_start3A_147, %dma_start3A_148] : memref<10240x128xbf16, #tpu.memory_space<vmem_shared>> -> memref<10240x128xbf16, #tpu.memory_space<vmem_shared>>
          tpu.enqueue_indirect_dma source(%dma_start3A_143 : memref<128x128xbf16, #tpu.memory_space<vmem>>) target(%dma_start3A_149 : memref<10240x128xbf16, #tpu.memory_space<vmem_shared>>) offsets(%dma_start3A_146 : memref<128xi32, #tpu.memory_space<vmem>>) semaphore(%run_scoped3A : memref<!tpu.dma_semaphore, #tpu.memory_space<semaphore_mem>>) {add = true}
          %dma_wait3A_150 = arith.constant 128 : i32
          %dma_wait3A_151 = arith.constant 0 : i32
          %dma_wait3A_152 = tpu.memref_slice %arg8[%dma_wait3A_150, %dma_wait3A_151] : memref<512x128xbf16, #tpu.memory_space<vmem>> -> memref<128x128xbf16, #tpu.memory_space<vmem>>
          %dma_wait3A_153 = arith.constant 0 : i32
          %dma_wait3A_154 = tpu.memref_slice %arg7[%add3A_106, %dma_wait3A_153] : memref<56x128xi32, #tpu.memory_space<vmem>> -> memref<1x128xi32, #tpu.memory_space<vmem>>
          %dma_wait3A_155 = tpu.memref_squeeze %dma_wait3A_154 : memref<1x128xi32, #tpu.memory_space<vmem>> -> memref<128xi32, #tpu.memory_space<vmem>>
          %dma_wait3A_156 = arith.constant 0 : i32
          %dma_wait3A_157 = arith.constant 0 : i32
          %dma_wait3A_158 = tpu.memref_slice %arg9[%dma_wait3A_156, %dma_wait3A_157] : memref<10240x128xbf16, #tpu.memory_space<vmem_shared>> -> memref<10240x128xbf16, #tpu.memory_space<vmem_shared>>
          tpu.wait_indirect_dma semaphore(%run_scoped3A : memref<!tpu.dma_semaphore, #tpu.memory_space<semaphore_mem>>) src(%dma_wait3A_152 : memref<128x128xbf16, #tpu.memory_space<vmem>>) dst(%dma_wait3A_158 : memref<10240x128xbf16, #tpu.memory_space<vmem_shared>>)
          tpu.yield
        }) : () -> ()
        %lt3A = arith.constant 5 : i32
        %lt3A_107 = arith.cmpi slt, %scan3A_51, %lt3A : i32
        %convert_element_type3A_108 = arith.extui %lt3A_107 : i1 to i32
        %cond3A_109 = arith.constant 0 : i32
        %cond3A_110 = arith.cmpi ne, %convert_element_type3A_108, %cond3A_109 : i32
        scf.if %cond3A_110 {
          %mul3A_141 = arith.constant 2 : i32
          %mul3A_142 = arith.muli %mul3A_141, %scan3A_51 : i32
          %add3A_143 = arith.constant 2 : i32
          %add3A_144 = arith.addi %mul3A_142, %add3A_143 : i32
          %mul3A_145 = arith.constant 2 : i32
          %mul3A_146 = arith.muli %add3A_144, %mul3A_145 : i32
          %add3A_147 = arith.constant 0 : i32
          %add3A_148 = arith.addi %mul3A_146, %add3A_147 : i32
          %dma_start3A_149 = arith.constant 0 : i32
          %dma_start3A_150 = arith.constant 0 : i32
          %dma_start3A_151 = tpu.memref_slice %arg8[%dma_start3A_149, %dma_start3A_150] : memref<512x128xbf16, #tpu.memory_space<vmem>> -> memref<128x128xbf16, #tpu.memory_space<vmem>>
          %dma_start3A_152 = arith.constant 0 : i32
          %dma_start3A_153 = tpu.memref_slice %arg6[%add3A_148, %dma_start3A_152] : memref<56x128xi32, #tpu.memory_space<vmem>> -> memref<1x128xi32, #tpu.memory_space<vmem>>
          %dma_start3A_154 = tpu.memref_squeeze %dma_start3A_153 : memref<1x128xi32, #tpu.memory_space<vmem>> -> memref<128xi32, #tpu.memory_space<vmem>>
          %dma_start3A_155 = arith.constant 0 : i32
          %dma_start3A_156 = arith.constant 0 : i32
          %dma_start3A_157 = tpu.memref_slice %arg2[%dma_start3A_155, %dma_start3A_156] : memref<10000x128xbf16, #tpu.memory_space<hbm>> -> memref<10000x128xbf16, #tpu.memory_space<hbm>>
          tpu.enqueue_indirect_dma source(%dma_start3A_157 : memref<10000x128xbf16, #tpu.memory_space<hbm>>) target(%dma_start3A_151 : memref<128x128xbf16, #tpu.memory_space<vmem>>) offsets(%dma_start3A_154 : memref<128xi32, #tpu.memory_space<vmem>>) semaphore(%arg10 : memref<!tpu.dma_semaphore, #tpu.memory_space<semaphore_mem>>)
          %add3A_158 = arith.constant 1 : i32
          %add3A_159 = arith.addi %mul3A_146, %add3A_158 : i32
          %dma_start3A_160 = arith.constant 128 : i32
          %dma_start3A_161 = arith.constant 0 : i32
          %dma_start3A_162 = tpu.memref_slice %arg8[%dma_start3A_160, %dma_start3A_161] : memref<512x128xbf16, #tpu.memory_space<vmem>> -> memref<128x128xbf16, #tpu.memory_space<vmem>>
          %dma_start3A_163 = arith.constant 0 : i32
          %dma_start3A_164 = tpu.memref_slice %arg6[%add3A_159, %dma_start3A_163] : memref<56x128xi32, #tpu.memory_space<vmem>> -> memref<1x128xi32, #tpu.memory_space<vmem>>
          %dma_start3A_165 = tpu.memref_squeeze %dma_start3A_164 : memref<1x128xi32, #tpu.memory_space<vmem>> -> memref<128xi32, #tpu.memory_space<vmem>>
          %dma_start3A_166 = arith.constant 0 : i32
          %dma_start3A_167 = arith.constant 0 : i32
          %dma_start3A_168 = tpu.memref_slice %arg2[%dma_start3A_166, %dma_start3A_167] : memref<10000x128xbf16, #tpu.memory_space<hbm>> -> memref<10000x128xbf16, #tpu.memory_space<hbm>>
          tpu.enqueue_indirect_dma source(%dma_start3A_168 : memref<10000x128xbf16, #tpu.memory_space<hbm>>) target(%dma_start3A_162 : memref<128x128xbf16, #tpu.memory_space<vmem>>) offsets(%dma_start3A_165 : memref<128xi32, #tpu.memory_space<vmem>>) semaphore(%arg10 : memref<!tpu.dma_semaphore, #tpu.memory_space<semaphore_mem>>)
        } else {
        }
        %dma_wait3A_111 = arith.constant 0 : i32
        %dma_wait3A_112 = arith.constant 256 : i32
        %dma_wait3A_113 = arith.constant 0 : i32
        %dma_wait3A_114 = tpu.memref_slice %arg8[%dma_wait3A_112, %dma_wait3A_113] : memref<512x128xbf16, #tpu.memory_space<vmem>> -> memref<128x128xbf16, #tpu.memory_space<vmem>>
        %dma_wait3A_115 = arith.constant 0 : i32
        %dma_wait3A_116 = tpu.memref_slice %arg6[%dma_wait3A_111, %dma_wait3A_115] : memref<56x128xi32, #tpu.memory_space<vmem>> -> memref<1x128xi32, #tpu.memory_space<vmem>>
        %dma_wait3A_117 = tpu.memref_squeeze %dma_wait3A_116 : memref<1x128xi32, #tpu.memory_space<vmem>> -> memref<128xi32, #tpu.memory_space<vmem>>
        %dma_wait3A_118 = arith.constant 0 : i32
        %dma_wait3A_119 = arith.constant 0 : i32
        %dma_wait3A_120 = tpu.memref_slice %arg2[%dma_wait3A_118, %dma_wait3A_119] : memref<10000x128xbf16, #tpu.memory_space<hbm>> -> memref<10000x128xbf16, #tpu.memory_space<hbm>>
        tpu.wait_indirect_dma semaphore(%arg11 : memref<!tpu.dma_semaphore, #tpu.memory_space<semaphore_mem>>) src(%dma_wait3A_120 : memref<10000x128xbf16, #tpu.memory_space<hbm>>) dst(%dma_wait3A_114 : memref<128x128xbf16, #tpu.memory_space<vmem>>)
        %dma_wait3A_121 = arith.constant 0 : i32
        %dma_wait3A_122 = arith.constant 384 : i32
        %dma_wait3A_123 = arith.constant 0 : i32
        %dma_wait3A_124 = tpu.memref_slice %arg8[%dma_wait3A_122, %dma_wait3A_123] : memref<512x128xbf16, #tpu.memory_space<vmem>> -> memref<128x128xbf16, #tpu.memory_space<vmem>>
        %dma_wait3A_125 = arith.constant 0 : i32
        %dma_wait3A_126 = tpu.memref_slice %arg6[%dma_wait3A_121, %dma_wait3A_125] : memref<56x128xi32, #tpu.memory_space<vmem>> -> memref<1x128xi32, #tpu.memory_space<vmem>>
        %dma_wait3A_127 = tpu.memref_squeeze %dma_wait3A_126 : memref<1x128xi32, #tpu.memory_space<vmem>> -> memref<128xi32, #tpu.memory_space<vmem>>
        %dma_wait3A_128 = arith.constant 0 : i32
        %dma_wait3A_129 = arith.constant 0 : i32
        %dma_wait3A_130 = tpu.memref_slice %arg2[%dma_wait3A_128, %dma_wait3A_129] : memref<10000x128xbf16, #tpu.memory_space<hbm>> -> memref<10000x128xbf16, #tpu.memory_space<hbm>>
        tpu.wait_indirect_dma semaphore(%arg11 : memref<!tpu.dma_semaphore, #tpu.memory_space<semaphore_mem>>) src(%dma_wait3A_130 : memref<10000x128xbf16, #tpu.memory_space<hbm>>) dst(%dma_wait3A_124 : memref<128x128xbf16, #tpu.memory_space<vmem>>)
        %mul3A_131 = arith.constant 2 : i32
        %mul3A_132 = arith.muli %mul3A_131, %scan3A_51 : i32
        %add3A_133 = arith.constant 1 : i32
        %add3A_134 = arith.addi %mul3A_132, %add3A_133 : i32
        %mul3A_135 = arith.constant 2 : i32
        %mul3A_136 = arith.muli %add3A_134, %mul3A_135 : i32
        %add3A_137 = arith.constant 0 : i32
        %add3A_138 = arith.addi %mul3A_136, %add3A_137 : i32
        "tpu.region"() ({
          %run_scoped3A = tpu.sem_alloc : memref<!tpu.dma_semaphore, #tpu.memory_space<semaphore_mem>>
          %dma_start3A_141 = arith.constant 256 : i32
          %dma_start3A_142 = arith.constant 0 : i32
          %dma_start3A_143 = tpu.memref_slice %arg8[%dma_start3A_141, %dma_start3A_142] : memref<512x128xbf16, #tpu.memory_space<vmem>> -> memref<128x128xbf16, #tpu.memory_space<vmem>>
          %dma_start3A_144 = arith.constant 0 : i32
          %dma_start3A_145 = tpu.memref_slice %arg7[%add3A_138, %dma_start3A_144] : memref<56x128xi32, #tpu.memory_space<vmem>> -> memref<1x128xi32, #tpu.memory_space<vmem>>
          %dma_start3A_146 = tpu.memref_squeeze %dma_start3A_145 : memref<1x128xi32, #tpu.memory_space<vmem>> -> memref<128xi32, #tpu.memory_space<vmem>>
          %dma_start3A_147 = arith.constant 0 : i32
          %dma_start3A_148 = arith.constant 0 : i32
          %dma_start3A_149 = tpu.memref_slice %arg9[%dma_start3A_147, %dma_start3A_148] : memref<10240x128xbf16, #tpu.memory_space<vmem_shared>> -> memref<10240x128xbf16, #tpu.memory_space<vmem_shared>>
          tpu.enqueue_indirect_dma source(%dma_start3A_143 : memref<128x128xbf16, #tpu.memory_space<vmem>>) target(%dma_start3A_149 : memref<10240x128xbf16, #tpu.memory_space<vmem_shared>>) offsets(%dma_start3A_146 : memref<128xi32, #tpu.memory_space<vmem>>) semaphore(%run_scoped3A : memref<!tpu.dma_semaphore, #tpu.memory_space<semaphore_mem>>) {add = true}
          %dma_wait3A_150 = arith.constant 256 : i32
          %dma_wait3A_151 = arith.constant 0 : i32
          %dma_wait3A_152 = tpu.memref_slice %arg8[%dma_wait3A_150, %dma_wait3A_151] : memref<512x128xbf16, #tpu.memory_space<vmem>> -> memref<128x128xbf16, #tpu.memory_space<vmem>>
          %dma_wait3A_153 = arith.constant 0 : i32
          %dma_wait3A_154 = tpu.memref_slice %arg7[%add3A_138, %dma_wait3A_153] : memref<56x128xi32, #tpu.memory_space<vmem>> -> memref<1x128xi32, #tpu.memory_space<vmem>>
          %dma_wait3A_155 = tpu.memref_squeeze %dma_wait3A_154 : memref<1x128xi32, #tpu.memory_space<vmem>> -> memref<128xi32, #tpu.memory_space<vmem>>
          %dma_wait3A_156 = arith.constant 0 : i32
          %dma_wait3A_157 = arith.constant 0 : i32
          %dma_wait3A_158 = tpu.memref_slice %arg9[%dma_wait3A_156, %dma_wait3A_157] : memref<10240x128xbf16, #tpu.memory_space<vmem_shared>> -> memref<10240x128xbf16, #tpu.memory_space<vmem_shared>>
          tpu.wait_indirect_dma semaphore(%run_scoped3A : memref<!tpu.dma_semaphore, #tpu.memory_space<semaphore_mem>>) src(%dma_wait3A_152 : memref<128x128xbf16, #tpu.memory_space<vmem>>) dst(%dma_wait3A_158 : memref<10240x128xbf16, #tpu.memory_space<vmem_shared>>)
          tpu.yield
        }) : () -> ()
        %add3A_139 = arith.constant 1 : i32
        %add3A_140 = arith.addi %mul3A_136, %add3A_139 : i32
        "tpu.region"() ({
          %run_scoped3A = tpu.sem_alloc : memref<!tpu.dma_semaphore, #tpu.memory_space<semaphore_mem>>
          %dma_start3A_141 = arith.constant 384 : i32
          %dma_start3A_142 = arith.constant 0 : i32
          %dma_start3A_143 = tpu.memref_slice %arg8[%dma_start3A_141, %dma_start3A_142] : memref<512x128xbf16, #tpu.memory_space<vmem>> -> memref<128x128xbf16, #tpu.memory_space<vmem>>
          %dma_start3A_144 = arith.constant 0 : i32
          %dma_start3A_145 = tpu.memref_slice %arg7[%add3A_140, %dma_start3A_144] : memref<56x128xi32, #tpu.memory_space<vmem>> -> memref<1x128xi32, #tpu.memory_space<vmem>>
          %dma_start3A_146 = tpu.memref_squeeze %dma_start3A_145 : memref<1x128xi32, #tpu.memory_space<vmem>> -> memref<128xi32, #tpu.memory_space<vmem>>
          %dma_start3A_147 = arith.constant 0 : i32
          %dma_start3A_148 = arith.constant 0 : i32
          %dma_start3A_149 = tpu.memref_slice %arg9[%dma_start3A_147, %dma_start3A_148] : memref<10240x128xbf16, #tpu.memory_space<vmem_shared>> -> memref<10240x128xbf16, #tpu.memory_space<vmem_shared>>
          tpu.enqueue_indirect_dma source(%dma_start3A_143 : memref<128x128xbf16, #tpu.memory_space<vmem>>) target(%dma_start3A_149 : memref<10240x128xbf16, #tpu.memory_space<vmem_shared>>) offsets(%dma_start3A_146 : memref<128xi32, #tpu.memory_space<vmem>>) semaphore(%run_scoped3A : memref<!tpu.dma_semaphore, #tpu.memory_space<semaphore_mem>>) {add = true}
          %dma_wait3A_150 = arith.constant 384 : i32
          %dma_wait3A_151 = arith.constant 0 : i32
          %dma_wait3A_152 = tpu.memref_slice %arg8[%dma_wait3A_150, %dma_wait3A_151] : memref<512x128xbf16, #tpu.memory_space<vmem>> -> memref<128x128xbf16, #tpu.memory_space<vmem>>
          %dma_wait3A_153 = arith.constant 0 : i32
          %dma_wait3A_154 = tpu.memref_slice %arg7[%add3A_140, %dma_wait3A_153] : memref<56x128xi32, #tpu.memory_space<vmem>> -> memref<1x128xi32, #tpu.memory_space<vmem>>
          %dma_wait3A_155 = tpu.memref_squeeze %dma_wait3A_154 : memref<1x128xi32, #tpu.memory_space<vmem>> -> memref<128xi32, #tpu.memory_space<vmem>>
          %dma_wait3A_156 = arith.constant 0 : i32
          %dma_wait3A_157 = arith.constant 0 : i32
          %dma_wait3A_158 = tpu.memref_slice %arg9[%dma_wait3A_156, %dma_wait3A_157] : memref<10240x128xbf16, #tpu.memory_space<vmem_shared>> -> memref<10240x128xbf16, #tpu.memory_space<vmem_shared>>
          tpu.wait_indirect_dma semaphore(%run_scoped3A : memref<!tpu.dma_semaphore, #tpu.memory_space<semaphore_mem>>) src(%dma_wait3A_152 : memref<128x128xbf16, #tpu.memory_space<vmem>>) dst(%dma_wait3A_158 : memref<10240x128xbf16, #tpu.memory_space<vmem_shared>>)
          tpu.yield
        }) : () -> ()
      }
      %scan3A_50 = arith.constant 6 : i32
    } else {
    }
    %barrier3A_18 = arith.constant 0 : index
    tpu.barrier barrier_id(%barrier3A_18)
    %mul3A_19 = arith.constant 640 : i32
    %mul3A_20 = arith.muli %arg1, %mul3A_19 : i32
    %mul3A_21 = arith.constant 640 : i32
    %mul3A_22 = arith.muli %arg1, %mul3A_21 : i32
    "tpu.region"() ({
      %run_scoped3A = tpu.sem_alloc : memref<!tpu.dma_semaphore, #tpu.memory_space<semaphore_mem>>
      %dma_start3A = arith.constant 0 : i32
      %dma_start3A_23 = tpu.memref_slice %arg5[%arg0, %mul3A_22, %dma_start3A] : memref<2x10240x128xbf16, #tpu.memory_space<hbm>> -> memref<1x640x128xbf16, #tpu.memory_space<hbm>>
      %dma_start3A_24 = tpu.memref_squeeze %dma_start3A_23 : memref<1x640x128xbf16, #tpu.memory_space<hbm>> -> memref<640x128xbf16, #tpu.memory_space<hbm>>
      %dma_start3A_25 = arith.constant 0 : i32
      %dma_start3A_26 = tpu.memref_slice %arg9[%mul3A_20, %dma_start3A_25] : memref<10240x128xbf16, #tpu.memory_space<vmem_shared>> -> memref<640x128xbf16, #tpu.memory_space<vmem_shared>>
      tpu.enqueue_dma source(%dma_start3A_26 : memref<640x128xbf16, #tpu.memory_space<vmem_shared>>) target(%dma_start3A_24 : memref<640x128xbf16, #tpu.memory_space<hbm>>) target_semaphore(%run_scoped3A : memref<!tpu.dma_semaphore, #tpu.memory_space<semaphore_mem>>)
      %dma_wait3A = arith.constant 0 : i32
      %dma_wait3A_27 = tpu.memref_slice %arg5[%arg0, %mul3A_22, %dma_wait3A] : memref<2x10240x128xbf16, #tpu.memory_space<hbm>> -> memref<1x640x128xbf16, #tpu.memory_space<hbm>>
      %dma_wait3A_28 = tpu.memref_squeeze %dma_wait3A_27 : memref<1x640x128xbf16, #tpu.memory_space<hbm>> -> memref<640x128xbf16, #tpu.memory_space<hbm>>
      %dma_wait3A_29 = arith.constant 0 : i32
      %dma_wait3A_30 = tpu.memref_slice %arg9[%mul3A_20, %dma_wait3A_29] : memref<10240x128xbf16, #tpu.memory_space<vmem_shared>> -> memref<640x128xbf16, #tpu.memory_space<vmem_shared>>
      tpu.wait_dma2 semaphore(%run_scoped3A : memref<!tpu.dma_semaphore, #tpu.memory_space<semaphore_mem>>) src(%dma_wait3A_30 : memref<640x128xbf16, #tpu.memory_space<vmem_shared>>) dst(%dma_wait3A_28 : memref<640x128xbf16, #tpu.memory_space<hbm>>)
      tpu.yield
    }) : () -> ()
    return
  }
}

#map = affine_map<(d0, d1) -> (0, 0)>
#map1 = affine_map<(d0, d1) -> (0, 0, 0)>
module attributes {stable_mosaic.version = 14 : i64} {
  func.func @deg_kernel(%arg0: i32, %arg1: i32, %arg2: memref<1280x128xi32, #tpu.memory_space<hbm>>, %arg3: memref<2x10240x16xf32, #tpu.memory_space<hbm>>, %arg4: memref<40x128xi32, #tpu.memory_space<vmem>>, %arg5: memref<128x16xf32, #tpu.memory_space<vmem>>, %arg6: memref<640x16xf32, #tpu.memory_space<vmem>>, %arg7: memref<10240x16xf32, #tpu.memory_space<vmem_shared>>) attributes {dimension_semantics = [#tpu.dimension_semantics<core_parallel>, #tpu.dimension_semantics<subcore_parallel>], iteration_bounds = array<i64: 2, 16>, scalar_prefetch = 0 : i64, scratch_operands = 4 : i64, tpu.core_type = #tpu.core_type<sc_vector_subcore>, window_params = [{transform_indices = #map}, {transform_indices = #map1}]} {
    %mul3A = arith.constant 16 : i32
    %mul3A_0 = arith.muli %arg0, %mul3A : i32
    %add3A = arith.addi %mul3A_0, %arg1 : i32
    %broadcast_in_dim3A = arith.constant 0.000000e+00 : f32
    %broadcast_in_dim3A_1 = vector.broadcast %broadcast_in_dim3A : f32 to vector<16xf32>
    %broadcast_in_dim3A_2 = arith.constant 1.000000e+00 : f32
    %broadcast_in_dim3A_3 = vector.broadcast %broadcast_in_dim3A_2 : f32 to vector<16xf32>
    %scan3A = arith.constant 0 : i32
    %scan3A_4 = arith.constant 640 : i32
    %scan3A_5 = arith.addi %scan3A, %scan3A_4 : i32
    %scan3A_6 = arith.constant 1 : i32
    scf.for %scan3A_27 = %scan3A to %scan3A_5 step %scan3A_6  : i32 {
      %swap3A = arith.index_cast %scan3A_27 : i32 to index
      %swap3A_28 = arith.constant 0 : index
      %swap3A_29 = tpu.vector_load %arg6[%swap3A, %swap3A_28] {strides = array<i32>} : memref<640x16xf32, #tpu.memory_space<vmem>>, vector<1x16xf32>,
      %swap3A_30 = vector.shape_cast %swap3A_29 : vector<1x16xf32> to vector<16xf32>
      %swap3A_31 = vector.shape_cast %broadcast_in_dim3A_1 : vector<16xf32> to vector<1x16xf32>
      tpu.vector_store %arg6[%swap3A, %swap3A_28], %swap3A_31 {strides = array<i32>} : memref<640x16xf32, #tpu.memory_space<vmem>>, vector<1x16xf32>,
    }
    %scan3A_7 = arith.constant 640 : i32
    %scan3A_8 = arith.constant 0 : i32
    %scan3A_9 = arith.constant 128 : i32
    %scan3A_10 = arith.addi %scan3A_8, %scan3A_9 : i32
    %scan3A_11 = arith.constant 1 : i32
    scf.for %scan3A_27 = %scan3A_8 to %scan3A_10 step %scan3A_11  : i32 {
      %swap3A = arith.index_cast %scan3A_27 : i32 to index
      %swap3A_28 = arith.constant 0 : index
      %swap3A_29 = tpu.vector_load %arg5[%swap3A, %swap3A_28] {strides = array<i32>} : memref<128x16xf32, #tpu.memory_space<vmem>>, vector<1x16xf32>,
      %swap3A_30 = vector.shape_cast %swap3A_29 : vector<1x16xf32> to vector<16xf32>
      %swap3A_31 = vector.shape_cast %broadcast_in_dim3A_3 : vector<16xf32> to vector<1x16xf32>
      tpu.vector_store %arg5[%swap3A, %swap3A_28], %swap3A_31 {strides = array<i32>} : memref<128x16xf32, #tpu.memory_space<vmem>>, vector<1x16xf32>,
    }
    %scan3A_12 = arith.constant 128 : i32
    %mul3A_13 = arith.constant 640 : i32
    %mul3A_14 = arith.muli %arg1, %mul3A_13 : i32
    "tpu.region"() ({
      %run_scoped3A = tpu.sem_alloc : memref<!tpu.dma_semaphore, #tpu.memory_space<semaphore_mem>>
      %dma_start3A = arith.constant 0 : i32
      %dma_start3A_27 = tpu.memref_slice %arg7[%mul3A_14, %dma_start3A] : memref<10240x16xf32, #tpu.memory_space<vmem_shared>> -> memref<640x16xf32, #tpu.memory_space<vmem_shared>>
      %dma_start3A_28 = arith.constant 0 : i32
      %dma_start3A_29 = tpu.memref_slice %arg7[%mul3A_14, %dma_start3A_28] : memref<10240x16xf32, #tpu.memory_space<vmem_shared>> -> memref<640x16xf32, #tpu.memory_space<vmem_shared>>
      tpu.enqueue_dma source(%arg6 : memref<640x16xf32, #tpu.memory_space<vmem>>) target(%dma_start3A_29 : memref<640x16xf32, #tpu.memory_space<vmem_shared>>) target_semaphore(%run_scoped3A : memref<!tpu.dma_semaphore, #tpu.memory_space<semaphore_mem>>)
      %dma_wait3A = arith.constant 0 : i32
      %dma_wait3A_30 = tpu.memref_slice %arg7[%mul3A_14, %dma_wait3A] : memref<10240x16xf32, #tpu.memory_space<vmem_shared>> -> memref<640x16xf32, #tpu.memory_space<vmem_shared>>
      %dma_wait3A_31 = arith.constant 0 : i32
      %dma_wait3A_32 = tpu.memref_slice %arg7[%mul3A_14, %dma_wait3A_31] : memref<10240x16xf32, #tpu.memory_space<vmem_shared>> -> memref<640x16xf32, #tpu.memory_space<vmem_shared>>
      tpu.wait_dma2 semaphore(%run_scoped3A : memref<!tpu.dma_semaphore, #tpu.memory_space<semaphore_mem>>) src(%arg6 : memref<640x16xf32, #tpu.memory_space<vmem>>) dst(%dma_wait3A_32 : memref<640x16xf32, #tpu.memory_space<vmem_shared>>)
      tpu.yield
    }) : () -> ()
    %barrier3A = arith.constant 0 : index
    tpu.barrier barrier_id(%barrier3A)
    %mul3A_15 = arith.constant 40 : i32
    %mul3A_16 = arith.muli %add3A, %mul3A_15 : i32
    "tpu.region"() ({
      %run_scoped3A = tpu.sem_alloc : memref<!tpu.dma_semaphore, #tpu.memory_space<semaphore_mem>>
      %dma_start3A = arith.constant 0 : i32
      %dma_start3A_27 = tpu.memref_slice %arg2[%mul3A_16, %dma_start3A] : memref<1280x128xi32, #tpu.memory_space<hbm>> -> memref<40x128xi32, #tpu.memory_space<hbm>>
      %dma_start3A_28 = arith.constant 0 : i32
      %dma_start3A_29 = tpu.memref_slice %arg2[%mul3A_16, %dma_start3A_28] : memref<1280x128xi32, #tpu.memory_space<hbm>> -> memref<40x128xi32, #tpu.memory_space<hbm>>
      tpu.enqueue_dma source(%dma_start3A_29 : memref<40x128xi32, #tpu.memory_space<hbm>>) target(%arg4 : memref<40x128xi32, #tpu.memory_space<vmem>>) target_semaphore(%run_scoped3A : memref<!tpu.dma_semaphore, #tpu.memory_space<semaphore_mem>>)
      %dma_wait3A = arith.constant 0 : i32
      %dma_wait3A_30 = tpu.memref_slice %arg2[%mul3A_16, %dma_wait3A] : memref<1280x128xi32, #tpu.memory_space<hbm>> -> memref<40x128xi32, #tpu.memory_space<hbm>>
      %dma_wait3A_31 = arith.constant 0 : i32
      %dma_wait3A_32 = tpu.memref_slice %arg2[%mul3A_16, %dma_wait3A_31] : memref<1280x128xi32, #tpu.memory_space<hbm>> -> memref<40x128xi32, #tpu.memory_space<hbm>>
      tpu.wait_dma2 semaphore(%run_scoped3A : memref<!tpu.dma_semaphore, #tpu.memory_space<semaphore_mem>>) src(%dma_wait3A_32 : memref<40x128xi32, #tpu.memory_space<hbm>>) dst(%arg4 : memref<40x128xi32, #tpu.memory_space<vmem>>)
      tpu.yield
    }) : () -> ()
    %scan3A_17 = arith.constant 0 : i32
    %scan3A_18 = arith.constant 40 : i32
    %scan3A_19 = arith.addi %scan3A_17, %scan3A_18 : i32
    %scan3A_20 = arith.constant 1 : i32
    scf.for %scan3A_27 = %scan3A_17 to %scan3A_19 step %scan3A_20  : i32 {
      "tpu.region"() ({
        %run_scoped3A = tpu.sem_alloc : memref<!tpu.dma_semaphore, #tpu.memory_space<semaphore_mem>>
        %dma_start3A = arith.constant 0 : i32
        %dma_start3A_28 = tpu.memref_slice %arg4[%scan3A_27, %dma_start3A] : memref<40x128xi32, #tpu.memory_space<vmem>> -> memref<1x128xi32, #tpu.memory_space<vmem>>
        %dma_start3A_29 = tpu.memref_squeeze %dma_start3A_28 : memref<1x128xi32, #tpu.memory_space<vmem>> -> memref<128xi32, #tpu.memory_space<vmem>>
        %dma_start3A_30 = arith.constant 0 : i32
        %dma_start3A_31 = arith.constant 0 : i32
        %dma_start3A_32 = tpu.memref_slice %arg7[%dma_start3A_30, %dma_start3A_31] : memref<10240x16xf32, #tpu.memory_space<vmem_shared>> -> memref<10240x16xf32, #tpu.memory_space<vmem_shared>>
        tpu.enqueue_indirect_dma source(%arg5 : memref<128x16xf32, #tpu.memory_space<vmem>>) target(%dma_start3A_32 : memref<10240x16xf32, #tpu.memory_space<vmem_shared>>) offsets(%dma_start3A_29 : memref<128xi32, #tpu.memory_space<vmem>>) semaphore(%run_scoped3A : memref<!tpu.dma_semaphore, #tpu.memory_space<semaphore_mem>>) {add = true}
        %dma_wait3A = arith.constant 0 : i32
        %dma_wait3A_33 = tpu.memref_slice %arg4[%scan3A_27, %dma_wait3A] : memref<40x128xi32, #tpu.memory_space<vmem>> -> memref<1x128xi32, #tpu.memory_space<vmem>>
        %dma_wait3A_34 = tpu.memref_squeeze %dma_wait3A_33 : memref<1x128xi32, #tpu.memory_space<vmem>> -> memref<128xi32, #tpu.memory_space<vmem>>
        %dma_wait3A_35 = arith.constant 0 : i32
        %dma_wait3A_36 = arith.constant 0 : i32
        %dma_wait3A_37 = tpu.memref_slice %arg7[%dma_wait3A_35, %dma_wait3A_36] : memref<10240x16xf32, #tpu.memory_space<vmem_shared>> -> memref<10240x16xf32, #tpu.memory_space<vmem_shared>>
        tpu.wait_indirect_dma semaphore(%run_scoped3A : memref<!tpu.dma_semaphore, #tpu.memory_space<semaphore_mem>>) src(%arg5 : memref<128x16xf32, #tpu.memory_space<vmem>>) dst(%dma_wait3A_37 : memref<10240x16xf32, #tpu.memory_space<vmem_shared>>)
        tpu.yield
      }) : () -> ()
    }
    %scan3A_21 = arith.constant 40 : i32
    %barrier3A_22 = arith.constant 0 : index
    tpu.barrier barrier_id(%barrier3A_22)
    %mul3A_23 = arith.constant 640 : i32
    %mul3A_24 = arith.muli %arg1, %mul3A_23 : i32
    %mul3A_25 = arith.constant 640 : i32
    %mul3A_26 = arith.muli %arg1, %mul3A_25 : i32
    "tpu.region"() ({
      %run_scoped3A = tpu.sem_alloc : memref<!tpu.dma_semaphore, #tpu.memory_space<semaphore_mem>>
      %dma_start3A = arith.constant 0 : i32
      %dma_start3A_27 = tpu.memref_slice %arg3[%arg0, %mul3A_26, %dma_start3A] : memref<2x10240x16xf32, #tpu.memory_space<hbm>> -> memref<1x640x16xf32, #tpu.memory_space<hbm>>
      %dma_start3A_28 = tpu.memref_squeeze %dma_start3A_27 : memref<1x640x16xf32, #tpu.memory_space<hbm>> -> memref<640x16xf32, #tpu.memory_space<hbm>>
      %dma_start3A_29 = arith.constant 0 : i32
      %dma_start3A_30 = tpu.memref_slice %arg7[%mul3A_24, %dma_start3A_29] : memref<10240x16xf32, #tpu.memory_space<vmem_shared>> -> memref<640x16xf32, #tpu.memory_space<vmem_shared>>
      tpu.enqueue_dma source(%dma_start3A_30 : memref<640x16xf32, #tpu.memory_space<vmem_shared>>) target(%dma_start3A_28 : memref<640x16xf32, #tpu.memory_space<hbm>>) target_semaphore(%run_scoped3A : memref<!tpu.dma_semaphore, #tpu.memory_space<semaphore_mem>>)
      %dma_wait3A = arith.constant 0 : i32
      %dma_wait3A_31 = tpu.memref_slice %arg3[%arg0, %mul3A_26, %dma_wait3A] : memref<2x10240x16xf32, #tpu.memory_space<hbm>> -> memref<1x640x16xf32, #tpu.memory_space<hbm>>
      %dma_wait3A_32 = tpu.memref_squeeze %dma_wait3A_31 : memref<1x640x16xf32, #tpu.memory_space<hbm>> -> memref<640x16xf32, #tpu.memory_space<hbm>>
      %dma_wait3A_33 = arith.constant 0 : i32
      %dma_wait3A_34 = tpu.memref_slice %arg7[%mul3A_24, %dma_wait3A_33] : memref<10240x16xf32, #tpu.memory_space<vmem_shared>> -> memref<640x16xf32, #tpu.memory_space<vmem_shared>>
      tpu.wait_dma2 semaphore(%run_scoped3A : memref<!tpu.dma_semaphore, #tpu.memory_space<semaphore_mem>>) src(%dma_wait3A_34 : memref<640x16xf32, #tpu.memory_space<vmem_shared>>) dst(%dma_wait3A_32 : memref<640x16xf32, #tpu.memory_space<hbm>>)
      tpu.yield
    }) : () -> ()
    return
  }
}

#map = affine_map<(d0, d1) -> (0, 0)>
#map1 = affine_map<(d0, d1) -> (0, 0, 0)>
module attributes {stable_mosaic.version = 14 : i64} {
  func.func @scatter_kernel(%arg0: i32, %arg1: i32, %arg2: memref<10000x16xf32, #tpu.memory_space<hbm>>, %arg3: memref<1280x128xi32, #tpu.memory_space<hbm>>, %arg4: memref<1280x128xi32, #tpu.memory_space<hbm>>, %arg5: memref<2x10240x16xf32, #tpu.memory_space<hbm>>, %arg6: memref<56x128xi32, #tpu.memory_space<vmem>>, %arg7: memref<56x128xi32, #tpu.memory_space<vmem>>, %arg8: memref<512x16xf32, #tpu.memory_space<vmem>>, %arg9: memref<10240x16xf32, #tpu.memory_space<vmem_shared>>, %arg10: memref<!tpu.dma_semaphore, #tpu.memory_space<semaphore_mem>>, %arg11: memref<!tpu.dma_semaphore, #tpu.memory_space<semaphore_mem>>, %arg12: memref<10000x16xf32, #tpu.memory_space<vmem_shared>>) attributes {dimension_semantics = [#tpu.dimension_semantics<core_parallel>, #tpu.dimension_semantics<subcore_parallel>], iteration_bounds = array<i64: 2, 16>, scalar_prefetch = 0 : i64, scratch_operands = 7 : i64, tpu.core_type = #tpu.core_type<sc_vector_subcore>, window_params = [{transform_indices = #map}, {transform_indices = #map}, {transform_indices = #map}, {transform_indices = #map1}]} {
    %mul3A = arith.constant 625 : i32
    %mul3A_0 = arith.muli %arg1, %mul3A : i32
    %mul3A_1 = arith.constant 625 : i32
    %mul3A_2 = arith.muli %arg1, %mul3A_1 : i32
    "tpu.region"() ({
      %run_scoped3A = tpu.sem_alloc : memref<!tpu.dma_semaphore, #tpu.memory_space<semaphore_mem>>
      %dma_start3A = arith.constant 0 : i32
      %dma_start3A_27 = tpu.memref_slice %arg12[%mul3A_2, %dma_start3A] : memref<10000x16xf32, #tpu.memory_space<vmem_shared>> -> memref<625x16xf32, #tpu.memory_space<vmem_shared>>
      %dma_start3A_28 = arith.constant 0 : i32
      %dma_start3A_29 = tpu.memref_slice %arg2[%mul3A_0, %dma_start3A_28] : memref<10000x16xf32, #tpu.memory_space<hbm>> -> memref<625x16xf32, #tpu.memory_space<hbm>>
      tpu.enqueue_dma source(%dma_start3A_29 : memref<625x16xf32, #tpu.memory_space<hbm>>) target(%dma_start3A_27 : memref<625x16xf32, #tpu.memory_space<vmem_shared>>) target_semaphore(%run_scoped3A : memref<!tpu.dma_semaphore, #tpu.memory_space<semaphore_mem>>)
      %dma_wait3A = arith.constant 0 : i32
      %dma_wait3A_30 = tpu.memref_slice %arg12[%mul3A_2, %dma_wait3A] : memref<10000x16xf32, #tpu.memory_space<vmem_shared>> -> memref<625x16xf32, #tpu.memory_space<vmem_shared>>
      %dma_wait3A_31 = arith.constant 0 : i32
      %dma_wait3A_32 = tpu.memref_slice %arg2[%mul3A_0, %dma_wait3A_31] : memref<10000x16xf32, #tpu.memory_space<hbm>> -> memref<625x16xf32, #tpu.memory_space<hbm>>
      tpu.wait_dma2 semaphore(%run_scoped3A : memref<!tpu.dma_semaphore, #tpu.memory_space<semaphore_mem>>) src(%dma_wait3A_32 : memref<625x16xf32, #tpu.memory_space<hbm>>) dst(%dma_wait3A_30 : memref<625x16xf32, #tpu.memory_space<vmem_shared>>)
      tpu.yield
    }) : () -> ()
    %broadcast_in_dim3A = arith.constant 0.000000e+00 : f32
    %broadcast_in_dim3A_3 = vector.broadcast %broadcast_in_dim3A : f32 to vector<16xf32>
    %scan3A = arith.constant 0 : i32
    %scan3A_4 = arith.constant 512 : i32
    %scan3A_5 = arith.addi %scan3A, %scan3A_4 : i32
    %scan3A_6 = arith.constant 1 : i32
    scf.for %scan3A_27 = %scan3A to %scan3A_5 step %scan3A_6  : i32 {
      %swap3A = arith.index_cast %scan3A_27 : i32 to index
      %swap3A_28 = arith.constant 0 : index
      %swap3A_29 = tpu.vector_load %arg8[%swap3A, %swap3A_28] {strides = array<i32>} : memref<512x16xf32, #tpu.memory_space<vmem>>, vector<1x16xf32>,
      %swap3A_30 = vector.shape_cast %swap3A_29 : vector<1x16xf32> to vector<16xf32>
      %swap3A_31 = vector.shape_cast %broadcast_in_dim3A_3 : vector<16xf32> to vector<1x16xf32>
      tpu.vector_store %arg8[%swap3A, %swap3A_28], %swap3A_31 {strides = array<i32>} : memref<512x16xf32, #tpu.memory_space<vmem>>, vector<1x16xf32>,
    }
    %scan3A_7 = arith.constant 512 : i32
    %mul3A_8 = arith.constant 640 : i32
    %mul3A_9 = arith.muli %arg1, %mul3A_8 : i32
    %add3A = arith.constant 0 : i32
    %add3A_10 = arith.addi %mul3A_9, %add3A : i32
    "tpu.region"() ({
      %run_scoped3A = tpu.sem_alloc : memref<!tpu.dma_semaphore, #tpu.memory_space<semaphore_mem>>
      %dma_start3A = arith.constant 0 : i32
      %dma_start3A_27 = arith.constant 0 : i32
      %dma_start3A_28 = tpu.memref_slice %arg8[%dma_start3A, %dma_start3A_27] : memref<512x16xf32, #tpu.memory_space<vmem>> -> memref<512x16xf32, #tpu.memory_space<vmem>>
      %dma_start3A_29 = arith.constant 0 : i32
      %dma_start3A_30 = tpu.memref_slice %arg9[%add3A_10, %dma_start3A_29] : memref<10240x16xf32, #tpu.memory_space<vmem_shared>> -> memref<512x16xf32, #tpu.memory_space<vmem_shared>>
      %dma_start3A_31 = arith.constant 0 : i32
      %dma_start3A_32 = tpu.memref_slice %arg9[%add3A_10, %dma_start3A_31] : memref<10240x16xf32, #tpu.memory_space<vmem_shared>> -> memref<512x16xf32, #tpu.memory_space<vmem_shared>>
      %dma_start3A_33 = arith.constant 0 : i32
      %dma_start3A_34 = arith.constant 0 : i32
      %dma_start3A_35 = tpu.memref_slice %arg8[%dma_start3A_33, %dma_start3A_34] : memref<512x16xf32, #tpu.memory_space<vmem>> -> memref<512x16xf32, #tpu.memory_space<vmem>>
      tpu.enqueue_dma source(%dma_start3A_35 : memref<512x16xf32, #tpu.memory_space<vmem>>) target(%dma_start3A_32 : memref<512x16xf32, #tpu.memory_space<vmem_shared>>) target_semaphore(%run_scoped3A : memref<!tpu.dma_semaphore, #tpu.memory_space<semaphore_mem>>)
      %dma_wait3A = arith.constant 0 : i32
      %dma_wait3A_36 = arith.constant 0 : i32
      %dma_wait3A_37 = tpu.memref_slice %arg8[%dma_wait3A, %dma_wait3A_36] : memref<512x16xf32, #tpu.memory_space<vmem>> -> memref<512x16xf32, #tpu.memory_space<vmem>>
      %dma_wait3A_38 = arith.constant 0 : i32
      %dma_wait3A_39 = tpu.memref_slice %arg9[%add3A_10, %dma_wait3A_38] : memref<10240x16xf32, #tpu.memory_space<vmem_shared>> -> memref<512x16xf32, #tpu.memory_space<vmem_shared>>
      %dma_wait3A_40 = arith.constant 0 : i32
      %dma_wait3A_41 = tpu.memref_slice %arg9[%add3A_10, %dma_wait3A_40] : memref<10240x16xf32, #tpu.memory_space<vmem_shared>> -> memref<512x16xf32, #tpu.memory_space<vmem_shared>>
      %dma_wait3A_42 = arith.constant 0 : i32
      %dma_wait3A_43 = arith.constant 0 : i32
      %dma_wait3A_44 = tpu.memref_slice %arg8[%dma_wait3A_42, %dma_wait3A_43] : memref<512x16xf32, #tpu.memory_space<vmem>> -> memref<512x16xf32, #tpu.memory_space<vmem>>
      tpu.wait_dma2 semaphore(%run_scoped3A : memref<!tpu.dma_semaphore, #tpu.memory_space<semaphore_mem>>) src(%dma_wait3A_44 : memref<512x16xf32, #tpu.memory_space<vmem>>) dst(%dma_wait3A_41 : memref<512x16xf32, #tpu.memory_space<vmem_shared>>)
      tpu.yield
    }) : () -> ()
    %mul3A_11 = arith.constant 640 : i32
    %mul3A_12 = arith.muli %arg1, %mul3A_11 : i32
    %add3A_13 = arith.constant 512 : i32
    %add3A_14 = arith.addi %mul3A_12, %add3A_13 : i32
    "tpu.region"() ({
      %run_scoped3A = tpu.sem_alloc : memref<!tpu.dma_semaphore, #tpu.memory_space<semaphore_mem>>
      %dma_start3A = arith.constant 0 : i32
      %dma_start3A_27 = arith.constant 0 : i32
      %dma_start3A_28 = tpu.memref_slice %arg8[%dma_start3A, %dma_start3A_27] : memref<512x16xf32, #tpu.memory_space<vmem>> -> memref<128x16xf32, #tpu.memory_space<vmem>>
      %dma_start3A_29 = arith.constant 0 : i32
      %dma_start3A_30 = tpu.memref_slice %arg9[%add3A_14, %dma_start3A_29] : memref<10240x16xf32, #tpu.memory_space<vmem_shared>> -> memref<128x16xf32, #tpu.memory_space<vmem_shared>>
      %dma_start3A_31 = arith.constant 0 : i32
      %dma_start3A_32 = tpu.memref_slice %arg9[%add3A_14, %dma_start3A_31] : memref<10240x16xf32, #tpu.memory_space<vmem_shared>> -> memref<128x16xf32, #tpu.memory_space<vmem_shared>>
      %dma_start3A_33 = arith.constant 0 : i32
      %dma_start3A_34 = arith.constant 0 : i32
      %dma_start3A_35 = tpu.memref_slice %arg8[%dma_start3A_33, %dma_start3A_34] : memref<512x16xf32, #tpu.memory_space<vmem>> -> memref<128x16xf32, #tpu.memory_space<vmem>>
      tpu.enqueue_dma source(%dma_start3A_35 : memref<128x16xf32, #tpu.memory_space<vmem>>) target(%dma_start3A_32 : memref<128x16xf32, #tpu.memory_space<vmem_shared>>) target_semaphore(%run_scoped3A : memref<!tpu.dma_semaphore, #tpu.memory_space<semaphore_mem>>)
      %dma_wait3A = arith.constant 0 : i32
      %dma_wait3A_36 = arith.constant 0 : i32
      %dma_wait3A_37 = tpu.memref_slice %arg8[%dma_wait3A, %dma_wait3A_36] : memref<512x16xf32, #tpu.memory_space<vmem>> -> memref<128x16xf32, #tpu.memory_space<vmem>>
      %dma_wait3A_38 = arith.constant 0 : i32
      %dma_wait3A_39 = tpu.memref_slice %arg9[%add3A_14, %dma_wait3A_38] : memref<10240x16xf32, #tpu.memory_space<vmem_shared>> -> memref<128x16xf32, #tpu.memory_space<vmem_shared>>
      %dma_wait3A_40 = arith.constant 0 : i32
      %dma_wait3A_41 = tpu.memref_slice %arg9[%add3A_14, %dma_wait3A_40] : memref<10240x16xf32, #tpu.memory_space<vmem_shared>> -> memref<128x16xf32, #tpu.memory_space<vmem_shared>>
      %dma_wait3A_42 = arith.constant 0 : i32
      %dma_wait3A_43 = arith.constant 0 : i32
      %dma_wait3A_44 = tpu.memref_slice %arg8[%dma_wait3A_42, %dma_wait3A_43] : memref<512x16xf32, #tpu.memory_space<vmem>> -> memref<128x16xf32, #tpu.memory_space<vmem>>
      tpu.wait_dma2 semaphore(%run_scoped3A : memref<!tpu.dma_semaphore, #tpu.memory_space<semaphore_mem>>) src(%dma_wait3A_44 : memref<128x16xf32, #tpu.memory_space<vmem>>) dst(%dma_wait3A_41 : memref<128x16xf32, #tpu.memory_space<vmem_shared>>)
      tpu.yield
    }) : () -> ()
    %barrier3A = arith.constant 0 : index
    tpu.barrier barrier_id(%barrier3A)
    %eq3A = arith.constant 0 : i32
    %eq3A_15 = arith.cmpi eq, %arg0, %eq3A : i32
    %convert_element_type3A = arith.extui %eq3A_15 : i1 to i32
    %cond3A = arith.constant 0 : i32
    %cond3A_16 = arith.cmpi ne, %convert_element_type3A, %cond3A : i32
    scf.if %cond3A_16 {
      %mul3A_27 = arith.constant 56 : i32
      %mul3A_28 = arith.muli %arg1, %mul3A_27 : i32
      "tpu.region"() ({
        %run_scoped3A = tpu.sem_alloc : memref<!tpu.dma_semaphore, #tpu.memory_space<semaphore_mem>>
        %dma_start3A_53 = arith.constant 0 : i32
        %dma_start3A_54 = arith.constant 0 : i32
        %dma_start3A_55 = tpu.memref_slice %arg6[%dma_start3A_53, %dma_start3A_54] : memref<56x128xi32, #tpu.memory_space<vmem>> -> memref<56x128xi32, #tpu.memory_space<vmem>>
        %dma_start3A_56 = arith.constant 0 : i32
        %dma_start3A_57 = tpu.memref_slice %arg3[%mul3A_28, %dma_start3A_56] : memref<1280x128xi32, #tpu.memory_space<hbm>> -> memref<56x128xi32, #tpu.memory_space<hbm>>
        %dma_start3A_58 = arith.constant 0 : i32
        %dma_start3A_59 = arith.constant 0 : i32
        %dma_start3A_60 = tpu.memref_slice %arg6[%dma_start3A_58, %dma_start3A_59] : memref<56x128xi32, #tpu.memory_space<vmem>> -> memref<56x128xi32, #tpu.memory_space<vmem>>
        %dma_start3A_61 = arith.constant 0 : i32
        %dma_start3A_62 = tpu.memref_slice %arg3[%mul3A_28, %dma_start3A_61] : memref<1280x128xi32, #tpu.memory_space<hbm>> -> memref<56x128xi32, #tpu.memory_space<hbm>>
        tpu.enqueue_dma source(%dma_start3A_62 : memref<56x128xi32, #tpu.memory_space<hbm>>) target(%dma_start3A_60 : memref<56x128xi32, #tpu.memory_space<vmem>>) target_semaphore(%run_scoped3A : memref<!tpu.dma_semaphore, #tpu.memory_space<semaphore_mem>>)
        %dma_wait3A = arith.constant 0 : i32
        %dma_wait3A_63 = arith.constant 0 : i32
        %dma_wait3A_64 = tpu.memref_slice %arg6[%dma_wait3A, %dma_wait3A_63] : memref<56x128xi32, #tpu.memory_space<vmem>> -> memref<56x128xi32, #tpu.memory_space<vmem>>
        %dma_wait3A_65 = arith.constant 0 : i32
        %dma_wait3A_66 = tpu.memref_slice %arg3[%mul3A_28, %dma_wait3A_65] : memref<1280x128xi32, #tpu.memory_space<hbm>> -> memref<56x128xi32, #tpu.memory_space<hbm>>
        %dma_wait3A_67 = arith.constant 0 : i32
        %dma_wait3A_68 = arith.constant 0 : i32
        %dma_wait3A_69 = tpu.memref_slice %arg6[%dma_wait3A_67, %dma_wait3A_68] : memref<56x128xi32, #tpu.memory_space<vmem>> -> memref<56x128xi32, #tpu.memory_space<vmem>>
        %dma_wait3A_70 = arith.constant 0 : i32
        %dma_wait3A_71 = tpu.memref_slice %arg3[%mul3A_28, %dma_wait3A_70] : memref<1280x128xi32, #tpu.memory_space<hbm>> -> memref<56x128xi32, #tpu.memory_space<hbm>>
        tpu.wait_dma2 semaphore(%run_scoped3A : memref<!tpu.dma_semaphore, #tpu.memory_space<semaphore_mem>>) src(%dma_wait3A_71 : memref<56x128xi32, #tpu.memory_space<hbm>>) dst(%dma_wait3A_69 : memref<56x128xi32, #tpu.memory_space<vmem>>)
        tpu.yield
      }) : () -> ()
      "tpu.region"() ({
        %run_scoped3A = tpu.sem_alloc : memref<!tpu.dma_semaphore, #tpu.memory_space<semaphore_mem>>
        %dma_start3A_53 = arith.constant 0 : i32
        %dma_start3A_54 = arith.constant 0 : i32
        %dma_start3A_55 = tpu.memref_slice %arg7[%dma_start3A_53, %dma_start3A_54] : memref<56x128xi32, #tpu.memory_space<vmem>> -> memref<56x128xi32, #tpu.memory_space<vmem>>
        %dma_start3A_56 = arith.constant 0 : i32
        %dma_start3A_57 = tpu.memref_slice %arg4[%mul3A_28, %dma_start3A_56] : memref<1280x128xi32, #tpu.memory_space<hbm>> -> memref<56x128xi32, #tpu.memory_space<hbm>>
        %dma_start3A_58 = arith.constant 0 : i32
        %dma_start3A_59 = arith.constant 0 : i32
        %dma_start3A_60 = tpu.memref_slice %arg7[%dma_start3A_58, %dma_start3A_59] : memref<56x128xi32, #tpu.memory_space<vmem>> -> memref<56x128xi32, #tpu.memory_space<vmem>>
        %dma_start3A_61 = arith.constant 0 : i32
        %dma_start3A_62 = tpu.memref_slice %arg4[%mul3A_28, %dma_start3A_61] : memref<1280x128xi32, #tpu.memory_space<hbm>> -> memref<56x128xi32, #tpu.memory_space<hbm>>
        tpu.enqueue_dma source(%dma_start3A_62 : memref<56x128xi32, #tpu.memory_space<hbm>>) target(%dma_start3A_60 : memref<56x128xi32, #tpu.memory_space<vmem>>) target_semaphore(%run_scoped3A : memref<!tpu.dma_semaphore, #tpu.memory_space<semaphore_mem>>)
        %dma_wait3A = arith.constant 0 : i32
        %dma_wait3A_63 = arith.constant 0 : i32
        %dma_wait3A_64 = tpu.memref_slice %arg7[%dma_wait3A, %dma_wait3A_63] : memref<56x128xi32, #tpu.memory_space<vmem>> -> memref<56x128xi32, #tpu.memory_space<vmem>>
        %dma_wait3A_65 = arith.constant 0 : i32
        %dma_wait3A_66 = tpu.memref_slice %arg4[%mul3A_28, %dma_wait3A_65] : memref<1280x128xi32, #tpu.memory_space<hbm>> -> memref<56x128xi32, #tpu.memory_space<hbm>>
        %dma_wait3A_67 = arith.constant 0 : i32
        %dma_wait3A_68 = arith.constant 0 : i32
        %dma_wait3A_69 = tpu.memref_slice %arg7[%dma_wait3A_67, %dma_wait3A_68] : memref<56x128xi32, #tpu.memory_space<vmem>> -> memref<56x128xi32, #tpu.memory_space<vmem>>
        %dma_wait3A_70 = arith.constant 0 : i32
        %dma_wait3A_71 = tpu.memref_slice %arg4[%mul3A_28, %dma_wait3A_70] : memref<1280x128xi32, #tpu.memory_space<hbm>> -> memref<56x128xi32, #tpu.memory_space<hbm>>
        tpu.wait_dma2 semaphore(%run_scoped3A : memref<!tpu.dma_semaphore, #tpu.memory_space<semaphore_mem>>) src(%dma_wait3A_71 : memref<56x128xi32, #tpu.memory_space<hbm>>) dst(%dma_wait3A_69 : memref<56x128xi32, #tpu.memory_space<vmem>>)
        tpu.yield
      }) : () -> ()
      %dma_start3A = arith.constant 0 : i32
      %dma_start3A_29 = arith.constant 0 : i32
      %dma_start3A_30 = arith.constant 0 : i32
      %dma_start3A_31 = tpu.memref_slice %arg8[%dma_start3A_29, %dma_start3A_30] : memref<512x16xf32, #tpu.memory_space<vmem>> -> memref<128x16xf32, #tpu.memory_space<vmem>>
      %dma_start3A_32 = arith.constant 0 : i32
      %dma_start3A_33 = tpu.memref_slice %arg6[%dma_start3A, %dma_start3A_32] : memref<56x128xi32, #tpu.memory_space<vmem>> -> memref<1x128xi32, #tpu.memory_space<vmem>>
      %dma_start3A_34 = tpu.memref_squeeze %dma_start3A_33 : memref<1x128xi32, #tpu.memory_space<vmem>> -> memref<128xi32, #tpu.memory_space<vmem>>
      %dma_start3A_35 = arith.constant 0 : i32
      %dma_start3A_36 = arith.constant 0 : i32
      %dma_start3A_37 = tpu.memref_slice %arg12[%dma_start3A_35, %dma_start3A_36] : memref<10000x16xf32, #tpu.memory_space<vmem_shared>> -> memref<10000x16xf32, #tpu.memory_space<vmem_shared>>
      tpu.enqueue_indirect_dma source(%dma_start3A_37 : memref<10000x16xf32, #tpu.memory_space<vmem_shared>>) target(%dma_start3A_31 : memref<128x16xf32, #tpu.memory_space<vmem>>) offsets(%dma_start3A_34 : memref<128xi32, #tpu.memory_space<vmem>>) semaphore(%arg10 : memref<!tpu.dma_semaphore, #tpu.memory_space<semaphore_mem>>)
      %dma_start3A_38 = arith.constant 1 : i32
      %dma_start3A_39 = arith.constant 128 : i32
      %dma_start3A_40 = arith.constant 0 : i32
      %dma_start3A_41 = tpu.memref_slice %arg8[%dma_start3A_39, %dma_start3A_40] : memref<512x16xf32, #tpu.memory_space<vmem>> -> memref<128x16xf32, #tpu.memory_space<vmem>>
      %dma_start3A_42 = arith.constant 0 : i32
      %dma_start3A_43 = tpu.memref_slice %arg6[%dma_start3A_38, %dma_start3A_42] : memref<56x128xi32, #tpu.memory_space<vmem>> -> memref<1x128xi32, #tpu.memory_space<vmem>>
      %dma_start3A_44 = tpu.memref_squeeze %dma_start3A_43 : memref<1x128xi32, #tpu.memory_space<vmem>> -> memref<128xi32, #tpu.memory_space<vmem>>
      %dma_start3A_45 = arith.constant 0 : i32
      %dma_start3A_46 = arith.constant 0 : i32
      %dma_start3A_47 = tpu.memref_slice %arg12[%dma_start3A_45, %dma_start3A_46] : memref<10000x16xf32, #tpu.memory_space<vmem_shared>> -> memref<10000x16xf32, #tpu.memory_space<vmem_shared>>
      tpu.enqueue_indirect_dma source(%dma_start3A_47 : memref<10000x16xf32, #tpu.memory_space<vmem_shared>>) target(%dma_start3A_41 : memref<128x16xf32, #tpu.memory_space<vmem>>) offsets(%dma_start3A_44 : memref<128xi32, #tpu.memory_space<vmem>>) semaphore(%arg10 : memref<!tpu.dma_semaphore, #tpu.memory_space<semaphore_mem>>)
      %scan3A_48 = arith.constant 0 : i32
      %scan3A_49 = arith.constant 14 : i32
      %scan3A_50 = arith.addi %scan3A_48, %scan3A_49 : i32
      %scan3A_51 = arith.constant 1 : i32
      scf.for %scan3A_53 = %scan3A_48 to %scan3A_50 step %scan3A_51  : i32 {
        %mul3A_54 = arith.constant 2 : i32
        %mul3A_55 = arith.muli %mul3A_54, %scan3A_53 : i32
        %add3A_56 = arith.constant 1 : i32
        %add3A_57 = arith.addi %mul3A_55, %add3A_56 : i32
        %mul3A_58 = arith.constant 2 : i32
        %mul3A_59 = arith.muli %add3A_57, %mul3A_58 : i32
        %add3A_60 = arith.constant 0 : i32
        %add3A_61 = arith.addi %mul3A_59, %add3A_60 : i32
        %dma_start3A_62 = arith.constant 256 : i32
        %dma_start3A_63 = arith.constant 0 : i32
        %dma_start3A_64 = tpu.memref_slice %arg8[%dma_start3A_62, %dma_start3A_63] : memref<512x16xf32, #tpu.memory_space<vmem>> -> memref<128x16xf32, #tpu.memory_space<vmem>>
        %dma_start3A_65 = arith.constant 0 : i32
        %dma_start3A_66 = tpu.memref_slice %arg6[%add3A_61, %dma_start3A_65] : memref<56x128xi32, #tpu.memory_space<vmem>> -> memref<1x128xi32, #tpu.memory_space<vmem>>
        %dma_start3A_67 = tpu.memref_squeeze %dma_start3A_66 : memref<1x128xi32, #tpu.memory_space<vmem>> -> memref<128xi32, #tpu.memory_space<vmem>>
        %dma_start3A_68 = arith.constant 0 : i32
        %dma_start3A_69 = arith.constant 0 : i32
        %dma_start3A_70 = tpu.memref_slice %arg12[%dma_start3A_68, %dma_start3A_69] : memref<10000x16xf32, #tpu.memory_space<vmem_shared>> -> memref<10000x16xf32, #tpu.memory_space<vmem_shared>>
        tpu.enqueue_indirect_dma source(%dma_start3A_70 : memref<10000x16xf32, #tpu.memory_space<vmem_shared>>) target(%dma_start3A_64 : memref<128x16xf32, #tpu.memory_space<vmem>>) offsets(%dma_start3A_67 : memref<128xi32, #tpu.memory_space<vmem>>) semaphore(%arg11 : memref<!tpu.dma_semaphore, #tpu.memory_space<semaphore_mem>>)
        %add3A_71 = arith.constant 1 : i32
        %add3A_72 = arith.addi %mul3A_59, %add3A_71 : i32
        %dma_start3A_73 = arith.constant 384 : i32
        %dma_start3A_74 = arith.constant 0 : i32
        %dma_start3A_75 = tpu.memref_slice %arg8[%dma_start3A_73, %dma_start3A_74] : memref<512x16xf32, #tpu.memory_space<vmem>> -> memref<128x16xf32, #tpu.memory_space<vmem>>
        %dma_start3A_76 = arith.constant 0 : i32
        %dma_start3A_77 = tpu.memref_slice %arg6[%add3A_72, %dma_start3A_76] : memref<56x128xi32, #tpu.memory_space<vmem>> -> memref<1x128xi32, #tpu.memory_space<vmem>>
        %dma_start3A_78 = tpu.memref_squeeze %dma_start3A_77 : memref<1x128xi32, #tpu.memory_space<vmem>> -> memref<128xi32, #tpu.memory_space<vmem>>
        %dma_start3A_79 = arith.constant 0 : i32
        %dma_start3A_80 = arith.constant 0 : i32
        %dma_start3A_81 = tpu.memref_slice %arg12[%dma_start3A_79, %dma_start3A_80] : memref<10000x16xf32, #tpu.memory_space<vmem_shared>> -> memref<10000x16xf32, #tpu.memory_space<vmem_shared>>
        tpu.enqueue_indirect_dma source(%dma_start3A_81 : memref<10000x16xf32, #tpu.memory_space<vmem_shared>>) target(%dma_start3A_75 : memref<128x16xf32, #tpu.memory_space<vmem>>) offsets(%dma_start3A_78 : memref<128xi32, #tpu.memory_space<vmem>>) semaphore(%arg11 : memref<!tpu.dma_semaphore, #tpu.memory_space<semaphore_mem>>)
        %dma_wait3A = arith.constant 0 : i32
        %dma_wait3A_82 = arith.constant 0 : i32
        %dma_wait3A_83 = arith.constant 0 : i32
        %dma_wait3A_84 = tpu.memref_slice %arg8[%dma_wait3A_82, %dma_wait3A_83] : memref<512x16xf32, #tpu.memory_space<vmem>> -> memref<128x16xf32, #tpu.memory_space<vmem>>
        %dma_wait3A_85 = arith.constant 0 : i32
        %dma_wait3A_86 = tpu.memref_slice %arg6[%dma_wait3A, %dma_wait3A_85] : memref<56x128xi32, #tpu.memory_space<vmem>> -> memref<1x128xi32, #tpu.memory_space<vmem>>
        %dma_wait3A_87 = tpu.memref_squeeze %dma_wait3A_86 : memref<1x128xi32, #tpu.memory_space<vmem>> -> memref<128xi32, #tpu.memory_space<vmem>>
        %dma_wait3A_88 = arith.constant 0 : i32
        %dma_wait3A_89 = arith.constant 0 : i32
        %dma_wait3A_90 = tpu.memref_slice %arg12[%dma_wait3A_88, %dma_wait3A_89] : memref<10000x16xf32, #tpu.memory_space<vmem_shared>> -> memref<10000x16xf32, #tpu.memory_space<vmem_shared>>
        tpu.wait_indirect_dma semaphore(%arg10 : memref<!tpu.dma_semaphore, #tpu.memory_space<semaphore_mem>>) src(%dma_wait3A_90 : memref<10000x16xf32, #tpu.memory_space<vmem_shared>>) dst(%dma_wait3A_84 : memref<128x16xf32, #tpu.memory_space<vmem>>)
        %dma_wait3A_91 = arith.constant 0 : i32
        %dma_wait3A_92 = arith.constant 128 : i32
        %dma_wait3A_93 = arith.constant 0 : i32
        %dma_wait3A_94 = tpu.memref_slice %arg8[%dma_wait3A_92, %dma_wait3A_93] : memref<512x16xf32, #tpu.memory_space<vmem>> -> memref<128x16xf32, #tpu.memory_space<vmem>>
        %dma_wait3A_95 = arith.constant 0 : i32
        %dma_wait3A_96 = tpu.memref_slice %arg6[%dma_wait3A_91, %dma_wait3A_95] : memref<56x128xi32, #tpu.memory_space<vmem>> -> memref<1x128xi32, #tpu.memory_space<vmem>>
        %dma_wait3A_97 = tpu.memref_squeeze %dma_wait3A_96 : memref<1x128xi32, #tpu.memory_space<vmem>> -> memref<128xi32, #tpu.memory_space<vmem>>
        %dma_wait3A_98 = arith.constant 0 : i32
        %dma_wait3A_99 = arith.constant 0 : i32
        %dma_wait3A_100 = tpu.memref_slice %arg12[%dma_wait3A_98, %dma_wait3A_99] : memref<10000x16xf32, #tpu.memory_space<vmem_shared>> -> memref<10000x16xf32, #tpu.memory_space<vmem_shared>>
        tpu.wait_indirect_dma semaphore(%arg10 : memref<!tpu.dma_semaphore, #tpu.memory_space<semaphore_mem>>) src(%dma_wait3A_100 : memref<10000x16xf32, #tpu.memory_space<vmem_shared>>) dst(%dma_wait3A_94 : memref<128x16xf32, #tpu.memory_space<vmem>>)
        %mul3A_101 = arith.constant 2 : i32
        %mul3A_102 = arith.muli %mul3A_101, %scan3A_53 : i32
        %mul3A_103 = arith.constant 2 : i32
        %mul3A_104 = arith.muli %mul3A_102, %mul3A_103 : i32
        %add3A_105 = arith.constant 0 : i32
        %add3A_106 = arith.addi %mul3A_104, %add3A_105 : i32
        "tpu.region"() ({
          %run_scoped3A = tpu.sem_alloc : memref<!tpu.dma_semaphore, #tpu.memory_space<semaphore_mem>>
          %dma_start3A_143 = arith.constant 0 : i32
          %dma_start3A_144 = arith.constant 0 : i32
          %dma_start3A_145 = tpu.memref_slice %arg8[%dma_start3A_143, %dma_start3A_144] : memref<512x16xf32, #tpu.memory_space<vmem>> -> memref<128x16xf32, #tpu.memory_space<vmem>>
          %dma_start3A_146 = arith.constant 0 : i32
          %dma_start3A_147 = tpu.memref_slice %arg7[%add3A_106, %dma_start3A_146] : memref<56x128xi32, #tpu.memory_space<vmem>> -> memref<1x128xi32, #tpu.memory_space<vmem>>
          %dma_start3A_148 = tpu.memref_squeeze %dma_start3A_147 : memref<1x128xi32, #tpu.memory_space<vmem>> -> memref<128xi32, #tpu.memory_space<vmem>>
          %dma_start3A_149 = arith.constant 0 : i32
          %dma_start3A_150 = arith.constant 0 : i32
          %dma_start3A_151 = tpu.memref_slice %arg9[%dma_start3A_149, %dma_start3A_150] : memref<10240x16xf32, #tpu.memory_space<vmem_shared>> -> memref<10240x16xf32, #tpu.memory_space<vmem_shared>>
          tpu.enqueue_indirect_dma source(%dma_start3A_145 : memref<128x16xf32, #tpu.memory_space<vmem>>) target(%dma_start3A_151 : memref<10240x16xf32, #tpu.memory_space<vmem_shared>>) offsets(%dma_start3A_148 : memref<128xi32, #tpu.memory_space<vmem>>) semaphore(%run_scoped3A : memref<!tpu.dma_semaphore, #tpu.memory_space<semaphore_mem>>) {add = true}
          %dma_wait3A_152 = arith.constant 0 : i32
          %dma_wait3A_153 = arith.constant 0 : i32
          %dma_wait3A_154 = tpu.memref_slice %arg8[%dma_wait3A_152, %dma_wait3A_153] : memref<512x16xf32, #tpu.memory_space<vmem>> -> memref<128x16xf32, #tpu.memory_space<vmem>>
          %dma_wait3A_155 = arith.constant 0 : i32
          %dma_wait3A_156 = tpu.memref_slice %arg7[%add3A_106, %dma_wait3A_155] : memref<56x128xi32, #tpu.memory_space<vmem>> -> memref<1x128xi32, #tpu.memory_space<vmem>>
          %dma_wait3A_157 = tpu.memref_squeeze %dma_wait3A_156 : memref<1x128xi32, #tpu.memory_space<vmem>> -> memref<128xi32, #tpu.memory_space<vmem>>
          %dma_wait3A_158 = arith.constant 0 : i32
          %dma_wait3A_159 = arith.constant 0 : i32
          %dma_wait3A_160 = tpu.memref_slice %arg9[%dma_wait3A_158, %dma_wait3A_159] : memref<10240x16xf32, #tpu.memory_space<vmem_shared>> -> memref<10240x16xf32, #tpu.memory_space<vmem_shared>>
          tpu.wait_indirect_dma semaphore(%run_scoped3A : memref<!tpu.dma_semaphore, #tpu.memory_space<semaphore_mem>>) src(%dma_wait3A_154 : memref<128x16xf32, #tpu.memory_space<vmem>>) dst(%dma_wait3A_160 : memref<10240x16xf32, #tpu.memory_space<vmem_shared>>)
          tpu.yield
        }) : () -> ()
        %add3A_107 = arith.constant 1 : i32
        %add3A_108 = arith.addi %mul3A_104, %add3A_107 : i32
        "tpu.region"() ({
          %run_scoped3A = tpu.sem_alloc : memref<!tpu.dma_semaphore, #tpu.memory_space<semaphore_mem>>
          %dma_start3A_143 = arith.constant 128 : i32
          %dma_start3A_144 = arith.constant 0 : i32
          %dma_start3A_145 = tpu.memref_slice %arg8[%dma_start3A_143, %dma_start3A_144] : memref<512x16xf32, #tpu.memory_space<vmem>> -> memref<128x16xf32, #tpu.memory_space<vmem>>
          %dma_start3A_146 = arith.constant 0 : i32
          %dma_start3A_147 = tpu.memref_slice %arg7[%add3A_108, %dma_start3A_146] : memref<56x128xi32, #tpu.memory_space<vmem>> -> memref<1x128xi32, #tpu.memory_space<vmem>>
          %dma_start3A_148 = tpu.memref_squeeze %dma_start3A_147 : memref<1x128xi32, #tpu.memory_space<vmem>> -> memref<128xi32, #tpu.memory_space<vmem>>
          %dma_start3A_149 = arith.constant 0 : i32
          %dma_start3A_150 = arith.constant 0 : i32
          %dma_start3A_151 = tpu.memref_slice %arg9[%dma_start3A_149, %dma_start3A_150] : memref<10240x16xf32, #tpu.memory_space<vmem_shared>> -> memref<10240x16xf32, #tpu.memory_space<vmem_shared>>
          tpu.enqueue_indirect_dma source(%dma_start3A_145 : memref<128x16xf32, #tpu.memory_space<vmem>>) target(%dma_start3A_151 : memref<10240x16xf32, #tpu.memory_space<vmem_shared>>) offsets(%dma_start3A_148 : memref<128xi32, #tpu.memory_space<vmem>>) semaphore(%run_scoped3A : memref<!tpu.dma_semaphore, #tpu.memory_space<semaphore_mem>>) {add = true}
          %dma_wait3A_152 = arith.constant 128 : i32
          %dma_wait3A_153 = arith.constant 0 : i32
          %dma_wait3A_154 = tpu.memref_slice %arg8[%dma_wait3A_152, %dma_wait3A_153] : memref<512x16xf32, #tpu.memory_space<vmem>> -> memref<128x16xf32, #tpu.memory_space<vmem>>
          %dma_wait3A_155 = arith.constant 0 : i32
          %dma_wait3A_156 = tpu.memref_slice %arg7[%add3A_108, %dma_wait3A_155] : memref<56x128xi32, #tpu.memory_space<vmem>> -> memref<1x128xi32, #tpu.memory_space<vmem>>
          %dma_wait3A_157 = tpu.memref_squeeze %dma_wait3A_156 : memref<1x128xi32, #tpu.memory_space<vmem>> -> memref<128xi32, #tpu.memory_space<vmem>>
          %dma_wait3A_158 = arith.constant 0 : i32
          %dma_wait3A_159 = arith.constant 0 : i32
          %dma_wait3A_160 = tpu.memref_slice %arg9[%dma_wait3A_158, %dma_wait3A_159] : memref<10240x16xf32, #tpu.memory_space<vmem_shared>> -> memref<10240x16xf32, #tpu.memory_space<vmem_shared>>
          tpu.wait_indirect_dma semaphore(%run_scoped3A : memref<!tpu.dma_semaphore, #tpu.memory_space<semaphore_mem>>) src(%dma_wait3A_154 : memref<128x16xf32, #tpu.memory_space<vmem>>) dst(%dma_wait3A_160 : memref<10240x16xf32, #tpu.memory_space<vmem_shared>>)
          tpu.yield
        }) : () -> ()
        %lt3A = arith.constant 13 : i32
        %lt3A_109 = arith.cmpi slt, %scan3A_53, %lt3A : i32
        %convert_element_type3A_110 = arith.extui %lt3A_109 : i1 to i32
        %cond3A_111 = arith.constant 0 : i32
        %cond3A_112 = arith.cmpi ne, %convert_element_type3A_110, %cond3A_111 : i32
        scf.if %cond3A_112 {
          %mul3A_143 = arith.constant 2 : i32
          %mul3A_144 = arith.muli %mul3A_143, %scan3A_53 : i32
          %add3A_145 = arith.constant 2 : i32
          %add3A_146 = arith.addi %mul3A_144, %add3A_145 : i32
          %mul3A_147 = arith.constant 2 : i32
          %mul3A_148 = arith.muli %add3A_146, %mul3A_147 : i32
          %add3A_149 = arith.constant 0 : i32
          %add3A_150 = arith.addi %mul3A_148, %add3A_149 : i32
          %dma_start3A_151 = arith.constant 0 : i32
          %dma_start3A_152 = arith.constant 0 : i32
          %dma_start3A_153 = tpu.memref_slice %arg8[%dma_start3A_151, %dma_start3A_152] : memref<512x16xf32, #tpu.memory_space<vmem>> -> memref<128x16xf32, #tpu.memory_space<vmem>>
          %dma_start3A_154 = arith.constant 0 : i32
          %dma_start3A_155 = tpu.memref_slice %arg6[%add3A_150, %dma_start3A_154] : memref<56x128xi32, #tpu.memory_space<vmem>> -> memref<1x128xi32, #tpu.memory_space<vmem>>
          %dma_start3A_156 = tpu.memref_squeeze %dma_start3A_155 : memref<1x128xi32, #tpu.memory_space<vmem>> -> memref<128xi32, #tpu.memory_space<vmem>>
          %dma_start3A_157 = arith.constant 0 : i32
          %dma_start3A_158 = arith.constant 0 : i32
          %dma_start3A_159 = tpu.memref_slice %arg12[%dma_start3A_157, %dma_start3A_158] : memref<10000x16xf32, #tpu.memory_space<vmem_shared>> -> memref<10000x16xf32, #tpu.memory_space<vmem_shared>>
          tpu.enqueue_indirect_dma source(%dma_start3A_159 : memref<10000x16xf32, #tpu.memory_space<vmem_shared>>) target(%dma_start3A_153 : memref<128x16xf32, #tpu.memory_space<vmem>>) offsets(%dma_start3A_156 : memref<128xi32, #tpu.memory_space<vmem>>) semaphore(%arg10 : memref<!tpu.dma_semaphore, #tpu.memory_space<semaphore_mem>>)
          %add3A_160 = arith.constant 1 : i32
          %add3A_161 = arith.addi %mul3A_148, %add3A_160 : i32
          %dma_start3A_162 = arith.constant 128 : i32
          %dma_start3A_163 = arith.constant 0 : i32
          %dma_start3A_164 = tpu.memref_slice %arg8[%dma_start3A_162, %dma_start3A_163] : memref<512x16xf32, #tpu.memory_space<vmem>> -> memref<128x16xf32, #tpu.memory_space<vmem>>
          %dma_start3A_165 = arith.constant 0 : i32
          %dma_start3A_166 = tpu.memref_slice %arg6[%add3A_161, %dma_start3A_165] : memref<56x128xi32, #tpu.memory_space<vmem>> -> memref<1x128xi32, #tpu.memory_space<vmem>>
          %dma_start3A_167 = tpu.memref_squeeze %dma_start3A_166 : memref<1x128xi32, #tpu.memory_space<vmem>> -> memref<128xi32, #tpu.memory_space<vmem>>
          %dma_start3A_168 = arith.constant 0 : i32
          %dma_start3A_169 = arith.constant 0 : i32
          %dma_start3A_170 = tpu.memref_slice %arg12[%dma_start3A_168, %dma_start3A_169] : memref<10000x16xf32, #tpu.memory_space<vmem_shared>> -> memref<10000x16xf32, #tpu.memory_space<vmem_shared>>
          tpu.enqueue_indirect_dma source(%dma_start3A_170 : memref<10000x16xf32, #tpu.memory_space<vmem_shared>>) target(%dma_start3A_164 : memref<128x16xf32, #tpu.memory_space<vmem>>) offsets(%dma_start3A_167 : memref<128xi32, #tpu.memory_space<vmem>>) semaphore(%arg10 : memref<!tpu.dma_semaphore, #tpu.memory_space<semaphore_mem>>)
        } else {
        }
        %dma_wait3A_113 = arith.constant 0 : i32
        %dma_wait3A_114 = arith.constant 256 : i32
        %dma_wait3A_115 = arith.constant 0 : i32
        %dma_wait3A_116 = tpu.memref_slice %arg8[%dma_wait3A_114, %dma_wait3A_115] : memref<512x16xf32, #tpu.memory_space<vmem>> -> memref<128x16xf32, #tpu.memory_space<vmem>>
        %dma_wait3A_117 = arith.constant 0 : i32
        %dma_wait3A_118 = tpu.memref_slice %arg6[%dma_wait3A_113, %dma_wait3A_117] : memref<56x128xi32, #tpu.memory_space<vmem>> -> memref<1x128xi32, #tpu.memory_space<vmem>>
        %dma_wait3A_119 = tpu.memref_squeeze %dma_wait3A_118 : memref<1x128xi32, #tpu.memory_space<vmem>> -> memref<128xi32, #tpu.memory_space<vmem>>
        %dma_wait3A_120 = arith.constant 0 : i32
        %dma_wait3A_121 = arith.constant 0 : i32
        %dma_wait3A_122 = tpu.memref_slice %arg12[%dma_wait3A_120, %dma_wait3A_121] : memref<10000x16xf32, #tpu.memory_space<vmem_shared>> -> memref<10000x16xf32, #tpu.memory_space<vmem_shared>>
        tpu.wait_indirect_dma semaphore(%arg11 : memref<!tpu.dma_semaphore, #tpu.memory_space<semaphore_mem>>) src(%dma_wait3A_122 : memref<10000x16xf32, #tpu.memory_space<vmem_shared>>) dst(%dma_wait3A_116 : memref<128x16xf32, #tpu.memory_space<vmem>>)
        %dma_wait3A_123 = arith.constant 0 : i32
        %dma_wait3A_124 = arith.constant 384 : i32
        %dma_wait3A_125 = arith.constant 0 : i32
        %dma_wait3A_126 = tpu.memref_slice %arg8[%dma_wait3A_124, %dma_wait3A_125] : memref<512x16xf32, #tpu.memory_space<vmem>> -> memref<128x16xf32, #tpu.memory_space<vmem>>
        %dma_wait3A_127 = arith.constant 0 : i32
        %dma_wait3A_128 = tpu.memref_slice %arg6[%dma_wait3A_123, %dma_wait3A_127] : memref<56x128xi32, #tpu.memory_space<vmem>> -> memref<1x128xi32, #tpu.memory_space<vmem>>
        %dma_wait3A_129 = tpu.memref_squeeze %dma_wait3A_128 : memref<1x128xi32, #tpu.memory_space<vmem>> -> memref<128xi32, #tpu.memory_space<vmem>>
        %dma_wait3A_130 = arith.constant 0 : i32
        %dma_wait3A_131 = arith.constant 0 : i32
        %dma_wait3A_132 = tpu.memref_slice %arg12[%dma_wait3A_130, %dma_wait3A_131] : memref<10000x16xf32, #tpu.memory_space<vmem_shared>> -> memref<10000x16xf32, #tpu.memory_space<vmem_shared>>
        tpu.wait_indirect_dma semaphore(%arg11 : memref<!tpu.dma_semaphore, #tpu.memory_space<semaphore_mem>>) src(%dma_wait3A_132 : memref<10000x16xf32, #tpu.memory_space<vmem_shared>>) dst(%dma_wait3A_126 : memref<128x16xf32, #tpu.memory_space<vmem>>)
        %mul3A_133 = arith.constant 2 : i32
        %mul3A_134 = arith.muli %mul3A_133, %scan3A_53 : i32
        %add3A_135 = arith.constant 1 : i32
        %add3A_136 = arith.addi %mul3A_134, %add3A_135 : i32
        %mul3A_137 = arith.constant 2 : i32
        %mul3A_138 = arith.muli %add3A_136, %mul3A_137 : i32
        %add3A_139 = arith.constant 0 : i32
        %add3A_140 = arith.addi %mul3A_138, %add3A_139 : i32
        "tpu.region"() ({
          %run_scoped3A = tpu.sem_alloc : memref<!tpu.dma_semaphore, #tpu.memory_space<semaphore_mem>>
          %dma_start3A_143 = arith.constant 256 : i32
          %dma_start3A_144 = arith.constant 0 : i32
          %dma_start3A_145 = tpu.memref_slice %arg8[%dma_start3A_143, %dma_start3A_144] : memref<512x16xf32, #tpu.memory_space<vmem>> -> memref<128x16xf32, #tpu.memory_space<vmem>>
          %dma_start3A_146 = arith.constant 0 : i32
          %dma_start3A_147 = tpu.memref_slice %arg7[%add3A_140, %dma_start3A_146] : memref<56x128xi32, #tpu.memory_space<vmem>> -> memref<1x128xi32, #tpu.memory_space<vmem>>
          %dma_start3A_148 = tpu.memref_squeeze %dma_start3A_147 : memref<1x128xi32, #tpu.memory_space<vmem>> -> memref<128xi32, #tpu.memory_space<vmem>>
          %dma_start3A_149 = arith.constant 0 : i32
          %dma_start3A_150 = arith.constant 0 : i32
          %dma_start3A_151 = tpu.memref_slice %arg9[%dma_start3A_149, %dma_start3A_150] : memref<10240x16xf32, #tpu.memory_space<vmem_shared>> -> memref<10240x16xf32, #tpu.memory_space<vmem_shared>>
          tpu.enqueue_indirect_dma source(%dma_start3A_145 : memref<128x16xf32, #tpu.memory_space<vmem>>) target(%dma_start3A_151 : memref<10240x16xf32, #tpu.memory_space<vmem_shared>>) offsets(%dma_start3A_148 : memref<128xi32, #tpu.memory_space<vmem>>) semaphore(%run_scoped3A : memref<!tpu.dma_semaphore, #tpu.memory_space<semaphore_mem>>) {add = true}
          %dma_wait3A_152 = arith.constant 256 : i32
          %dma_wait3A_153 = arith.constant 0 : i32
          %dma_wait3A_154 = tpu.memref_slice %arg8[%dma_wait3A_152, %dma_wait3A_153] : memref<512x16xf32, #tpu.memory_space<vmem>> -> memref<128x16xf32, #tpu.memory_space<vmem>>
          %dma_wait3A_155 = arith.constant 0 : i32
          %dma_wait3A_156 = tpu.memref_slice %arg7[%add3A_140, %dma_wait3A_155] : memref<56x128xi32, #tpu.memory_space<vmem>> -> memref<1x128xi32, #tpu.memory_space<vmem>>
          %dma_wait3A_157 = tpu.memref_squeeze %dma_wait3A_156 : memref<1x128xi32, #tpu.memory_space<vmem>> -> memref<128xi32, #tpu.memory_space<vmem>>
          %dma_wait3A_158 = arith.constant 0 : i32
          %dma_wait3A_159 = arith.constant 0 : i32
          %dma_wait3A_160 = tpu.memref_slice %arg9[%dma_wait3A_158, %dma_wait3A_159] : memref<10240x16xf32, #tpu.memory_space<vmem_shared>> -> memref<10240x16xf32, #tpu.memory_space<vmem_shared>>
          tpu.wait_indirect_dma semaphore(%run_scoped3A : memref<!tpu.dma_semaphore, #tpu.memory_space<semaphore_mem>>) src(%dma_wait3A_154 : memref<128x16xf32, #tpu.memory_space<vmem>>) dst(%dma_wait3A_160 : memref<10240x16xf32, #tpu.memory_space<vmem_shared>>)
          tpu.yield
        }) : () -> ()
        %add3A_141 = arith.constant 1 : i32
        %add3A_142 = arith.addi %mul3A_138, %add3A_141 : i32
        "tpu.region"() ({
          %run_scoped3A = tpu.sem_alloc : memref<!tpu.dma_semaphore, #tpu.memory_space<semaphore_mem>>
          %dma_start3A_143 = arith.constant 384 : i32
          %dma_start3A_144 = arith.constant 0 : i32
          %dma_start3A_145 = tpu.memref_slice %arg8[%dma_start3A_143, %dma_start3A_144] : memref<512x16xf32, #tpu.memory_space<vmem>> -> memref<128x16xf32, #tpu.memory_space<vmem>>
          %dma_start3A_146 = arith.constant 0 : i32
          %dma_start3A_147 = tpu.memref_slice %arg7[%add3A_142, %dma_start3A_146] : memref<56x128xi32, #tpu.memory_space<vmem>> -> memref<1x128xi32, #tpu.memory_space<vmem>>
          %dma_start3A_148 = tpu.memref_squeeze %dma_start3A_147 : memref<1x128xi32, #tpu.memory_space<vmem>> -> memref<128xi32, #tpu.memory_space<vmem>>
          %dma_start3A_149 = arith.constant 0 : i32
          %dma_start3A_150 = arith.constant 0 : i32
          %dma_start3A_151 = tpu.memref_slice %arg9[%dma_start3A_149, %dma_start3A_150] : memref<10240x16xf32, #tpu.memory_space<vmem_shared>> -> memref<10240x16xf32, #tpu.memory_space<vmem_shared>>
          tpu.enqueue_indirect_dma source(%dma_start3A_145 : memref<128x16xf32, #tpu.memory_space<vmem>>) target(%dma_start3A_151 : memref<10240x16xf32, #tpu.memory_space<vmem_shared>>) offsets(%dma_start3A_148 : memref<128xi32, #tpu.memory_space<vmem>>) semaphore(%run_scoped3A : memref<!tpu.dma_semaphore, #tpu.memory_space<semaphore_mem>>) {add = true}
          %dma_wait3A_152 = arith.constant 384 : i32
          %dma_wait3A_153 = arith.constant 0 : i32
          %dma_wait3A_154 = tpu.memref_slice %arg8[%dma_wait3A_152, %dma_wait3A_153] : memref<512x16xf32, #tpu.memory_space<vmem>> -> memref<128x16xf32, #tpu.memory_space<vmem>>
          %dma_wait3A_155 = arith.constant 0 : i32
          %dma_wait3A_156 = tpu.memref_slice %arg7[%add3A_142, %dma_wait3A_155] : memref<56x128xi32, #tpu.memory_space<vmem>> -> memref<1x128xi32, #tpu.memory_space<vmem>>
          %dma_wait3A_157 = tpu.memref_squeeze %dma_wait3A_156 : memref<1x128xi32, #tpu.memory_space<vmem>> -> memref<128xi32, #tpu.memory_space<vmem>>
          %dma_wait3A_158 = arith.constant 0 : i32
          %dma_wait3A_159 = arith.constant 0 : i32
          %dma_wait3A_160 = tpu.memref_slice %arg9[%dma_wait3A_158, %dma_wait3A_159] : memref<10240x16xf32, #tpu.memory_space<vmem_shared>> -> memref<10240x16xf32, #tpu.memory_space<vmem_shared>>
          tpu.wait_indirect_dma semaphore(%run_scoped3A : memref<!tpu.dma_semaphore, #tpu.memory_space<semaphore_mem>>) src(%dma_wait3A_154 : memref<128x16xf32, #tpu.memory_space<vmem>>) dst(%dma_wait3A_160 : memref<10240x16xf32, #tpu.memory_space<vmem_shared>>)
          tpu.yield
        }) : () -> ()
      }
      %scan3A_52 = arith.constant 14 : i32
    } else {
    }
    %eq3A_17 = arith.constant 1 : i32
    %eq3A_18 = arith.cmpi eq, %arg0, %eq3A_17 : i32
    %convert_element_type3A_19 = arith.extui %eq3A_18 : i1 to i32
    %cond3A_20 = arith.constant 0 : i32
    %cond3A_21 = arith.cmpi ne, %convert_element_type3A_19, %cond3A_20 : i32
    scf.if %cond3A_21 {
      %mul3A_27 = arith.constant 24 : i32
      %mul3A_28 = arith.muli %arg1, %mul3A_27 : i32
      %add3A_29 = arith.constant 896 : i32
      %add3A_30 = arith.addi %add3A_29, %mul3A_28 : i32
      "tpu.region"() ({
        %run_scoped3A = tpu.sem_alloc : memref<!tpu.dma_semaphore, #tpu.memory_space<semaphore_mem>>
        %dma_start3A_55 = arith.constant 0 : i32
        %dma_start3A_56 = arith.constant 0 : i32
        %dma_start3A_57 = tpu.memref_slice %arg6[%dma_start3A_55, %dma_start3A_56] : memref<56x128xi32, #tpu.memory_space<vmem>> -> memref<24x128xi32, #tpu.memory_space<vmem>>
        %dma_start3A_58 = arith.constant 0 : i32
        %dma_start3A_59 = tpu.memref_slice %arg3[%add3A_30, %dma_start3A_58] : memref<1280x128xi32, #tpu.memory_space<hbm>> -> memref<24x128xi32, #tpu.memory_space<hbm>>
        %dma_start3A_60 = arith.constant 0 : i32
        %dma_start3A_61 = arith.constant 0 : i32
        %dma_start3A_62 = tpu.memref_slice %arg6[%dma_start3A_60, %dma_start3A_61] : memref<56x128xi32, #tpu.memory_space<vmem>> -> memref<24x128xi32, #tpu.memory_space<vmem>>
        %dma_start3A_63 = arith.constant 0 : i32
        %dma_start3A_64 = tpu.memref_slice %arg3[%add3A_30, %dma_start3A_63] : memref<1280x128xi32, #tpu.memory_space<hbm>> -> memref<24x128xi32, #tpu.memory_space<hbm>>
        tpu.enqueue_dma source(%dma_start3A_64 : memref<24x128xi32, #tpu.memory_space<hbm>>) target(%dma_start3A_62 : memref<24x128xi32, #tpu.memory_space<vmem>>) target_semaphore(%run_scoped3A : memref<!tpu.dma_semaphore, #tpu.memory_space<semaphore_mem>>)
        %dma_wait3A = arith.constant 0 : i32
        %dma_wait3A_65 = arith.constant 0 : i32
        %dma_wait3A_66 = tpu.memref_slice %arg6[%dma_wait3A, %dma_wait3A_65] : memref<56x128xi32, #tpu.memory_space<vmem>> -> memref<24x128xi32, #tpu.memory_space<vmem>>
        %dma_wait3A_67 = arith.constant 0 : i32
        %dma_wait3A_68 = tpu.memref_slice %arg3[%add3A_30, %dma_wait3A_67] : memref<1280x128xi32, #tpu.memory_space<hbm>> -> memref<24x128xi32, #tpu.memory_space<hbm>>
        %dma_wait3A_69 = arith.constant 0 : i32
        %dma_wait3A_70 = arith.constant 0 : i32
        %dma_wait3A_71 = tpu.memref_slice %arg6[%dma_wait3A_69, %dma_wait3A_70] : memref<56x128xi32, #tpu.memory_space<vmem>> -> memref<24x128xi32, #tpu.memory_space<vmem>>
        %dma_wait3A_72 = arith.constant 0 : i32
        %dma_wait3A_73 = tpu.memref_slice %arg3[%add3A_30, %dma_wait3A_72] : memref<1280x128xi32, #tpu.memory_space<hbm>> -> memref<24x128xi32, #tpu.memory_space<hbm>>
        tpu.wait_dma2 semaphore(%run_scoped3A : memref<!tpu.dma_semaphore, #tpu.memory_space<semaphore_mem>>) src(%dma_wait3A_73 : memref<24x128xi32, #tpu.memory_space<hbm>>) dst(%dma_wait3A_71 : memref<24x128xi32, #tpu.memory_space<vmem>>)
        tpu.yield
      }) : () -> ()
      "tpu.region"() ({
        %run_scoped3A = tpu.sem_alloc : memref<!tpu.dma_semaphore, #tpu.memory_space<semaphore_mem>>
        %dma_start3A_55 = arith.constant 0 : i32
        %dma_start3A_56 = arith.constant 0 : i32
        %dma_start3A_57 = tpu.memref_slice %arg7[%dma_start3A_55, %dma_start3A_56] : memref<56x128xi32, #tpu.memory_space<vmem>> -> memref<24x128xi32, #tpu.memory_space<vmem>>
        %dma_start3A_58 = arith.constant 0 : i32
        %dma_start3A_59 = tpu.memref_slice %arg4[%add3A_30, %dma_start3A_58] : memref<1280x128xi32, #tpu.memory_space<hbm>> -> memref<24x128xi32, #tpu.memory_space<hbm>>
        %dma_start3A_60 = arith.constant 0 : i32
        %dma_start3A_61 = arith.constant 0 : i32
        %dma_start3A_62 = tpu.memref_slice %arg7[%dma_start3A_60, %dma_start3A_61] : memref<56x128xi32, #tpu.memory_space<vmem>> -> memref<24x128xi32, #tpu.memory_space<vmem>>
        %dma_start3A_63 = arith.constant 0 : i32
        %dma_start3A_64 = tpu.memref_slice %arg4[%add3A_30, %dma_start3A_63] : memref<1280x128xi32, #tpu.memory_space<hbm>> -> memref<24x128xi32, #tpu.memory_space<hbm>>
        tpu.enqueue_dma source(%dma_start3A_64 : memref<24x128xi32, #tpu.memory_space<hbm>>) target(%dma_start3A_62 : memref<24x128xi32, #tpu.memory_space<vmem>>) target_semaphore(%run_scoped3A : memref<!tpu.dma_semaphore, #tpu.memory_space<semaphore_mem>>)
        %dma_wait3A = arith.constant 0 : i32
        %dma_wait3A_65 = arith.constant 0 : i32
        %dma_wait3A_66 = tpu.memref_slice %arg7[%dma_wait3A, %dma_wait3A_65] : memref<56x128xi32, #tpu.memory_space<vmem>> -> memref<24x128xi32, #tpu.memory_space<vmem>>
        %dma_wait3A_67 = arith.constant 0 : i32
        %dma_wait3A_68 = tpu.memref_slice %arg4[%add3A_30, %dma_wait3A_67] : memref<1280x128xi32, #tpu.memory_space<hbm>> -> memref<24x128xi32, #tpu.memory_space<hbm>>
        %dma_wait3A_69 = arith.constant 0 : i32
        %dma_wait3A_70 = arith.constant 0 : i32
        %dma_wait3A_71 = tpu.memref_slice %arg7[%dma_wait3A_69, %dma_wait3A_70] : memref<56x128xi32, #tpu.memory_space<vmem>> -> memref<24x128xi32, #tpu.memory_space<vmem>>
        %dma_wait3A_72 = arith.constant 0 : i32
        %dma_wait3A_73 = tpu.memref_slice %arg4[%add3A_30, %dma_wait3A_72] : memref<1280x128xi32, #tpu.memory_space<hbm>> -> memref<24x128xi32, #tpu.memory_space<hbm>>
        tpu.wait_dma2 semaphore(%run_scoped3A : memref<!tpu.dma_semaphore, #tpu.memory_space<semaphore_mem>>) src(%dma_wait3A_73 : memref<24x128xi32, #tpu.memory_space<hbm>>) dst(%dma_wait3A_71 : memref<24x128xi32, #tpu.memory_space<vmem>>)
        tpu.yield
      }) : () -> ()
      %dma_start3A = arith.constant 0 : i32
      %dma_start3A_31 = arith.constant 0 : i32
      %dma_start3A_32 = arith.constant 0 : i32
      %dma_start3A_33 = tpu.memref_slice %arg8[%dma_start3A_31, %dma_start3A_32] : memref<512x16xf32, #tpu.memory_space<vmem>> -> memref<128x16xf32, #tpu.memory_space<vmem>>
      %dma_start3A_34 = arith.constant 0 : i32
      %dma_start3A_35 = tpu.memref_slice %arg6[%dma_start3A, %dma_start3A_34] : memref<56x128xi32, #tpu.memory_space<vmem>> -> memref<1x128xi32, #tpu.memory_space<vmem>>
      %dma_start3A_36 = tpu.memref_squeeze %dma_start3A_35 : memref<1x128xi32, #tpu.memory_space<vmem>> -> memref<128xi32, #tpu.memory_space<vmem>>
      %dma_start3A_37 = arith.constant 0 : i32
      %dma_start3A_38 = arith.constant 0 : i32
      %dma_start3A_39 = tpu.memref_slice %arg12[%dma_start3A_37, %dma_start3A_38] : memref<10000x16xf32, #tpu.memory_space<vmem_shared>> -> memref<10000x16xf32, #tpu.memory_space<vmem_shared>>
      tpu.enqueue_indirect_dma source(%dma_start3A_39 : memref<10000x16xf32, #tpu.memory_space<vmem_shared>>) target(%dma_start3A_33 : memref<128x16xf32, #tpu.memory_space<vmem>>) offsets(%dma_start3A_36 : memref<128xi32, #tpu.memory_space<vmem>>) semaphore(%arg10 : memref<!tpu.dma_semaphore, #tpu.memory_space<semaphore_mem>>)
      %dma_start3A_40 = arith.constant 1 : i32
      %dma_start3A_41 = arith.constant 128 : i32
      %dma_start3A_42 = arith.constant 0 : i32
      %dma_start3A_43 = tpu.memref_slice %arg8[%dma_start3A_41, %dma_start3A_42] : memref<512x16xf32, #tpu.memory_space<vmem>> -> memref<128x16xf32, #tpu.memory_space<vmem>>
      %dma_start3A_44 = arith.constant 0 : i32
      %dma_start3A_45 = tpu.memref_slice %arg6[%dma_start3A_40, %dma_start3A_44] : memref<56x128xi32, #tpu.memory_space<vmem>> -> memref<1x128xi32, #tpu.memory_space<vmem>>
      %dma_start3A_46 = tpu.memref_squeeze %dma_start3A_45 : memref<1x128xi32, #tpu.memory_space<vmem>> -> memref<128xi32, #tpu.memory_space<vmem>>
      %dma_start3A_47 = arith.constant 0 : i32
      %dma_start3A_48 = arith.constant 0 : i32
      %dma_start3A_49 = tpu.memref_slice %arg12[%dma_start3A_47, %dma_start3A_48] : memref<10000x16xf32, #tpu.memory_space<vmem_shared>> -> memref<10000x16xf32, #tpu.memory_space<vmem_shared>>
      tpu.enqueue_indirect_dma source(%dma_start3A_49 : memref<10000x16xf32, #tpu.memory_space<vmem_shared>>) target(%dma_start3A_43 : memref<128x16xf32, #tpu.memory_space<vmem>>) offsets(%dma_start3A_46 : memref<128xi32, #tpu.memory_space<vmem>>) semaphore(%arg10 : memref<!tpu.dma_semaphore, #tpu.memory_space<semaphore_mem>>)
      %scan3A_50 = arith.constant 0 : i32
      %scan3A_51 = arith.constant 6 : i32
      %scan3A_52 = arith.addi %scan3A_50, %scan3A_51 : i32
      %scan3A_53 = arith.constant 1 : i32
      scf.for %scan3A_55 = %scan3A_50 to %scan3A_52 step %scan3A_53  : i32 {
        %mul3A_56 = arith.constant 2 : i32
        %mul3A_57 = arith.muli %mul3A_56, %scan3A_55 : i32
        %add3A_58 = arith.constant 1 : i32
        %add3A_59 = arith.addi %mul3A_57, %add3A_58 : i32
        %mul3A_60 = arith.constant 2 : i32
        %mul3A_61 = arith.muli %add3A_59, %mul3A_60 : i32
        %add3A_62 = arith.constant 0 : i32
        %add3A_63 = arith.addi %mul3A_61, %add3A_62 : i32
        %dma_start3A_64 = arith.constant 256 : i32
        %dma_start3A_65 = arith.constant 0 : i32
        %dma_start3A_66 = tpu.memref_slice %arg8[%dma_start3A_64, %dma_start3A_65] : memref<512x16xf32, #tpu.memory_space<vmem>> -> memref<128x16xf32, #tpu.memory_space<vmem>>
        %dma_start3A_67 = arith.constant 0 : i32
        %dma_start3A_68 = tpu.memref_slice %arg6[%add3A_63, %dma_start3A_67] : memref<56x128xi32, #tpu.memory_space<vmem>> -> memref<1x128xi32, #tpu.memory_space<vmem>>
        %dma_start3A_69 = tpu.memref_squeeze %dma_start3A_68 : memref<1x128xi32, #tpu.memory_space<vmem>> -> memref<128xi32, #tpu.memory_space<vmem>>
        %dma_start3A_70 = arith.constant 0 : i32
        %dma_start3A_71 = arith.constant 0 : i32
        %dma_start3A_72 = tpu.memref_slice %arg12[%dma_start3A_70, %dma_start3A_71] : memref<10000x16xf32, #tpu.memory_space<vmem_shared>> -> memref<10000x16xf32, #tpu.memory_space<vmem_shared>>
        tpu.enqueue_indirect_dma source(%dma_start3A_72 : memref<10000x16xf32, #tpu.memory_space<vmem_shared>>) target(%dma_start3A_66 : memref<128x16xf32, #tpu.memory_space<vmem>>) offsets(%dma_start3A_69 : memref<128xi32, #tpu.memory_space<vmem>>) semaphore(%arg11 : memref<!tpu.dma_semaphore, #tpu.memory_space<semaphore_mem>>)
        %add3A_73 = arith.constant 1 : i32
        %add3A_74 = arith.addi %mul3A_61, %add3A_73 : i32
        %dma_start3A_75 = arith.constant 384 : i32
        %dma_start3A_76 = arith.constant 0 : i32
        %dma_start3A_77 = tpu.memref_slice %arg8[%dma_start3A_75, %dma_start3A_76] : memref<512x16xf32, #tpu.memory_space<vmem>> -> memref<128x16xf32, #tpu.memory_space<vmem>>
        %dma_start3A_78 = arith.constant 0 : i32
        %dma_start3A_79 = tpu.memref_slice %arg6[%add3A_74, %dma_start3A_78] : memref<56x128xi32, #tpu.memory_space<vmem>> -> memref<1x128xi32, #tpu.memory_space<vmem>>
        %dma_start3A_80 = tpu.memref_squeeze %dma_start3A_79 : memref<1x128xi32, #tpu.memory_space<vmem>> -> memref<128xi32, #tpu.memory_space<vmem>>
        %dma_start3A_81 = arith.constant 0 : i32
        %dma_start3A_82 = arith.constant 0 : i32
        %dma_start3A_83 = tpu.memref_slice %arg12[%dma_start3A_81, %dma_start3A_82] : memref<10000x16xf32, #tpu.memory_space<vmem_shared>> -> memref<10000x16xf32, #tpu.memory_space<vmem_shared>>
        tpu.enqueue_indirect_dma source(%dma_start3A_83 : memref<10000x16xf32, #tpu.memory_space<vmem_shared>>) target(%dma_start3A_77 : memref<128x16xf32, #tpu.memory_space<vmem>>) offsets(%dma_start3A_80 : memref<128xi32, #tpu.memory_space<vmem>>) semaphore(%arg11 : memref<!tpu.dma_semaphore, #tpu.memory_space<semaphore_mem>>)
        %dma_wait3A = arith.constant 0 : i32
        %dma_wait3A_84 = arith.constant 0 : i32
        %dma_wait3A_85 = arith.constant 0 : i32
        %dma_wait3A_86 = tpu.memref_slice %arg8[%dma_wait3A_84, %dma_wait3A_85] : memref<512x16xf32, #tpu.memory_space<vmem>> -> memref<128x16xf32, #tpu.memory_space<vmem>>
        %dma_wait3A_87 = arith.constant 0 : i32
        %dma_wait3A_88 = tpu.memref_slice %arg6[%dma_wait3A, %dma_wait3A_87] : memref<56x128xi32, #tpu.memory_space<vmem>> -> memref<1x128xi32, #tpu.memory_space<vmem>>
        %dma_wait3A_89 = tpu.memref_squeeze %dma_wait3A_88 : memref<1x128xi32, #tpu.memory_space<vmem>> -> memref<128xi32, #tpu.memory_space<vmem>>
        %dma_wait3A_90 = arith.constant 0 : i32
        %dma_wait3A_91 = arith.constant 0 : i32
        %dma_wait3A_92 = tpu.memref_slice %arg12[%dma_wait3A_90, %dma_wait3A_91] : memref<10000x16xf32, #tpu.memory_space<vmem_shared>> -> memref<10000x16xf32, #tpu.memory_space<vmem_shared>>
        tpu.wait_indirect_dma semaphore(%arg10 : memref<!tpu.dma_semaphore, #tpu.memory_space<semaphore_mem>>) src(%dma_wait3A_92 : memref<10000x16xf32, #tpu.memory_space<vmem_shared>>) dst(%dma_wait3A_86 : memref<128x16xf32, #tpu.memory_space<vmem>>)
        %dma_wait3A_93 = arith.constant 0 : i32
        %dma_wait3A_94 = arith.constant 128 : i32
        %dma_wait3A_95 = arith.constant 0 : i32
        %dma_wait3A_96 = tpu.memref_slice %arg8[%dma_wait3A_94, %dma_wait3A_95] : memref<512x16xf32, #tpu.memory_space<vmem>> -> memref<128x16xf32, #tpu.memory_space<vmem>>
        %dma_wait3A_97 = arith.constant 0 : i32
        %dma_wait3A_98 = tpu.memref_slice %arg6[%dma_wait3A_93, %dma_wait3A_97] : memref<56x128xi32, #tpu.memory_space<vmem>> -> memref<1x128xi32, #tpu.memory_space<vmem>>
        %dma_wait3A_99 = tpu.memref_squeeze %dma_wait3A_98 : memref<1x128xi32, #tpu.memory_space<vmem>> -> memref<128xi32, #tpu.memory_space<vmem>>
        %dma_wait3A_100 = arith.constant 0 : i32
        %dma_wait3A_101 = arith.constant 0 : i32
        %dma_wait3A_102 = tpu.memref_slice %arg12[%dma_wait3A_100, %dma_wait3A_101] : memref<10000x16xf32, #tpu.memory_space<vmem_shared>> -> memref<10000x16xf32, #tpu.memory_space<vmem_shared>>
        tpu.wait_indirect_dma semaphore(%arg10 : memref<!tpu.dma_semaphore, #tpu.memory_space<semaphore_mem>>) src(%dma_wait3A_102 : memref<10000x16xf32, #tpu.memory_space<vmem_shared>>) dst(%dma_wait3A_96 : memref<128x16xf32, #tpu.memory_space<vmem>>)
        %mul3A_103 = arith.constant 2 : i32
        %mul3A_104 = arith.muli %mul3A_103, %scan3A_55 : i32
        %mul3A_105 = arith.constant 2 : i32
        %mul3A_106 = arith.muli %mul3A_104, %mul3A_105 : i32
        %add3A_107 = arith.constant 0 : i32
        %add3A_108 = arith.addi %mul3A_106, %add3A_107 : i32
        "tpu.region"() ({
          %run_scoped3A = tpu.sem_alloc : memref<!tpu.dma_semaphore, #tpu.memory_space<semaphore_mem>>
          %dma_start3A_145 = arith.constant 0 : i32
          %dma_start3A_146 = arith.constant 0 : i32
          %dma_start3A_147 = tpu.memref_slice %arg8[%dma_start3A_145, %dma_start3A_146] : memref<512x16xf32, #tpu.memory_space<vmem>> -> memref<128x16xf32, #tpu.memory_space<vmem>>
          %dma_start3A_148 = arith.constant 0 : i32
          %dma_start3A_149 = tpu.memref_slice %arg7[%add3A_108, %dma_start3A_148] : memref<56x128xi32, #tpu.memory_space<vmem>> -> memref<1x128xi32, #tpu.memory_space<vmem>>
          %dma_start3A_150 = tpu.memref_squeeze %dma_start3A_149 : memref<1x128xi32, #tpu.memory_space<vmem>> -> memref<128xi32, #tpu.memory_space<vmem>>
          %dma_start3A_151 = arith.constant 0 : i32
          %dma_start3A_152 = arith.constant 0 : i32
          %dma_start3A_153 = tpu.memref_slice %arg9[%dma_start3A_151, %dma_start3A_152] : memref<10240x16xf32, #tpu.memory_space<vmem_shared>> -> memref<10240x16xf32, #tpu.memory_space<vmem_shared>>
          tpu.enqueue_indirect_dma source(%dma_start3A_147 : memref<128x16xf32, #tpu.memory_space<vmem>>) target(%dma_start3A_153 : memref<10240x16xf32, #tpu.memory_space<vmem_shared>>) offsets(%dma_start3A_150 : memref<128xi32, #tpu.memory_space<vmem>>) semaphore(%run_scoped3A : memref<!tpu.dma_semaphore, #tpu.memory_space<semaphore_mem>>) {add = true}
          %dma_wait3A_154 = arith.constant 0 : i32
          %dma_wait3A_155 = arith.constant 0 : i32
          %dma_wait3A_156 = tpu.memref_slice %arg8[%dma_wait3A_154, %dma_wait3A_155] : memref<512x16xf32, #tpu.memory_space<vmem>> -> memref<128x16xf32, #tpu.memory_space<vmem>>
          %dma_wait3A_157 = arith.constant 0 : i32
          %dma_wait3A_158 = tpu.memref_slice %arg7[%add3A_108, %dma_wait3A_157] : memref<56x128xi32, #tpu.memory_space<vmem>> -> memref<1x128xi32, #tpu.memory_space<vmem>>
          %dma_wait3A_159 = tpu.memref_squeeze %dma_wait3A_158 : memref<1x128xi32, #tpu.memory_space<vmem>> -> memref<128xi32, #tpu.memory_space<vmem>>
          %dma_wait3A_160 = arith.constant 0 : i32
          %dma_wait3A_161 = arith.constant 0 : i32
          %dma_wait3A_162 = tpu.memref_slice %arg9[%dma_wait3A_160, %dma_wait3A_161] : memref<10240x16xf32, #tpu.memory_space<vmem_shared>> -> memref<10240x16xf32, #tpu.memory_space<vmem_shared>>
          tpu.wait_indirect_dma semaphore(%run_scoped3A : memref<!tpu.dma_semaphore, #tpu.memory_space<semaphore_mem>>) src(%dma_wait3A_156 : memref<128x16xf32, #tpu.memory_space<vmem>>) dst(%dma_wait3A_162 : memref<10240x16xf32, #tpu.memory_space<vmem_shared>>)
          tpu.yield
        }) : () -> ()
        %add3A_109 = arith.constant 1 : i32
        %add3A_110 = arith.addi %mul3A_106, %add3A_109 : i32
        "tpu.region"() ({
          %run_scoped3A = tpu.sem_alloc : memref<!tpu.dma_semaphore, #tpu.memory_space<semaphore_mem>>
          %dma_start3A_145 = arith.constant 128 : i32
          %dma_start3A_146 = arith.constant 0 : i32
          %dma_start3A_147 = tpu.memref_slice %arg8[%dma_start3A_145, %dma_start3A_146] : memref<512x16xf32, #tpu.memory_space<vmem>> -> memref<128x16xf32, #tpu.memory_space<vmem>>
          %dma_start3A_148 = arith.constant 0 : i32
          %dma_start3A_149 = tpu.memref_slice %arg7[%add3A_110, %dma_start3A_148] : memref<56x128xi32, #tpu.memory_space<vmem>> -> memref<1x128xi32, #tpu.memory_space<vmem>>
          %dma_start3A_150 = tpu.memref_squeeze %dma_start3A_149 : memref<1x128xi32, #tpu.memory_space<vmem>> -> memref<128xi32, #tpu.memory_space<vmem>>
          %dma_start3A_151 = arith.constant 0 : i32
          %dma_start3A_152 = arith.constant 0 : i32
          %dma_start3A_153 = tpu.memref_slice %arg9[%dma_start3A_151, %dma_start3A_152] : memref<10240x16xf32, #tpu.memory_space<vmem_shared>> -> memref<10240x16xf32, #tpu.memory_space<vmem_shared>>
          tpu.enqueue_indirect_dma source(%dma_start3A_147 : memref<128x16xf32, #tpu.memory_space<vmem>>) target(%dma_start3A_153 : memref<10240x16xf32, #tpu.memory_space<vmem_shared>>) offsets(%dma_start3A_150 : memref<128xi32, #tpu.memory_space<vmem>>) semaphore(%run_scoped3A : memref<!tpu.dma_semaphore, #tpu.memory_space<semaphore_mem>>) {add = true}
          %dma_wait3A_154 = arith.constant 128 : i32
          %dma_wait3A_155 = arith.constant 0 : i32
          %dma_wait3A_156 = tpu.memref_slice %arg8[%dma_wait3A_154, %dma_wait3A_155] : memref<512x16xf32, #tpu.memory_space<vmem>> -> memref<128x16xf32, #tpu.memory_space<vmem>>
          %dma_wait3A_157 = arith.constant 0 : i32
          %dma_wait3A_158 = tpu.memref_slice %arg7[%add3A_110, %dma_wait3A_157] : memref<56x128xi32, #tpu.memory_space<vmem>> -> memref<1x128xi32, #tpu.memory_space<vmem>>
          %dma_wait3A_159 = tpu.memref_squeeze %dma_wait3A_158 : memref<1x128xi32, #tpu.memory_space<vmem>> -> memref<128xi32, #tpu.memory_space<vmem>>
          %dma_wait3A_160 = arith.constant 0 : i32
          %dma_wait3A_161 = arith.constant 0 : i32
          %dma_wait3A_162 = tpu.memref_slice %arg9[%dma_wait3A_160, %dma_wait3A_161] : memref<10240x16xf32, #tpu.memory_space<vmem_shared>> -> memref<10240x16xf32, #tpu.memory_space<vmem_shared>>
          tpu.wait_indirect_dma semaphore(%run_scoped3A : memref<!tpu.dma_semaphore, #tpu.memory_space<semaphore_mem>>) src(%dma_wait3A_156 : memref<128x16xf32, #tpu.memory_space<vmem>>) dst(%dma_wait3A_162 : memref<10240x16xf32, #tpu.memory_space<vmem_shared>>)
          tpu.yield
        }) : () -> ()
        %lt3A = arith.constant 5 : i32
        %lt3A_111 = arith.cmpi slt, %scan3A_55, %lt3A : i32
        %convert_element_type3A_112 = arith.extui %lt3A_111 : i1 to i32
        %cond3A_113 = arith.constant 0 : i32
        %cond3A_114 = arith.cmpi ne, %convert_element_type3A_112, %cond3A_113 : i32
        scf.if %cond3A_114 {
          %mul3A_145 = arith.constant 2 : i32
          %mul3A_146 = arith.muli %mul3A_145, %scan3A_55 : i32
          %add3A_147 = arith.constant 2 : i32
          %add3A_148 = arith.addi %mul3A_146, %add3A_147 : i32
          %mul3A_149 = arith.constant 2 : i32
          %mul3A_150 = arith.muli %add3A_148, %mul3A_149 : i32
          %add3A_151 = arith.constant 0 : i32
          %add3A_152 = arith.addi %mul3A_150, %add3A_151 : i32
          %dma_start3A_153 = arith.constant 0 : i32
          %dma_start3A_154 = arith.constant 0 : i32
          %dma_start3A_155 = tpu.memref_slice %arg8[%dma_start3A_153, %dma_start3A_154] : memref<512x16xf32, #tpu.memory_space<vmem>> -> memref<128x16xf32, #tpu.memory_space<vmem>>
          %dma_start3A_156 = arith.constant 0 : i32
          %dma_start3A_157 = tpu.memref_slice %arg6[%add3A_152, %dma_start3A_156] : memref<56x128xi32, #tpu.memory_space<vmem>> -> memref<1x128xi32, #tpu.memory_space<vmem>>
          %dma_start3A_158 = tpu.memref_squeeze %dma_start3A_157 : memref<1x128xi32, #tpu.memory_space<vmem>> -> memref<128xi32, #tpu.memory_space<vmem>>
          %dma_start3A_159 = arith.constant 0 : i32
          %dma_start3A_160 = arith.constant 0 : i32
          %dma_start3A_161 = tpu.memref_slice %arg12[%dma_start3A_159, %dma_start3A_160] : memref<10000x16xf32, #tpu.memory_space<vmem_shared>> -> memref<10000x16xf32, #tpu.memory_space<vmem_shared>>
          tpu.enqueue_indirect_dma source(%dma_start3A_161 : memref<10000x16xf32, #tpu.memory_space<vmem_shared>>) target(%dma_start3A_155 : memref<128x16xf32, #tpu.memory_space<vmem>>) offsets(%dma_start3A_158 : memref<128xi32, #tpu.memory_space<vmem>>) semaphore(%arg10 : memref<!tpu.dma_semaphore, #tpu.memory_space<semaphore_mem>>)
          %add3A_162 = arith.constant 1 : i32
          %add3A_163 = arith.addi %mul3A_150, %add3A_162 : i32
          %dma_start3A_164 = arith.constant 128 : i32
          %dma_start3A_165 = arith.constant 0 : i32
          %dma_start3A_166 = tpu.memref_slice %arg8[%dma_start3A_164, %dma_start3A_165] : memref<512x16xf32, #tpu.memory_space<vmem>> -> memref<128x16xf32, #tpu.memory_space<vmem>>
          %dma_start3A_167 = arith.constant 0 : i32
          %dma_start3A_168 = tpu.memref_slice %arg6[%add3A_163, %dma_start3A_167] : memref<56x128xi32, #tpu.memory_space<vmem>> -> memref<1x128xi32, #tpu.memory_space<vmem>>
          %dma_start3A_169 = tpu.memref_squeeze %dma_start3A_168 : memref<1x128xi32, #tpu.memory_space<vmem>> -> memref<128xi32, #tpu.memory_space<vmem>>
          %dma_start3A_170 = arith.constant 0 : i32
          %dma_start3A_171 = arith.constant 0 : i32
          %dma_start3A_172 = tpu.memref_slice %arg12[%dma_start3A_170, %dma_start3A_171] : memref<10000x16xf32, #tpu.memory_space<vmem_shared>> -> memref<10000x16xf32, #tpu.memory_space<vmem_shared>>
          tpu.enqueue_indirect_dma source(%dma_start3A_172 : memref<10000x16xf32, #tpu.memory_space<vmem_shared>>) target(%dma_start3A_166 : memref<128x16xf32, #tpu.memory_space<vmem>>) offsets(%dma_start3A_169 : memref<128xi32, #tpu.memory_space<vmem>>) semaphore(%arg10 : memref<!tpu.dma_semaphore, #tpu.memory_space<semaphore_mem>>)
        } else {
        }
        %dma_wait3A_115 = arith.constant 0 : i32
        %dma_wait3A_116 = arith.constant 256 : i32
        %dma_wait3A_117 = arith.constant 0 : i32
        %dma_wait3A_118 = tpu.memref_slice %arg8[%dma_wait3A_116, %dma_wait3A_117] : memref<512x16xf32, #tpu.memory_space<vmem>> -> memref<128x16xf32, #tpu.memory_space<vmem>>
        %dma_wait3A_119 = arith.constant 0 : i32
        %dma_wait3A_120 = tpu.memref_slice %arg6[%dma_wait3A_115, %dma_wait3A_119] : memref<56x128xi32, #tpu.memory_space<vmem>> -> memref<1x128xi32, #tpu.memory_space<vmem>>
        %dma_wait3A_121 = tpu.memref_squeeze %dma_wait3A_120 : memref<1x128xi32, #tpu.memory_space<vmem>> -> memref<128xi32, #tpu.memory_space<vmem>>
        %dma_wait3A_122 = arith.constant 0 : i32
        %dma_wait3A_123 = arith.constant 0 : i32
        %dma_wait3A_124 = tpu.memref_slice %arg12[%dma_wait3A_122, %dma_wait3A_123] : memref<10000x16xf32, #tpu.memory_space<vmem_shared>> -> memref<10000x16xf32, #tpu.memory_space<vmem_shared>>
        tpu.wait_indirect_dma semaphore(%arg11 : memref<!tpu.dma_semaphore, #tpu.memory_space<semaphore_mem>>) src(%dma_wait3A_124 : memref<10000x16xf32, #tpu.memory_space<vmem_shared>>) dst(%dma_wait3A_118 : memref<128x16xf32, #tpu.memory_space<vmem>>)
        %dma_wait3A_125 = arith.constant 0 : i32
        %dma_wait3A_126 = arith.constant 384 : i32
        %dma_wait3A_127 = arith.constant 0 : i32
        %dma_wait3A_128 = tpu.memref_slice %arg8[%dma_wait3A_126, %dma_wait3A_127] : memref<512x16xf32, #tpu.memory_space<vmem>> -> memref<128x16xf32, #tpu.memory_space<vmem>>
        %dma_wait3A_129 = arith.constant 0 : i32
        %dma_wait3A_130 = tpu.memref_slice %arg6[%dma_wait3A_125, %dma_wait3A_129] : memref<56x128xi32, #tpu.memory_space<vmem>> -> memref<1x128xi32, #tpu.memory_space<vmem>>
        %dma_wait3A_131 = tpu.memref_squeeze %dma_wait3A_130 : memref<1x128xi32, #tpu.memory_space<vmem>> -> memref<128xi32, #tpu.memory_space<vmem>>
        %dma_wait3A_132 = arith.constant 0 : i32
        %dma_wait3A_133 = arith.constant 0 : i32
        %dma_wait3A_134 = tpu.memref_slice %arg12[%dma_wait3A_132, %dma_wait3A_133] : memref<10000x16xf32, #tpu.memory_space<vmem_shared>> -> memref<10000x16xf32, #tpu.memory_space<vmem_shared>>
        tpu.wait_indirect_dma semaphore(%arg11 : memref<!tpu.dma_semaphore, #tpu.memory_space<semaphore_mem>>) src(%dma_wait3A_134 : memref<10000x16xf32, #tpu.memory_space<vmem_shared>>) dst(%dma_wait3A_128 : memref<128x16xf32, #tpu.memory_space<vmem>>)
        %mul3A_135 = arith.constant 2 : i32
        %mul3A_136 = arith.muli %mul3A_135, %scan3A_55 : i32
        %add3A_137 = arith.constant 1 : i32
        %add3A_138 = arith.addi %mul3A_136, %add3A_137 : i32
        %mul3A_139 = arith.constant 2 : i32
        %mul3A_140 = arith.muli %add3A_138, %mul3A_139 : i32
        %add3A_141 = arith.constant 0 : i32
        %add3A_142 = arith.addi %mul3A_140, %add3A_141 : i32
        "tpu.region"() ({
          %run_scoped3A = tpu.sem_alloc : memref<!tpu.dma_semaphore, #tpu.memory_space<semaphore_mem>>
          %dma_start3A_145 = arith.constant 256 : i32
          %dma_start3A_146 = arith.constant 0 : i32
          %dma_start3A_147 = tpu.memref_slice %arg8[%dma_start3A_145, %dma_start3A_146] : memref<512x16xf32, #tpu.memory_space<vmem>> -> memref<128x16xf32, #tpu.memory_space<vmem>>
          %dma_start3A_148 = arith.constant 0 : i32
          %dma_start3A_149 = tpu.memref_slice %arg7[%add3A_142, %dma_start3A_148] : memref<56x128xi32, #tpu.memory_space<vmem>> -> memref<1x128xi32, #tpu.memory_space<vmem>>
          %dma_start3A_150 = tpu.memref_squeeze %dma_start3A_149 : memref<1x128xi32, #tpu.memory_space<vmem>> -> memref<128xi32, #tpu.memory_space<vmem>>
          %dma_start3A_151 = arith.constant 0 : i32
          %dma_start3A_152 = arith.constant 0 : i32
          %dma_start3A_153 = tpu.memref_slice %arg9[%dma_start3A_151, %dma_start3A_152] : memref<10240x16xf32, #tpu.memory_space<vmem_shared>> -> memref<10240x16xf32, #tpu.memory_space<vmem_shared>>
          tpu.enqueue_indirect_dma source(%dma_start3A_147 : memref<128x16xf32, #tpu.memory_space<vmem>>) target(%dma_start3A_153 : memref<10240x16xf32, #tpu.memory_space<vmem_shared>>) offsets(%dma_start3A_150 : memref<128xi32, #tpu.memory_space<vmem>>) semaphore(%run_scoped3A : memref<!tpu.dma_semaphore, #tpu.memory_space<semaphore_mem>>) {add = true}
          %dma_wait3A_154 = arith.constant 256 : i32
          %dma_wait3A_155 = arith.constant 0 : i32
          %dma_wait3A_156 = tpu.memref_slice %arg8[%dma_wait3A_154, %dma_wait3A_155] : memref<512x16xf32, #tpu.memory_space<vmem>> -> memref<128x16xf32, #tpu.memory_space<vmem>>
          %dma_wait3A_157 = arith.constant 0 : i32
          %dma_wait3A_158 = tpu.memref_slice %arg7[%add3A_142, %dma_wait3A_157] : memref<56x128xi32, #tpu.memory_space<vmem>> -> memref<1x128xi32, #tpu.memory_space<vmem>>
          %dma_wait3A_159 = tpu.memref_squeeze %dma_wait3A_158 : memref<1x128xi32, #tpu.memory_space<vmem>> -> memref<128xi32, #tpu.memory_space<vmem>>
          %dma_wait3A_160 = arith.constant 0 : i32
          %dma_wait3A_161 = arith.constant 0 : i32
          %dma_wait3A_162 = tpu.memref_slice %arg9[%dma_wait3A_160, %dma_wait3A_161] : memref<10240x16xf32, #tpu.memory_space<vmem_shared>> -> memref<10240x16xf32, #tpu.memory_space<vmem_shared>>
          tpu.wait_indirect_dma semaphore(%run_scoped3A : memref<!tpu.dma_semaphore, #tpu.memory_space<semaphore_mem>>) src(%dma_wait3A_156 : memref<128x16xf32, #tpu.memory_space<vmem>>) dst(%dma_wait3A_162 : memref<10240x16xf32, #tpu.memory_space<vmem_shared>>)
          tpu.yield
        }) : () -> ()
        %add3A_143 = arith.constant 1 : i32
        %add3A_144 = arith.addi %mul3A_140, %add3A_143 : i32
        "tpu.region"() ({
          %run_scoped3A = tpu.sem_alloc : memref<!tpu.dma_semaphore, #tpu.memory_space<semaphore_mem>>
          %dma_start3A_145 = arith.constant 384 : i32
          %dma_start3A_146 = arith.constant 0 : i32
          %dma_start3A_147 = tpu.memref_slice %arg8[%dma_start3A_145, %dma_start3A_146] : memref<512x16xf32, #tpu.memory_space<vmem>> -> memref<128x16xf32, #tpu.memory_space<vmem>>
          %dma_start3A_148 = arith.constant 0 : i32
          %dma_start3A_149 = tpu.memref_slice %arg7[%add3A_144, %dma_start3A_148] : memref<56x128xi32, #tpu.memory_space<vmem>> -> memref<1x128xi32, #tpu.memory_space<vmem>>
          %dma_start3A_150 = tpu.memref_squeeze %dma_start3A_149 : memref<1x128xi32, #tpu.memory_space<vmem>> -> memref<128xi32, #tpu.memory_space<vmem>>
          %dma_start3A_151 = arith.constant 0 : i32
          %dma_start3A_152 = arith.constant 0 : i32
          %dma_start3A_153 = tpu.memref_slice %arg9[%dma_start3A_151, %dma_start3A_152] : memref<10240x16xf32, #tpu.memory_space<vmem_shared>> -> memref<10240x16xf32, #tpu.memory_space<vmem_shared>>
          tpu.enqueue_indirect_dma source(%dma_start3A_147 : memref<128x16xf32, #tpu.memory_space<vmem>>) target(%dma_start3A_153 : memref<10240x16xf32, #tpu.memory_space<vmem_shared>>) offsets(%dma_start3A_150 : memref<128xi32, #tpu.memory_space<vmem>>) semaphore(%run_scoped3A : memref<!tpu.dma_semaphore, #tpu.memory_space<semaphore_mem>>) {add = true}
          %dma_wait3A_154 = arith.constant 384 : i32
          %dma_wait3A_155 = arith.constant 0 : i32
          %dma_wait3A_156 = tpu.memref_slice %arg8[%dma_wait3A_154, %dma_wait3A_155] : memref<512x16xf32, #tpu.memory_space<vmem>> -> memref<128x16xf32, #tpu.memory_space<vmem>>
          %dma_wait3A_157 = arith.constant 0 : i32
          %dma_wait3A_158 = tpu.memref_slice %arg7[%add3A_144, %dma_wait3A_157] : memref<56x128xi32, #tpu.memory_space<vmem>> -> memref<1x128xi32, #tpu.memory_space<vmem>>
          %dma_wait3A_159 = tpu.memref_squeeze %dma_wait3A_158 : memref<1x128xi32, #tpu.memory_space<vmem>> -> memref<128xi32, #tpu.memory_space<vmem>>
          %dma_wait3A_160 = arith.constant 0 : i32
          %dma_wait3A_161 = arith.constant 0 : i32
          %dma_wait3A_162 = tpu.memref_slice %arg9[%dma_wait3A_160, %dma_wait3A_161] : memref<10240x16xf32, #tpu.memory_space<vmem_shared>> -> memref<10240x16xf32, #tpu.memory_space<vmem_shared>>
          tpu.wait_indirect_dma semaphore(%run_scoped3A : memref<!tpu.dma_semaphore, #tpu.memory_space<semaphore_mem>>) src(%dma_wait3A_156 : memref<128x16xf32, #tpu.memory_space<vmem>>) dst(%dma_wait3A_162 : memref<10240x16xf32, #tpu.memory_space<vmem_shared>>)
          tpu.yield
        }) : () -> ()
      }
      %scan3A_54 = arith.constant 6 : i32
    } else {
    }
    %barrier3A_22 = arith.constant 0 : index
    tpu.barrier barrier_id(%barrier3A_22)
    %mul3A_23 = arith.constant 640 : i32
    %mul3A_24 = arith.muli %arg1, %mul3A_23 : i32
    %mul3A_25 = arith.constant 640 : i32
    %mul3A_26 = arith.muli %arg1, %mul3A_25 : i32
    "tpu.region"() ({
      %run_scoped3A = tpu.sem_alloc : memref<!tpu.dma_semaphore, #tpu.memory_space<semaphore_mem>>
      %dma_start3A = arith.constant 0 : i32
      %dma_start3A_27 = tpu.memref_slice %arg5[%arg0, %mul3A_26, %dma_start3A] : memref<2x10240x16xf32, #tpu.memory_space<hbm>> -> memref<1x640x16xf32, #tpu.memory_space<hbm>>
      %dma_start3A_28 = tpu.memref_squeeze %dma_start3A_27 : memref<1x640x16xf32, #tpu.memory_space<hbm>> -> memref<640x16xf32, #tpu.memory_space<hbm>>
      %dma_start3A_29 = arith.constant 0 : i32
      %dma_start3A_30 = tpu.memref_slice %arg9[%mul3A_24, %dma_start3A_29] : memref<10240x16xf32, #tpu.memory_space<vmem_shared>> -> memref<640x16xf32, #tpu.memory_space<vmem_shared>>
      tpu.enqueue_dma source(%dma_start3A_30 : memref<640x16xf32, #tpu.memory_space<vmem_shared>>) target(%dma_start3A_28 : memref<640x16xf32, #tpu.memory_space<hbm>>) target_semaphore(%run_scoped3A : memref<!tpu.dma_semaphore, #tpu.memory_space<semaphore_mem>>)
      %dma_wait3A = arith.constant 0 : i32
      %dma_wait3A_31 = tpu.memref_slice %arg5[%arg0, %mul3A_26, %dma_wait3A] : memref<2x10240x16xf32, #tpu.memory_space<hbm>> -> memref<1x640x16xf32, #tpu.memory_space<hbm>>
      %dma_wait3A_32 = tpu.memref_squeeze %dma_wait3A_31 : memref<1x640x16xf32, #tpu.memory_space<hbm>> -> memref<640x16xf32, #tpu.memory_space<hbm>>
      %dma_wait3A_33 = arith.constant 0 : i32
      %dma_wait3A_34 = tpu.memref_slice %arg9[%mul3A_24, %dma_wait3A_33] : memref<10240x16xf32, #tpu.memory_space<vmem_shared>> -> memref<640x16xf32, #tpu.memory_space<vmem_shared>>
      tpu.wait_dma2 semaphore(%run_scoped3A : memref<!tpu.dma_semaphore, #tpu.memory_space<semaphore_mem>>) src(%dma_wait3A_34 : memref<640x16xf32, #tpu.memory_space<vmem_shared>>) dst(%dma_wait3A_32 : memref<640x16xf32, #tpu.memory_space<hbm>>)
      tpu.yield
    }) : () -> ()
    return
  }
}

module attributes {stable_mosaic.version = 14 : i64} {
  func.func @_tc1_body(%arg0: i32, %arg1: memref<2000x256xf32, #tpu.memory_space<vmem>>, %arg2: memref<256x128xf32, #tpu.memory_space<vmem>>, %arg3: memref<2x2000x16xf32, #tpu.memory_space<vmem>>, %arg4: memref<2000x128xf32, #tpu.memory_space<vmem>>, %arg5: memref<2000x128xbf16, #tpu.memory_space<vmem>>) attributes {dimension_semantics = [#tpu.dimension_semantics<arbitrary>], iteration_bounds = array<i64: 5>, scalar_prefetch = 0 : i64, scratch_operands = 0 : i64, tpu.core_type = #tpu.core_type<tc>, window_params = [{transform_indices = @transform_0, window_bounds = array<i64: 2000, 256>}, {pipeline_mode = #tpu.pipeline_mode<synchronous>, transform_indices = @transform_1, window_bounds = array<i64: 256, 128>}, {transform_indices = @transform_2, window_bounds = array<i64: 2, 2000, 16>}, {transform_indices = @transform_3, window_bounds = array<i64: 2000, 128>}, {transform_indices = @transform_4, window_bounds = array<i64: 2000, 128>}]} {
    %get3A = arith.constant 0 : index
    %get3A_0 = arith.constant 0 : index
    %get3A_1 = vector.load %arg1[%get3A, %get3A_0] : memref<2000x256xf32, #tpu.memory_space<vmem>>, vector<2000x256xf32>
    %get3A_2 = arith.constant 0 : index
    %get3A_3 = arith.constant 0 : index
    %get3A_4 = vector.load %arg2[%get3A_2, %get3A_3] : memref<256x128xf32, #tpu.memory_space<vmem>>, vector<256x128xf32>
    %dot_general3A = arith.constant dense<0.000000e+00> : vector<2000x128xf32>
    %dot_general3A_5 = tpu.matmul %get3A_1, %get3A_4, %dot_general3A {dimension_numbers = #tpu.dot_dimension_numbers<[1], [0], [0], [1], [0, 0, 1, 1], [], []>, transpose_lhs_hint = false} : vector<2000x256xf32>, vector<256x128xf32>, vector<2000x128xf32> -> vector<2000x128xf32>
    %get3A_6 = arith.constant 0 : index
    %get3A_7 = arith.constant 0 : index
    %get3A_8 = arith.constant 0 : index
    %get3A_9 = vector.load %arg3[%get3A_6, %get3A_7, %get3A_8] : memref<2x2000x16xf32, #tpu.memory_space<vmem>>, vector<1x2000x1xf32>
    %get3A_10 = vector.shape_cast %get3A_9 : vector<1x2000x1xf32> to vector<2000x1xf32>
    %get3A_11 = arith.constant 1 : index
    %get3A_12 = arith.constant 0 : index
    %get3A_13 = arith.constant 0 : index
    %get3A_14 = vector.load %arg3[%get3A_11, %get3A_12, %get3A_13] : memref<2x2000x16xf32, #tpu.memory_space<vmem>>, vector<1x2000x1xf32>
    %get3A_15 = vector.shape_cast %get3A_14 : vector<1x2000x1xf32> to vector<2000x1xf32>
    %add3A = arith.addf %get3A_10, %get3A_15 : vector<2000x1xf32>
    %add3A_16 = arith.constant 1.000000e+00 : f32
    %add3A_17 = vector.broadcast %add3A_16 : f32 to vector<2000x1xf32>
    %add3A_18 = arith.addf %add3A, %add3A_17 : vector<2000x1xf32>
    %rsqrt3A = math.rsqrt %add3A_18 : vector<2000x1xf32>
    %swap3A = arith.constant 0 : index
    %swap3A_19 = arith.constant 0 : index
    %swap3A_20 = vector.load %arg4[%swap3A, %swap3A_19] : memref<2000x128xf32, #tpu.memory_space<vmem>>, vector<2000x128xf32>
    tpu.vector_store %arg4[%swap3A, %swap3A_19], %dot_general3A_5 {strides = array<i32>} : memref<2000x128xf32, #tpu.memory_space<vmem>>, vector<2000x128xf32>,
    %mul3A = vector.broadcast %rsqrt3A : vector<2000x1xf32> to vector<2000x128xf32>
    %mul3A_21 = arith.mulf %dot_general3A_5, %mul3A : vector<2000x128xf32>
    %convert_element_type3A = arith.truncf %mul3A_21 : vector<2000x128xf32> to vector<2000x128xbf16>
    %swap3A_22 = arith.constant 0 : index
    %swap3A_23 = arith.constant 0 : index
    %swap3A_24 = vector.load %arg5[%swap3A_22, %swap3A_23] : memref<2000x128xbf16, #tpu.memory_space<vmem>>, vector<2000x128xbf16>
    tpu.vector_store %arg5[%swap3A_22, %swap3A_23], %convert_element_type3A {strides = array<i32>} : memref<2000x128xbf16, #tpu.memory_space<vmem>>, vector<2000x128xbf16>,
    return
  }
  func.func @transform_0(%arg0: i32) -> (i32, i32) {
    %c0_i32 = arith.constant 0 : i32
    %c0_i32_0 = arith.constant 0 : i32
    return %arg0, %c0_i32 : i32, i32
  }
  func.func @transform_1(%arg0: i32) -> (i32, i32) {
    %c0_i32 = arith.constant 0 : i32
    %c0_i32_0 = arith.constant 0 : i32
    %c0_i32_1 = arith.constant 0 : i32
    return %c0_i32, %c0_i32_0 : i32, i32
  }
  func.func @transform_2(%arg0: i32) -> (i32, i32, i32) {
    %c0_i32 = arith.constant 0 : i32
    %c0_i32_0 = arith.constant 0 : i32
    %c0_i32_1 = arith.constant 0 : i32
    return %c0_i32, %arg0, %c0_i32_0 : i32, i32, i32
  }
  func.func @transform_3(%arg0: i32) -> (i32, i32) {
    %c0_i32 = arith.constant 0 : i32
    %c0_i32_0 = arith.constant 0 : i32
    return %arg0, %c0_i32 : i32, i32
  }
  func.func @transform_4(%arg0: i32) -> (i32, i32) {
    %c0_i32 = arith.constant 0 : i32
    %c0_i32_0 = arith.constant 0 : i32
    return %arg0, %c0_i32 : i32, i32
  }
}

module attributes {stable_mosaic.version = 14 : i64} {
  func.func @_tc2_body(%arg0: i32, %arg1: memref<2x2000x128xbf16, #tpu.memory_space<vmem>>, %arg2: memref<2000x128xf32, #tpu.memory_space<vmem>>, %arg3: memref<2x2000x16xf32, #tpu.memory_space<vmem>>, %arg4: memref<1x128xf32, #tpu.memory_space<vmem>>, %arg5: memref<128x16xf32, #tpu.memory_space<vmem>>, %arg6: memref<2000x16xf32, #tpu.memory_space<vmem>>, %arg7: memref<2000x16xf32, #tpu.memory_space<vmem>>) attributes {dimension_semantics = [#tpu.dimension_semantics<arbitrary>], iteration_bounds = array<i64: 5>, scalar_prefetch = 0 : i64, scratch_operands = 0 : i64, tpu.core_type = #tpu.core_type<tc>, window_params = [{transform_indices = @transform_0, window_bounds = array<i64: 2, 2000, 128>}, {transform_indices = @transform_1, window_bounds = array<i64: 2000, 128>}, {transform_indices = @transform_2, window_bounds = array<i64: 2, 2000, 16>}, {pipeline_mode = #tpu.pipeline_mode<synchronous>, transform_indices = @transform_3, window_bounds = array<i64: 1, 128>}, {pipeline_mode = #tpu.pipeline_mode<synchronous>, transform_indices = @transform_4, window_bounds = array<i64: 128, 16>}, {transform_indices = @transform_5, window_bounds = array<i64: 2000, 16>}, {transform_indices = @transform_6, window_bounds = array<i64: 2000, 16>}]} {
    %get3A = arith.constant 0 : index
    %get3A_0 = arith.constant 0 : index
    %get3A_1 = arith.constant 0 : index
    %get3A_2 = vector.load %arg3[%get3A, %get3A_0, %get3A_1] : memref<2x2000x16xf32, #tpu.memory_space<vmem>>, vector<1x2000x1xf32>
    %get3A_3 = vector.shape_cast %get3A_2 : vector<1x2000x1xf32> to vector<2000x1xf32>
    %get3A_4 = arith.constant 1 : index
    %get3A_5 = arith.constant 0 : index
    %get3A_6 = arith.constant 0 : index
    %get3A_7 = vector.load %arg3[%get3A_4, %get3A_5, %get3A_6] : memref<2x2000x16xf32, #tpu.memory_space<vmem>>, vector<1x2000x1xf32>
    %get3A_8 = vector.shape_cast %get3A_7 : vector<1x2000x1xf32> to vector<2000x1xf32>
    %add3A = arith.addf %get3A_3, %get3A_8 : vector<2000x1xf32>
    %add3A_9 = arith.constant 1.000000e+00 : f32
    %add3A_10 = vector.broadcast %add3A_9 : f32 to vector<2000x1xf32>
    %add3A_11 = arith.addf %add3A, %add3A_10 : vector<2000x1xf32>
    %rsqrt3A = math.rsqrt %add3A_11 : vector<2000x1xf32>
    %get3A_12 = arith.constant 0 : index
    %get3A_13 = arith.constant 0 : index
    %get3A_14 = arith.constant 0 : index
    %get3A_15 = vector.load %arg1[%get3A_12, %get3A_13, %get3A_14] : memref<2x2000x128xbf16, #tpu.memory_space<vmem>>, vector<1x2000x128xbf16>
    %get3A_16 = vector.shape_cast %get3A_15 : vector<1x2000x128xbf16> to vector<2000x128xbf16>
    %convert_element_type3A = arith.extf %get3A_16 : vector<2000x128xbf16> to vector<2000x128xf32>
    %get3A_17 = arith.constant 1 : index
    %get3A_18 = arith.constant 0 : index
    %get3A_19 = arith.constant 0 : index
    %get3A_20 = vector.load %arg1[%get3A_17, %get3A_18, %get3A_19] : memref<2x2000x128xbf16, #tpu.memory_space<vmem>>, vector<1x2000x128xbf16>
    %get3A_21 = vector.shape_cast %get3A_20 : vector<1x2000x128xbf16> to vector<2000x128xbf16>
    %convert_element_type3A_22 = arith.extf %get3A_21 : vector<2000x128xbf16> to vector<2000x128xf32>
    %add3A_23 = arith.addf %convert_element_type3A, %convert_element_type3A_22 : vector<2000x128xf32>
    %mul3A = vector.broadcast %rsqrt3A : vector<2000x1xf32> to vector<2000x128xf32>
    %mul3A_24 = arith.mulf %mul3A, %add3A_23 : vector<2000x128xf32>
    %mul3A_25 = arith.mulf %rsqrt3A, %rsqrt3A : vector<2000x1xf32>
    %get3A_26 = arith.constant 0 : index
    %get3A_27 = arith.constant 0 : index
    %get3A_28 = vector.load %arg2[%get3A_26, %get3A_27] : memref<2000x128xf32, #tpu.memory_space<vmem>>, vector<2000x128xf32>
    %mul3A_29 = vector.broadcast %mul3A_25 : vector<2000x1xf32> to vector<2000x128xf32>
    %mul3A_30 = arith.mulf %mul3A_29, %get3A_28 : vector<2000x128xf32>
    %add3A_31 = arith.addf %mul3A_24, %mul3A_30 : vector<2000x128xf32>
    %get3A_32 = arith.constant 0 : index
    %get3A_33 = arith.constant 0 : index
    %get3A_34 = vector.load %arg4[%get3A_32, %get3A_33] : memref<1x128xf32, #tpu.memory_space<vmem>>, vector<1x128xf32>
    %add3A_35 = vector.broadcast %get3A_34 : vector<1x128xf32> to vector<2000x128xf32>
    %add3A_36 = arith.addf %add3A_31, %add3A_35 : vector<2000x128xf32>
    %max3A = arith.constant 0.000000e+00 : f32
    %max3A_37 = vector.broadcast %max3A : f32 to vector<2000x128xf32>
    %max3A_38 = arith.maximumf %add3A_36, %max3A_37 : vector<2000x128xf32>
    %get3A_39 = arith.constant 0 : index
    %get3A_40 = arith.constant 0 : index
    %get3A_41 = vector.load %arg5[%get3A_39, %get3A_40] : memref<128x16xf32, #tpu.memory_space<vmem>>, vector<128x16xf32>
    %dot_general3A = arith.constant dense<0.000000e+00> : vector<2000x16xf32>
    %dot_general3A_42 = tpu.matmul %max3A_38, %get3A_41, %dot_general3A {dimension_numbers = #tpu.dot_dimension_numbers<[1], [0], [0], [1], [0, 0, 1, 1], [], []>, transpose_lhs_hint = false} : vector<2000x128xf32>, vector<128x16xf32>, vector<2000x16xf32> -> vector<2000x16xf32>
    %swap3A = arith.constant 0 : index
    %swap3A_43 = arith.constant 0 : index
    %swap3A_44 = vector.load %arg6[%swap3A, %swap3A_43] : memref<2000x16xf32, #tpu.memory_space<vmem>>, vector<2000x16xf32>
    tpu.vector_store %arg6[%swap3A, %swap3A_43], %dot_general3A_42 {strides = array<i32>} : memref<2000x16xf32, #tpu.memory_space<vmem>>, vector<2000x16xf32>,
    %mul3A_45 = vector.broadcast %rsqrt3A : vector<2000x1xf32> to vector<2000x16xf32>
    %mul3A_46 = arith.mulf %dot_general3A_42, %mul3A_45 : vector<2000x16xf32>
    %swap3A_47 = arith.constant 0 : index
    %swap3A_48 = arith.constant 0 : index
    %swap3A_49 = vector.load %arg7[%swap3A_47, %swap3A_48] : memref<2000x16xf32, #tpu.memory_space<vmem>>, vector<2000x16xf32>
    tpu.vector_store %arg7[%swap3A_47, %swap3A_48], %mul3A_46 {strides = array<i32>} : memref<2000x16xf32, #tpu.memory_space<vmem>>, vector<2000x16xf32>,
    return
  }
  func.func @transform_0(%arg0: i32) -> (i32, i32, i32) {
    %c0_i32 = arith.constant 0 : i32
    %c0_i32_0 = arith.constant 0 : i32
    %c0_i32_1 = arith.constant 0 : i32
    return %c0_i32, %arg0, %c0_i32_0 : i32, i32, i32
  }
  func.func @transform_1(%arg0: i32) -> (i32, i32) {
    %c0_i32 = arith.constant 0 : i32
    %c0_i32_0 = arith.constant 0 : i32
    return %arg0, %c0_i32 : i32, i32
  }
  func.func @transform_2(%arg0: i32) -> (i32, i32, i32) {
    %c0_i32 = arith.constant 0 : i32
    %c0_i32_0 = arith.constant 0 : i32
    %c0_i32_1 = arith.constant 0 : i32
    return %c0_i32, %arg0, %c0_i32_0 : i32, i32, i32
  }
  func.func @transform_3(%arg0: i32) -> (i32, i32) {
    %c0_i32 = arith.constant 0 : i32
    %c0_i32_0 = arith.constant 0 : i32
    %c0_i32_1 = arith.constant 0 : i32
    return %c0_i32, %c0_i32_0 : i32, i32
  }
  func.func @transform_4(%arg0: i32) -> (i32, i32) {
    %c0_i32 = arith.constant 0 : i32
    %c0_i32_0 = arith.constant 0 : i32
    %c0_i32_1 = arith.constant 0 : i32
    return %c0_i32, %c0_i32_0 : i32, i32
  }
  func.func @transform_5(%arg0: i32) -> (i32, i32) {
    %c0_i32 = arith.constant 0 : i32
    %c0_i32_0 = arith.constant 0 : i32
    return %arg0, %c0_i32 : i32, i32
  }
  func.func @transform_6(%arg0: i32) -> (i32, i32) {
    %c0_i32 = arith.constant 0 : i32
    %c0_i32_0 = arith.constant 0 : i32
    return %arg0, %c0_i32 : i32, i32
  }
}

module attributes {stable_mosaic.version = 14 : i64} {
  func.func @_tc3_body(%arg0: i32, %arg1: memref<2x2000x16xf32, #tpu.memory_space<vmem>>, %arg2: memref<2000x16xf32, #tpu.memory_space<vmem>>, %arg3: memref<2x2000x16xf32, #tpu.memory_space<vmem>>, %arg4: memref<1x16xf32, #tpu.memory_space<vmem>>, %arg5: memref<2000x16xf32, #tpu.memory_space<vmem>>) attributes {dimension_semantics = [#tpu.dimension_semantics<arbitrary>], iteration_bounds = array<i64: 5>, scalar_prefetch = 0 : i64, scratch_operands = 0 : i64, tpu.core_type = #tpu.core_type<tc>, window_params = [{transform_indices = @transform_0, window_bounds = array<i64: 2, 2000, 16>}, {transform_indices = @transform_1, window_bounds = array<i64: 2000, 16>}, {transform_indices = @transform_2, window_bounds = array<i64: 2, 2000, 16>}, {pipeline_mode = #tpu.pipeline_mode<synchronous>, transform_indices = @transform_3, window_bounds = array<i64: 1, 16>}, {transform_indices = @transform_4, window_bounds = array<i64: 2000, 16>}]} {
    %get3A = arith.constant 0 : index
    %get3A_0 = arith.constant 0 : index
    %get3A_1 = arith.constant 0 : index
    %get3A_2 = vector.load %arg3[%get3A, %get3A_0, %get3A_1] : memref<2x2000x16xf32, #tpu.memory_space<vmem>>, vector<1x2000x1xf32>
    %get3A_3 = vector.shape_cast %get3A_2 : vector<1x2000x1xf32> to vector<2000x1xf32>
    %get3A_4 = arith.constant 1 : index
    %get3A_5 = arith.constant 0 : index
    %get3A_6 = arith.constant 0 : index
    %get3A_7 = vector.load %arg3[%get3A_4, %get3A_5, %get3A_6] : memref<2x2000x16xf32, #tpu.memory_space<vmem>>, vector<1x2000x1xf32>
    %get3A_8 = vector.shape_cast %get3A_7 : vector<1x2000x1xf32> to vector<2000x1xf32>
    %add3A = arith.addf %get3A_3, %get3A_8 : vector<2000x1xf32>
    %add3A_9 = arith.constant 1.000000e+00 : f32
    %add3A_10 = vector.broadcast %add3A_9 : f32 to vector<2000x1xf32>
    %add3A_11 = arith.addf %add3A, %add3A_10 : vector<2000x1xf32>
    %rsqrt3A = math.rsqrt %add3A_11 : vector<2000x1xf32>
    %get3A_12 = arith.constant 0 : index
    %get3A_13 = arith.constant 0 : index
    %get3A_14 = arith.constant 0 : index
    %get3A_15 = vector.load %arg1[%get3A_12, %get3A_13, %get3A_14] : memref<2x2000x16xf32, #tpu.memory_space<vmem>>, vector<1x2000x16xf32>
    %get3A_16 = vector.shape_cast %get3A_15 : vector<1x2000x16xf32> to vector<2000x16xf32>
    %get3A_17 = arith.constant 1 : index
    %get3A_18 = arith.constant 0 : index
    %get3A_19 = arith.constant 0 : index
    %get3A_20 = vector.load %arg1[%get3A_17, %get3A_18, %get3A_19] : memref<2x2000x16xf32, #tpu.memory_space<vmem>>, vector<1x2000x16xf32>
    %get3A_21 = vector.shape_cast %get3A_20 : vector<1x2000x16xf32> to vector<2000x16xf32>
    %add3A_22 = arith.addf %get3A_16, %get3A_21 : vector<2000x16xf32>
    %mul3A = vector.broadcast %rsqrt3A : vector<2000x1xf32> to vector<2000x16xf32>
    %mul3A_23 = arith.mulf %mul3A, %add3A_22 : vector<2000x16xf32>
    %mul3A_24 = arith.mulf %rsqrt3A, %rsqrt3A : vector<2000x1xf32>
    %get3A_25 = arith.constant 0 : index
    %get3A_26 = arith.constant 0 : index
    %get3A_27 = vector.load %arg2[%get3A_25, %get3A_26] : memref<2000x16xf32, #tpu.memory_space<vmem>>, vector<2000x16xf32>
    %mul3A_28 = vector.broadcast %mul3A_24 : vector<2000x1xf32> to vector<2000x16xf32>
    %mul3A_29 = arith.mulf %mul3A_28, %get3A_27 : vector<2000x16xf32>
    %add3A_30 = arith.addf %mul3A_23, %mul3A_29 : vector<2000x16xf32>
    %get3A_31 = arith.constant 0 : index
    %get3A_32 = arith.constant 0 : index
    %get3A_33 = vector.load %arg4[%get3A_31, %get3A_32] : memref<1x16xf32, #tpu.memory_space<vmem>>, vector<1x16xf32>
    %add3A_34 = vector.broadcast %get3A_33 : vector<1x16xf32> to vector<2000x16xf32>
    %add3A_35 = arith.addf %add3A_30, %add3A_34 : vector<2000x16xf32>
    %reduce_max3A = arith.constant dense<0xFF800000> : vector<2000xf32>
    %reduce_max3A_36 = vector.multi_reduction <maximumf>, %add3A_35, %reduce_max3A [1] : vector<2000x16xf32> to vector<2000xf32>
    %broadcast_in_dim3A = vector.shape_cast %reduce_max3A_36 : vector<2000xf32> to vector<2000x1xf32>
    %sub3A = vector.broadcast %broadcast_in_dim3A : vector<2000x1xf32> to vector<2000x16xf32>
    %sub3A_37 = arith.subf %add3A_35, %sub3A : vector<2000x16xf32>
    %exp3A = math.exp %sub3A_37 : vector<2000x16xf32>
    %reduce_sum3A = arith.constant dense<0.000000e+00> : vector<2000xf32>
    %reduce_sum3A_38 = vector.multi_reduction <add>, %exp3A, %reduce_sum3A [1] : vector<2000x16xf32> to vector<2000xf32>
    %broadcast_in_dim3A_39 = vector.shape_cast %reduce_sum3A_38 : vector<2000xf32> to vector<2000x1xf32>
    %log3A = math.log %broadcast_in_dim3A_39 : vector<2000x1xf32>
    %sub3A_40 = vector.broadcast %log3A : vector<2000x1xf32> to vector<2000x16xf32>
    %sub3A_41 = arith.subf %sub3A_37, %sub3A_40 : vector<2000x16xf32>
    %swap3A = arith.constant 0 : index
    %swap3A_42 = arith.constant 0 : index
    %swap3A_43 = vector.load %arg5[%swap3A, %swap3A_42] : memref<2000x16xf32, #tpu.memory_space<vmem>>, vector<2000x16xf32>
    tpu.vector_store %arg5[%swap3A, %swap3A_42], %sub3A_41 {strides = array<i32>} : memref<2000x16xf32, #tpu.memory_space<vmem>>, vector<2000x16xf32>,
    return
  }
  func.func @transform_0(%arg0: i32) -> (i32, i32, i32) {
    %c0_i32 = arith.constant 0 : i32
    %c0_i32_0 = arith.constant 0 : i32
    %c0_i32_1 = arith.constant 0 : i32
    return %c0_i32, %arg0, %c0_i32_0 : i32, i32, i32
  }
  func.func @transform_1(%arg0: i32) -> (i32, i32) {
    %c0_i32 = arith.constant 0 : i32
    %c0_i32_0 = arith.constant 0 : i32
    return %arg0, %c0_i32 : i32, i32
  }
  func.func @transform_2(%arg0: i32) -> (i32, i32, i32) {
    %c0_i32 = arith.constant 0 : i32
    %c0_i32_0 = arith.constant 0 : i32
    %c0_i32_1 = arith.constant 0 : i32
    return %c0_i32, %arg0, %c0_i32_0 : i32, i32, i32
  }
  func.func @transform_3(%arg0: i32) -> (i32, i32) {
    %c0_i32 = arith.constant 0 : i32
    %c0_i32_0 = arith.constant 0 : i32
    %c0_i32_1 = arith.constant 0 : i32
    return %c0_i32, %c0_i32_0 : i32, i32
  }
  func.func @transform_4(%arg0: i32) -> (i32, i32) {
    %c0_i32 = arith.constant 0 : i32
    %c0_i32_0 = arith.constant 0 : i32
    return %arg0, %c0_i32 : i32, i32
  }
}

</mosaic_0001>

<sc_bundles>
// kernel: kernel.11.cloned.1.call-start
scs
__scs_entry_jumppad:
0x0: {  	(pc) =	sbr.rel $0x88, $3  }
0x1: {  	(tag) =	ssettag $0x0;
	lr =	simm.s32 $0x1  }
0x2: {  	[smem:$0x3F9B] =	sst lr;
	_ =	strace $0xD0000000  }
0x3: {  	_ = 	snop  }
0x4: {  	_ = 	snop  }
0x5: {  	_ = 	snop  }
0x6: {  	_ = 	snop  }
0x7: {  	_ = 	snop  }
__scs_overlays_trampoline_lowered:
0x8: {  	[smem:$0x3FAA] =	sst s0  }
0x9: {  	[smem:$0x3FAB] =	sst s1  }
0xa: {  	[smem:$0x3FAC] =	sst s2  }
0xb: {  	[smem:$0x3FAD] =	sst s3  }
0xc: {  	[smem:$0x3FAE] =	sst s4  }
0xd: {  	[smem:$0x3FAF] =	sst s5  }
0xe: {  	[smem:$0x3FB0] =	sst s6  }
0xf: {  	[smem:$0x3FB1] =	sst s7  }
0x10: {  	[smem:$0x3FB2] =	sst s8  }
0x11: {  	[smem:$0x3FB3] =	sst s9;
	s0 =	simm.s32 @!p0 $0x0  }
0x12: {  	s1 =	sld [smem:$0x3F99];
	s0 =	simm.s32 @p0 $0x1  }
0x13: {  	[smem:$0x3FB4] =	sst s0;
	s0 =	simm.s32 @!p1 $0x0  }
0x14: {  	s2 =	sld [smem:$0x3F98];
	s0 =	simm.s32 @p1 $0x1  }
0x15: {  	[smem:$0x3FB5] =	sst s0;
	s0 =	simm.s32 @!p2 $0x0  }
0x16: {  	s3 =	sld [smem:$0x3FDB];
	s0 =	simm.s32 @p2 $0x1  }
0x17: {  	s4 =	simm.s32 $0x1BF5;
	[smem:$0x3FB7] =	sst s0  }
0x18: {  	s0 =	sld [smem:$0x3F9A];
	_ =	swait.ge [sflag:s4], $0x0  }
0x19: {  	s7 =	sld [smem:$0x3F9B]  }
0x1a: {  	s8 =	sadd.s32 $0xFFFFE003, lr  }
0x1b: {  	s9 =	sadd.s32 $0xFFFFFEF7, lr;
	s5 =	simm.s32 $0xFFFFFFFF;
	p2 =	slt.u32 s8, $0xFFFFF086  }
0x1c: {  	p1 =	slt.u32 s9, $0xF7A;
	s5 =	simm.s32 @!p2 $0x0  }
0x1d: {  	s5 =	simm.s32 @p1 $0x1;
	p0 =	seq.s32 s7, s2  }
0x1e: {  	s7 =	smul.u32 @!p0 $0xF7A, s2;
	p2 =	seq.s32 @!p0 s5, $0x0  }
0x1f: {  	s9 =	smul.u32 $0xF7A, s1;
	s8 =	simm.s32 @!p0 $0x1BF5;
	p2 =	por !p2, p0  }
0x20: {  	[sflag:s8] =	ssyncset.s32 @!p0 $0xFFFFF086;
	s6 =	sadd.s32 @!p0 s3, s7;
	s7 =	simm.s32 @!p0 $0x108  }
0x21: {  	s3 =	sadd.s32 s3, s9;
	s6 =	sadd.s32 @!p0 $0x88, s6;
	s7 =	simm.s32 @p2 $0x1082  }
0x22: {  	[simem:s7], [sflag:s8] =	dma.local @!p0 [hbm:s6], $0xF7A  }
0x23: {  	s9 =	sor.u32 $0xD0000000, s2;
	s6 =	simm.s32 $0x108;
	_ =	swait.ge @!p0 [sflag:s8], $0x0  }
0x24: {  	s3 =	sadd.s32 $0x88, s3;
	s6 =	simm.s32 @!p1 $0x1082;
	[sflag:s4] =	ssyncset.s32 $0xFFFFF086  }
0x25: {  	[simem:s6], [sflag:s4] =	dma.local [hbm:s3], $0xF7A  }
0x26: {  	[smem:$0x3F9B] =	sst s1;
	(tag) =	ssettag s2;
	_ =	strace s9  }
0x27: {  	s1 =	sld [smem:$0x3FAB]  }
0x28: {  	s2 =	sld [smem:$0x3FAC]  }
0x29: {  	s4 =	sld [smem:$0x3FAE]  }
0x2a: {  	p0 =	seq.s32 s5, $0x0;
	s5 =	sld [smem:$0x3FAF]  }
0x2b: {  	s6 =	sld [smem:$0x3FB0]  }
0x2c: {  	s7 =	sld [smem:$0x3FB1]  }
0x2d: {  	s3 =	simm.s32 $0x108;
	s8 =	sld [smem:$0x3FB2]  }
0x2e: {  	s3 =	simm.s32 @!p0 $0x1082;
	s9 =	sld [smem:$0x3FB3]  }
0x2f: {  	lr =	sadd.s32 s0, s3;
	s0 =	sld [smem:$0x3FAA]  }
0x30: {  	s3 =	sld [smem:$0x3FAD]  }
0x31: {  	[smem:$0x3FB6] =	sst s10  }
0x32: {  	s10 =	sld [smem:$0x3FB4];
	_ =	sdelay $0x3  }
0x33: {  	p0 =	seq.s32 s10, $0x1;
	s10 =	sld [smem:$0x3FB6];
	_ =	sdelay $0x3  }
0x34: {  	[smem:$0x3FB6] =	sst s10  }
0x35: {  	s10 =	sld [smem:$0x3FB5];
	_ =	sdelay $0x3  }
0x36: {  	p1 =	seq.s32 s10, $0x1;
	s10 =	sld [smem:$0x3FB6];
	_ =	sdelay $0x3  }
0x37: {  	[smem:$0x3FB6] =	sst s10  }
0x38: {  	s10 =	sld [smem:$0x3FB7]  }
0x39: {  	_ = 	snop;
	(pc) =	sbr.ind lr, $3  }
0x3a: {  	_ = 	snop  }
0x3b: {  	_ = 	snop  }
0x3c: {  	p2 =	seq.s32 s10, $0x1;
	s10 =	sld [smem:$0x3FB6]  }
0x3d: {  	_ =	shalt  }
0x3e: {  	_ =	shalt  }
0x3f: {  	_ =	shalt  }
0x40: {  	_ =	shalt  }
0x41: {  	_ =	shalt  }
0x42: {  	_ =	shalt  }
0x43: {  	_ =	shalt  }
0x44: {  	_ =	shalt  }
0x45: {  	_ =	shalt  }
0x46: {  	_ =	shalt  }
0x47: {  	_ =	shalt  }
0x48: {  	_ =	shalt  }
0x49: {  	_ =	shalt  }
0x4a: {  	_ =	shalt  }
0x4b: {  	_ =	shalt  }
0x4c: {  	_ =	shalt  }
0x4d: {  	_ =	shalt  }
0x4e: {  	_ =	shalt  }
0x4f: {  	_ =	shalt  }
0x50: {  	_ =	shalt  }
0x51: {  	_ =	shalt  }
0x52: {  	_ =	shalt  }
0x53: {  	_ =	shalt  }
0x54: {  	_ =	shalt  }
0x55: {  	_ =	shalt  }
0x56: {  	_ =	shalt  }
0x57: {  	_ =	shalt  }
0x58: {  	_ =	shalt  }
0x59: {  	_ =	shalt  }
0x5a: {  	_ =	shalt  }
0x5b: {  	_ =	shalt  }
0x5c: {  	_ =	shalt  }
0x5d: {  	_ =	shalt  }
0x5e: {  	_ =	shalt  }
0x5f: {  	_ =	shalt  }
0x60: {  	_ =	shalt  }
0x61: {  	_ =	shalt  }
0x62: {  	_ =	shalt  }
0x63: {  	_ =	shalt  }
0x64: {  	_ =	shalt  }
0x65: {  	_ =	shalt  }
0x66: {  	_ =	shalt  }
0x67: {  	_ =	shalt  }
0x68: {  	_ =	shalt  }
0x69: {  	_ =	shalt  }
0x6a: {  	_ =	shalt  }
0x6b: {  	_ =	shalt  }
0x6c: {  	_ =	shalt  }
0x6d: {  	_ =	shalt  }
0x6e: {  	_ =	shalt  }
0x6f: {  	_ =	shalt  }
0x70: {  	_ =	shalt  }
0x71: {  	_ =	shalt  }
0x72: {  	_ =	shalt  }
0x73: {  	_ =	shalt  }
0x74: {  	_ =	shalt  }
0x75: {  	_ =	shalt  }
0x76: {  	_ =	shalt  }
0x77: {  	_ =	shalt  }
0x78: {  	_ =	shalt  }
0x79: {  	_ =	shalt  }
0x7a: {  	_ =	shalt  }
0x7b: {  	_ =	shalt  }
0x7c: {  	_ =	shalt  }
0x7d: {  	_ =	shalt  }
0x7e: {  	_ =	shalt  }
0x7f: {  	_ =	shalt  }
0x80: {  	_ =	shalt  }
0x81: {  	_ =	shalt  }
0x82: {  	_ =	shalt  }
0x83: {  	_ =	shalt  }
0x84: {  	_ =	shalt  }
0x85: {  	_ =	shalt  }
0x86: {  	_ =	shalt  }
0x87: {  	_ =	shalt  }
.Lfunc_end0:
.L_simem_size_0:
called_computation.1_lowered:
.L_overlay_start_0:
0x88: {  	s2 =	sld [smem:$0x3FD9]  }
0x89: {  	s3 =	sld [smem:$0x3FFE];
	_ =	sdelay $0x1  }
0x8a: {  	s1 =	srdreg.scid  }
0x8b: {  	s0 =	sand.u32 $0x1, s1  }
0x8c: {  	s16 =	sshll.u32 s0, $0xA;
	s2 =	sadd.s32 s3, s2  }
0x8d: {  	s2 =	sadd.s32 s2, s16  }
0x8e: {  	[smem:$0x3FC2] =	sst s2  }
0x8f: {  	_ = 	snop  }
0x90: {  	(tm) =	ssettm $0x1  }
0x91: {  	s17 =	sld [smem:$0x3FFB];
	_ =	sdelay $0x3  }
0x92: {  	_ =	strace s17  }
0x93: {  	s2 =	sld [smem:$0x3FFC];
	_ =	sdelay $0x3  }
0x94: {  	_ =	strace s2  }
0x95: {  	s2 =	sld [smem:$0x3FFD];
	_ =	sdelay $0x3  }
0x96: {  	_ =	strace s2  }
0x97: {  	_ =	strace $0x8FFFFFFF  }
0x98: {  	s18 =	sld [smem:$0x3FDB];
	_ =	sdelay $0x1  }
0x99: {  	s19 =	simm.s32 $_scs_section_size  }
0x9a: {  	s4 =	simm.s32 $_size__tile_overlayer_lowered;
	s5 =	simm.s32 $_tile_overlayer_lowered  }
0x9b: {  	s22 =	simm.s32 $0x1BFF;
	s21 =	sshll.u32 s5, $0x1;
	s2 =	sadd.s32 s19, s18  }
0x9c: {  	s6 =	simm.s32 $0x0;
	s20 =	sshll.u32 s4, $0x1;
	s4 =	sadd.s32 s21, s2  }
0x9d: {  	[timem:s6], [sflag:s22] =	dma.local [hbm:s4], s20  }
0x9e: {  	_ =	swait.ge [sflag:s22], s20  }
0x9f: {  	s3 =	ssub.s32 $0x0, s20;
	[sflag:s22] =	ssyncset.done $0x0  }
0xa0: {  	[sflag:s22] =	ssyncadd.s32 s3;
	_ =	sdelay $0x1  }
0xa1: {  	s23 =	simm.s32 $0x1B8B  }
0xa2: {  	_ =	swait.ge [sflag:s23], $0x1  }
0xa3: {  	[sflag:s23] =	ssyncset.done $0x0  }
0xa4: {  	s25 =	simm.s32 $0x1B8E;
	s24 =	sld [smem:$0x3FFE];
	[sflag:s23] =	ssyncadd.s32 $0xFFFFFFFF  }
0xa5: {  	s26 =	simm.s32 $execute0_lowered;
	[smem:$0x3FD2] =	sst s25  }
0xa6: {  	s4 =	sshll.u32 s26, $0x1;
	_ =	strace $0x80000049;
	[dreg:$0x1] =	wrdreg $0xFFFFFFFF  }
0xa7: {  	s28 =	simm.s32 $_size_execute0_lowered;
	s2 =	sadd.s32 s2, s4;
	[dreg:$0x0] =	wrdreg $0x0  }
0xa8: {  	s4 =	sshll.u32 s28, $0x1;
	[dreg:$0x2] =	wrdreg s2  }
0xa9: {  	[dreg:$0x3] =	wrdreg s4  }
0xaa: {  	[dreg:$0x4] =	wrdreg $0xC0  }
0xab: {  	_ =	task [dreg:s6], $0x5FFFF  }
0xac: {  	[dreg:$0x1] =	wrdreg $0xFFFFFFFF  }
0xad: {  	[dreg:$0x0] =	wrdreg $0x60  }
0xae: {  	[dreg:$0x2] =	wrdreg s24  }
0xaf: {  	[dreg:$0x3] =	wrdreg $0xB8000  }
0xb0: {  	[dreg:$0x4] =	wrdreg $0x9  }
0xb1: {  	_ =	task.clear_ibuf [dreg:s6], $0x5FFFF;
	_ =	strace $0x90000049  }
0xb2: {  	s29 =	simm.s32 $0x9;
	_ =	strace $0x8000004B  }
0xb3: {  	_ =	swait.ge [sflag:s29], $0x1  }
0xb4: {  	[sflag:s29] =	ssyncadd.s32 $0xFFFFFFFF  }
0xb5: {  	_ =	strace $0x9000004B  }
0xb6: {  	_ =	sfence  }
0xb7: {  	s30 =	sld [smem:$0x0];
	_ =	sdelay $0x2  }
0xb8: {  	s31 =	sshll.u32 s1, $0xD;
	s1 =	sshrl.u32 s1, $0x2  }
0xb9: {  	s3 =	sand.u32 $0x4000, s31;
	s1 =	sadd.s32 s1, s30  }
0xba: {  	s0 =	sor.u32 s3, s0;
	s1 =	sshll.u32 s1, $0x11  }
0xbb: {  	s0 =	sor.u32 s1, s0  }
0xbc: {  	s0 =	sadd.s32 $0x8F2B, s0  }
0xbd: {  	[sflag:s0] =	ssyncadd.remote.s32 $0x1  }
0xbe: {  	_ =	sfence.sel $0xFFFF  }
0xbf: {  	[dreg:$0x0] =	wrdreg $0xFFFFFFFF;
	(pc) =	sbr.abs _section_cstart, $3  }
0xc0: {  	[dreg:$0x1] =	wrdreg $0xFFFFFFFF  }
0xc1: {  	_ =	task.clear_ibuf [dreg:s6], $0x2FFFF;
	_ =	strace $0x9FFFFFFF  }
0xc2: {  	(tm) =	ssettm $0x7FFFFFFF  }
0xc3: {  	_ =	shalt  }
tec
execute0_lowered:
.L_overlay_start_1:
0x0: {  	(tag) =	ssettag $0x1  }
0x1: {  	s0 =	rddreg [dreg:$0x0]  }
0x2: {  	s2 =	rddreg [dreg:$0x1]  }
0x3: {  	s4 =	srdreg.scid;
	s1 =	stileid.u32;
	s3 =	simm.s32 $0x0  }
0x4: {  	s14 =	simm.s32 $0x3;
	s15 =	simm.s32 $0x1C00;
	s16 =	simm.s32 $0x80  }
0x5: {  	s17 =	simm.s32 $0x5800;
	s19 =	simm.s32 $0x7800;
	s21 =	simm.s32 $0x9800  }
0x6: {  	s22 =	simm.s32 $0x1;
	s29 =	simm.s32 $0xA80;
	s5 =	smul.u32 $0x14000, s1  }
0x7: {  	s30 =	simm.s32 $0x2500;
	s31 =	simm.s32 $0x2580;
	s10 =	smul.u32 $0x28000, s1  }
0x8: {  	s7 =	sand.u32 $0x1, s4;
	[smem:$0x7FF] =	sst s3;
	s26 =	smul.u32 $0xC00, s1  }
0x9: {  	s4 =	sadd.s32 $0x65C00, s0;
	s9 =	sadd.s32 $0x10C00, s0;
	s28 =	smul.u32 $0x380, s1  }
0xa: {  	s11 =	sadd.s32 $0x1C00, s0;
	s6 =	smul.u32 $0x140000, s7;
	s8 =	ssub.s32 $0x2, s7  }
0xb: {  	_ =	strace $0x8000004A;
	p0 =	seq.s32 s7, $0x1;
	s24 =	sshrl.u32 s8, $0x1  }
0xc: {  	s25 =	sshrl.u32 s10, $0x2;
	s7 =	sadd.s32 s9, s28;
	s6 =	sadd.s32 s5, s6  }
0xd: {  	s12 =	ssub.s32 s8, s24;
	s5 =	sshrl.u32 s5, $0x1;
	s8 =	sshrl.u32 s26, $0x3  }
.Ltmp0:
0xe: {  	s26 =	simm.s32 $0x2;
	s6 =	sshrl.u32 s6, $0x4;
	(pc) =	sbr.rel .LBB2_1-.Ltmp0, $4  }
0xf: {  	s5 =	sadd.s32 s5, s2;
	s13 =	sadd.s32 $0x3800, s8;
	s8 =	sadd.s32 s11, s28  }
0x10: {  	s12 =	smax.u32 s12, $0x1;
	s0 =	sadd.s32 s6, s0;
	s6 =	sadd.s32 s25, s2  }
0x11: {  	s9 =	sadd.s32 s9, s13;
	s10 =	sadd.s32 s11, s13;
	s13 =	simm.s32 $0x3800  }
0x12: {  	v0 =	vimm.bf16 $0.0e+00;
	s6 =	sadd.s32 $0x8000, s6;
	s11 =	sadd.s32 $0x79600, s0;
	s0 =	simm.s32 $0x0  }
.LBB2_8:
0x13: {  	[tilespmem:s3], [sflag:$0x3] =	stream.linear.gather [hbm4b:s9+s3], $0xC00, $0x38;
	[tilespmem:$0x15800] =	vst v63  }
0x14: {  	_ =	swait.ge [sflag:s14], $0xC00  }
0x15: {  	[sflag:s14] =	ssyncset.done $0x0  }
0x16: {  	[sflag:s14] =	ssyncadd.s32 $0xFFFFF400  }
0x17: {  	[tilespmem:s15], [sflag:$0x3] =	stream.linear.gather [hbm4b:s10+s3], $0xC00, $0x38;
	[tilespmem:$0x15800] =	vst v63  }
0x18: {  	_ =	swait.ge [sflag:s14], $0xC00  }
0x19: {  	[sflag:s14] =	ssyncset.done $0x0  }
0x1a: {  	[sflag:s14] =	ssyncadd.s32 $0xFFFFF400  }
0x1b: {  	[tilespmem:s13], [sflag:$0x1] =	stream.indirect.gather [hbm4b:s4+s16], $0x40, s3, s16, $0xb8;
	[tilespmem:$0x15800] =	vst v63  }
0x1c: {  	_ = 	snop  }
0x1d: {  	[tilespmem:s17], [sflag:$0x1] =	stream.indirect.gather [hbm4b:s4+s16], $0x40, s16, s16, $0xb8;
	[tilespmem:$0x15800] =	vst v63  }
0x1e: {  	s18 =	simm.s32 $0x100  }
0x1f: {  	[tilespmem:s19], [sflag:$0x2] =	stream.indirect.gather [hbm4b:s4+s16], $0x40, s18, s16, $0xb8;
	[tilespmem:$0x15800] =	vst v63  }
0x20: {  	s23 =	simm.s32 $0x180  }
0x21: {  	[tilespmem:s21], [sflag:$0x2] =	stream.indirect.gather [hbm4b:s4+s16], $0x40, s23, s16, $0xb8;
	[tilespmem:$0x15800] =	vst v63  }
0x22: {  	_ =	swait.ge [sflag:s22], $0x2000  }
0x23: {  	[sflag:s22] =	ssyncset.done $0x0  }
0x24: {  	[sflag:s22] =	ssyncadd.s32 $0xFFFFE000  }
0x25: {  	_ =	swait.ge [sflag:s22], $0x2000  }
0x26: {  	[sflag:s22] =	ssyncset.done $0x0  }
0x27: {  	[sflag:s22] =	ssyncadd.s32 $0xFFFFE000  }
0x28: {  	[spmem:s2] =	stream.indirect.scatter.add.bf16 [tilespmem:s13], [sflag:$0x3], $0x40, s15, s16, $0xb8;
	[tilespmem:$0x15800] =	vst v63  }
0x29: {  	_ =	swait.ge [sflag:s14], $0x2000  }
0x2a: {  	[sflag:s14] =	ssyncset.done $0x0  }
0x2b: {  	s24 =	simm.s32 $0x1C80;
	[sflag:s14] =	ssyncadd.s32 $0xFFFFE000  }
0x2c: {  	[spmem:s2] =	stream.indirect.scatter.add.bf16 [tilespmem:s17], [sflag:$0x3], $0x40, s24, s16, $0xb8;
	[tilespmem:$0x15800] =	vst v63  }
0x2d: {  	_ =	swait.ge [sflag:s14], $0x2000  }
0x2e: {  	[sflag:s14] =	ssyncset.done $0x0  }
0x2f: {  	s25 =	simm.s32 $0x200;
	[sflag:s14] =	ssyncadd.s32 $0xFFFFE000  }
0x30: {  	[tilespmem:s13], [sflag:$0x1] =	stream.indirect.gather [hbm4b:s4+s16], $0x40, s25, s16, $0xb8;
	[tilespmem:$0x15800] =	vst v63  }
0x31: {  	s20 =	simm.s32 $0x280  }
0x32: {  	[tilespmem:s17], [sflag:$0x1] =	stream.indirect.gather [hbm4b:s4+s16], $0x40, s20, s16, $0xb8;
	[tilespmem:$0x15800] =	vst v63  }
0x33: {  	_ =	swait.ge [sflag:s26], $0x2000  }
0x34: {  	[sflag:s26] =	ssyncset.done $0x0  }
0x35: {  	[sflag:s26] =	ssyncadd.s32 $0xFFFFE000  }
0x36: {  	_ =	swait.ge [sflag:s26], $0x2000  }
0x37: {  	[sflag:s26] =	ssyncset.done $0x0  }
0x38: {  	s23 =	simm.s32 $0x1D00;
	[sflag:s26] =	ssyncadd.s32 $0xFFFFE000  }
0x39: {  	[spmem:s2] =	stream.indirect.scatter.add.bf16 [tilespmem:s19], [sflag:$0x3], $0x40, s23, s16, $0xb8;
	[tilespmem:$0x15800] =	vst v63  }
0x3a: {  	_ =	swait.ge [sflag:s14], $0x2000  }
0x3b: {  	[sflag:s14] =	ssyncset.done $0x0  }
0x3c: {  	s24 =	simm.s32 $0x1D80;
	[sflag:s14] =	ssyncadd.s32 $0xFFFFE000  }
0x3d: {  	[spmem:s2] =	stream.indirect.scatter.add.bf16 [tilespmem:s21], [sflag:$0x3], $0x40, s24, s16, $0xb8;
	[tilespmem:$0x15800] =	vst v63  }
0x3e: {  	_ =	swait.ge [sflag:s14], $0x2000  }
0x3f: {  	[sflag:s14] =	ssyncset.done $0x0  }
0x40: {  	s25 =	simm.s32 $0x300;
	[sflag:s14] =	ssyncadd.s32 $0xFFFFE000  }
0x41: {  	[tilespmem:s19], [sflag:$0x2] =	stream.indirect.gather [hbm4b:s4+s16], $0x40, s25, s16, $0xb8;
	[tilespmem:$0x15800] =	vst v63  }
0x42: {  	s20 =	simm.s32 $0x380  }
0x43: {  	[tilespmem:s21], [sflag:$0x2] =	stream.indirect.gather [hbm4b:s4+s16], $0x40, s20, s16, $0xb8;
	[tilespmem:$0x15800] =	vst v63  }
0x44: {  	_ =	swait.ge [sflag:s22], $0x2000  }
0x45: {  	[sflag:s22] =	ssyncset.done $0x0  }
0x46: {  	[sflag:s22] =	ssyncadd.s32 $0xFFFFE000  }
0x47: {  	_ =	swait.ge [sflag:s22], $0x2000  }
0x48: {  	[sflag:s22] =	ssyncset.done $0x0  }
0x49: {  	s23 =	simm.s32 $0x1E00;
	[sflag:s22] =	ssyncadd.s32 $0xFFFFE000  }
0x4a: {  	[spmem:s2] =	stream.indirect.scatter.add.bf16 [tilespmem:s13], [sflag:$0x3], $0x40, s23, s16, $0xb8;
	[tilespmem:$0x15800] =	vst v63  }
0x4b: {  	_ =	swait.ge [sflag:s14], $0x2000  }
0x4c: {  	[sflag:s14] =	ssyncset.done $0x0  }
0x4d: {  	s24 =	simm.s32 $0x1E80;
	[sflag:s14] =	ssyncadd.s32 $0xFFFFE000  }
0x4e: {  	[spmem:s2] =	stream.indirect.scatter.add.bf16 [tilespmem:s17], [sflag:$0x3], $0x40, s24, s16, $0xb8;
	[tilespmem:$0x15800] =	vst v63  }
0x4f: {  	_ =	swait.ge [sflag:s14], $0x2000  }
0x50: {  	[sflag:s14] =	ssyncset.done $0x0  }
0x51: {  	s25 =	simm.s32 $0x400;
	[sflag:s14] =	ssyncadd.s32 $0xFFFFE000  }
0x52: {  	[tilespmem:s13], [sflag:$0x1] =	stream.indirect.gather [hbm4b:s4+s16], $0x40, s25, s16, $0xb8;
	[tilespmem:$0x15800] =	vst v63  }
0x53: {  	s20 =	simm.s32 $0x480  }
0x54: {  	[tilespmem:s17], [sflag:$0x1] =	stream.indirect.gather [hbm4b:s4+s16], $0x40, s20, s16, $0xb8;
	[tilespmem:$0x15800] =	vst v63  }
0x55: {  	_ =	swait.ge [sflag:s26], $0x2000  }
0x56: {  	[sflag:s26] =	ssyncset.done $0x0  }
0x57: {  	[sflag:s26] =	ssyncadd.s32 $0xFFFFE000  }
0x58: {  	_ =	swait.ge [sflag:s26], $0x2000  }
0x59: {  	[sflag:s26] =	ssyncset.done $0x0  }
0x5a: {  	s23 =	simm.s32 $0x1F00;
	[sflag:s26] =	ssyncadd.s32 $0xFFFFE000  }
0x5b: {  	[spmem:s2] =	stream.indirect.scatter.add.bf16 [tilespmem:s19], [sflag:$0x3], $0x40, s23, s16, $0xb8;
	[tilespmem:$0x15800] =	vst v63  }
0x5c: {  	_ =	swait.ge [sflag:s14], $0x2000  }
0x5d: {  	[sflag:s14] =	ssyncset.done $0x0  }
0x5e: {  	s24 =	simm.s32 $0x1F80;
	[sflag:s14] =	ssyncadd.s32 $0xFFFFE000  }
0x5f: {  	[spmem:s2] =	stream.indirect.scatter.add.bf16 [tilespmem:s21], [sflag:$0x3], $0x40, s24, s16, $0xb8;
	[tilespmem:$0x15800] =	vst v63  }
0x60: {  	_ =	swait.ge [sflag:s14], $0x2000  }
0x61: {  	[sflag:s14] =	ssyncset.done $0x0  }
0x62: {  	s25 =	simm.s32 $0x500;
	[sflag:s14] =	ssyncadd.s32 $0xFFFFE000  }
0x63: {  	[tilespmem:s19], [sflag:$0x2] =	stream.indirect.gather [hbm4b:s4+s16], $0x40, s25, s16, $0xb8;
	[tilespmem:$0x15800] =	vst v63  }
0x64: {  	s20 =	simm.s32 $0x580  }
0x65: {  	[tilespmem:s21], [sflag:$0x2] =	stream.indirect.gather [hbm4b:s4+s16], $0x40, s20, s16, $0xb8;
	[tilespmem:$0x15800] =	vst v63  }
0x66: {  	_ =	swait.ge [sflag:s22], $0x2000  }
0x67: {  	[sflag:s22] =	ssyncset.done $0x0  }
0x68: {  	[sflag:s22] =	ssyncadd.s32 $0xFFFFE000  }
0x69: {  	_ =	swait.ge [sflag:s22], $0x2000  }
0x6a: {  	[sflag:s22] =	ssyncset.done $0x0  }
0x6b: {  	s23 =	simm.s32 $0x2000;
	[sflag:s22] =	ssyncadd.s32 $0xFFFFE000  }
0x6c: {  	[spmem:s2] =	stream.indirect.scatter.add.bf16 [tilespmem:s13], [sflag:$0x3], $0x40, s23, s16, $0xb8;
	[tilespmem:$0x15800] =	vst v63  }
0x6d: {  	_ =	swait.ge [sflag:s14], $0x2000  }
0x6e: {  	[sflag:s14] =	ssyncset.done $0x0  }
0x6f: {  	s24 =	simm.s32 $0x2080;
	[sflag:s14] =	ssyncadd.s32 $0xFFFFE000  }
0x70: {  	[spmem:s2] =	stream.indirect.scatter.add.bf16 [tilespmem:s17], [sflag:$0x3], $0x40, s24, s16, $0xb8;
	[tilespmem:$0x15800] =	vst v63  }
0x71: {  	_ =	swait.ge [sflag:s14], $0x2000  }
0x72: {  	[sflag:s14] =	ssyncset.done $0x0  }
0x73: {  	s25 =	simm.s32 $0x600;
	[sflag:s14] =	ssyncadd.s32 $0xFFFFE000  }
0x74: {  	[tilespmem:s13], [sflag:$0x1] =	stream.indirect.gather [hbm4b:s4+s16], $0x40, s25, s16, $0xb8;
	[tilespmem:$0x15800] =	vst v63  }
0x75: {  	s20 =	simm.s32 $0x680  }
0x76: {  	[tilespmem:s17], [sflag:$0x1] =	stream.indirect.gather [hbm4b:s4+s16], $0x40, s20, s16, $0xb8;
	[tilespmem:$0x15800] =	vst v63  }
0x77: {  	_ =	swait.ge [sflag:s26], $0x2000  }
0x78: {  	[sflag:s26] =	ssyncset.done $0x0  }
0x79: {  	[sflag:s26] =	ssyncadd.s32 $0xFFFFE000  }
0x7a: {  	_ =	swait.ge [sflag:s26], $0x2000  }
0x7b: {  	[sflag:s26] =	ssyncset.done $0x0  }
0x7c: {  	s23 =	simm.s32 $0x2100;
	[sflag:s26] =	ssyncadd.s32 $0xFFFFE000  }
0x7d: {  	[spmem:s2] =	stream.indirect.scatter.add.bf16 [tilespmem:s19], [sflag:$0x3], $0x40, s23, s16, $0xb8;
	[tilespmem:$0x15800] =	vst v63  }
0x7e: {  	_ =	swait.ge [sflag:s14], $0x2000  }
0x7f: {  	[sflag:s14] =	ssyncset.done $0x0  }
0x80: {  	s24 =	simm.s32 $0x2180;
	[sflag:s14] =	ssyncadd.s32 $0xFFFFE000  }
0x81: {  	[spmem:s2] =	stream.indirect.scatter.add.bf16 [tilespmem:s21], [sflag:$0x3], $0x40, s24, s16, $0xb8;
	[tilespmem:$0x15800] =	vst v63  }
0x82: {  	_ =	swait.ge [sflag:s14], $0x2000  }
0x83: {  	[sflag:s14] =	ssyncset.done $0x0  }
0x84: {  	s25 =	simm.s32 $0x700;
	[sflag:s14] =	ssyncadd.s32 $0xFFFFE000  }
0x85: {  	[tilespmem:s19], [sflag:$0x2] =	stream.indirect.gather [hbm4b:s4+s16], $0x40, s25, s16, $0xb8;
	[tilespmem:$0x15800] =	vst v63  }
0x86: {  	s20 =	simm.s32 $0x780  }
0x87: {  	[tilespmem:s21], [sflag:$0x2] =	stream.indirect.gather [hbm4b:s4+s16], $0x40, s20, s16, $0xb8;
	[tilespmem:$0x15800] =	vst v63  }
0x88: {  	_ =	swait.ge [sflag:s22], $0x2000  }
0x89: {  	[sflag:s22] =	ssyncset.done $0x0  }
0x8a: {  	[sflag:s22] =	ssyncadd.s32 $0xFFFFE000  }
0x8b: {  	_ =	swait.ge [sflag:s22], $0x2000  }
0x8c: {  	[sflag:s22] =	ssyncset.done $0x0  }
0x8d: {  	s23 =	simm.s32 $0x2200;
	[sflag:s22] =	ssyncadd.s32 $0xFFFFE000  }
0x8e: {  	[spmem:s2] =	stream.indirect.scatter.add.bf16 [tilespmem:s13], [sflag:$0x3], $0x40, s23, s16, $0xb8;
	[tilespmem:$0x15800] =	vst v63  }
0x8f: {  	_ =	swait.ge [sflag:s14], $0x2000  }
0x90: {  	[sflag:s14] =	ssyncset.done $0x0  }
0x91: {  	s24 =	simm.s32 $0x2280;
	[sflag:s14] =	ssyncadd.s32 $0xFFFFE000  }
0x92: {  	[spmem:s2] =	stream.indirect.scatter.add.bf16 [tilespmem:s17], [sflag:$0x3], $0x40, s24, s16, $0xb8;
	[tilespmem:$0x15800] =	vst v63  }
0x93: {  	_ =	swait.ge [sflag:s14], $0x2000  }
0x94: {  	[sflag:s14] =	ssyncset.done $0x0  }
0x95: {  	s25 =	simm.s32 $0x800;
	[sflag:s14] =	ssyncadd.s32 $0xFFFFE000  }
0x96: {  	[tilespmem:s13], [sflag:$0x1] =	stream.indirect.gather [hbm4b:s4+s16], $0x40, s25, s16, $0xb8;
	[tilespmem:$0x15800] =	vst v63  }
0x97: {  	s20 =	simm.s32 $0x880  }
0x98: {  	[tilespmem:s17], [sflag:$0x1] =	stream.indirect.gather [hbm4b:s4+s16], $0x40, s20, s16, $0xb8;
	[tilespmem:$0x15800] =	vst v63  }
0x99: {  	_ =	swait.ge [sflag:s26], $0x2000  }
0x9a: {  	[sflag:s26] =	ssyncset.done $0x0  }
0x9b: {  	[sflag:s26] =	ssyncadd.s32 $0xFFFFE000  }
0x9c: {  	_ =	swait.ge [sflag:s26], $0x2000  }
0x9d: {  	[sflag:s26] =	ssyncset.done $0x0  }
0x9e: {  	s23 =	simm.s32 $0x2300;
	[sflag:s26] =	ssyncadd.s32 $0xFFFFE000  }
0x9f: {  	[spmem:s2] =	stream.indirect.scatter.add.bf16 [tilespmem:s19], [sflag:$0x3], $0x40, s23, s16, $0xb8;
	[tilespmem:$0x15800] =	vst v63  }
0xa0: {  	_ =	swait.ge [sflag:s14], $0x2000  }
0xa1: {  	[sflag:s14] =	ssyncset.done $0x0  }
0xa2: {  	s24 =	simm.s32 $0x2380;
	[sflag:s14] =	ssyncadd.s32 $0xFFFFE000  }
0xa3: {  	[spmem:s2] =	stream.indirect.scatter.add.bf16 [tilespmem:s21], [sflag:$0x3], $0x40, s24, s16, $0xb8;
	[tilespmem:$0x15800] =	vst v63  }
0xa4: {  	_ =	swait.ge [sflag:s14], $0x2000  }
0xa5: {  	[sflag:s14] =	ssyncset.done $0x0  }
0xa6: {  	s25 =	simm.s32 $0x900;
	[sflag:s14] =	ssyncadd.s32 $0xFFFFE000  }
0xa7: {  	[tilespmem:s19], [sflag:$0x2] =	stream.indirect.gather [hbm4b:s4+s16], $0x40, s25, s16, $0xb8;
	[tilespmem:$0x15800] =	vst v63  }
0xa8: {  	s20 =	simm.s32 $0x980  }
0xa9: {  	[tilespmem:s21], [sflag:$0x2] =	stream.indirect.gather [hbm4b:s4+s16], $0x40, s20, s16, $0xb8;
	[tilespmem:$0x15800] =	vst v63  }
0xaa: {  	_ =	swait.ge [sflag:s22], $0x2000  }
0xab: {  	[sflag:s22] =	ssyncset.done $0x0  }
0xac: {  	[sflag:s22] =	ssyncadd.s32 $0xFFFFE000  }
0xad: {  	_ =	swait.ge [sflag:s22], $0x2000  }
0xae: {  	[sflag:s22] =	ssyncset.done $0x0  }
0xaf: {  	s23 =	simm.s32 $0x2400;
	[sflag:s22] =	ssyncadd.s32 $0xFFFFE000  }
0xb0: {  	[spmem:s2] =	stream.indirect.scatter.add.bf16 [tilespmem:s13], [sflag:$0x3], $0x40, s23, s16, $0xb8;
	[tilespmem:$0x15800] =	vst v63  }
0xb1: {  	_ =	swait.ge [sflag:s14], $0x2000  }
0xb2: {  	[sflag:s14] =	ssyncset.done $0x0  }
0xb3: {  	s24 =	simm.s32 $0x2480;
	[sflag:s14] =	ssyncadd.s32 $0xFFFFE000  }
0xb4: {  	[spmem:s2] =	stream.indirect.scatter.add.bf16 [tilespmem:s17], [sflag:$0x3], $0x40, s24, s16, $0xb8;
	[tilespmem:$0x15800] =	vst v63  }
0xb5: {  	_ =	swait.ge [sflag:s14], $0x2000  }
0xb6: {  	[sflag:s14] =	ssyncset.done $0x0  }
0xb7: {  	s25 =	simm.s32 $0xA00;
	[sflag:s14] =	ssyncadd.s32 $0xFFFFE000  }
0xb8: {  	[tilespmem:s13], [sflag:$0x1] =	stream.indirect.gather [hbm4b:s4+s16], $0x40, s25, s16, $0xb8;
	[tilespmem:$0x15800] =	vst v63  }
0xb9: {  	_ = 	snop  }
0xba: {  	[tilespmem:s17], [sflag:$0x1] =	stream.indirect.gather [hbm4b:s4+s16], $0x40, s29, s16, $0xb8;
	[tilespmem:$0x15800] =	vst v63  }
0xbb: {  	_ =	swait.ge [sflag:s26], $0x2000  }
0xbc: {  	[sflag:s26] =	ssyncset.done $0x0  }
0xbd: {  	[sflag:s26] =	ssyncadd.s32 $0xFFFFE000  }
0xbe: {  	_ =	swait.ge [sflag:s26], $0x2000  }
0xbf: {  	[sflag:s26] =	ssyncset.done $0x0  }
0xc0: {  	[sflag:s26] =	ssyncadd.s32 $0xFFFFE000  }
0xc1: {  	[spmem:s2] =	stream.indirect.scatter.add.bf16 [tilespmem:s19], [sflag:$0x3], $0x40, s30, s16, $0xb8;
	[tilespmem:$0x15800] =	vst v63  }
0xc2: {  	_ =	swait.ge [sflag:s14], $0x2000  }
0xc3: {  	[sflag:s14] =	ssyncset.done $0x0  }
0xc4: {  	[sflag:s14] =	ssyncadd.s32 $0xFFFFE000  }
0xc5: {  	[spmem:s2] =	stream.indirect.scatter.add.bf16 [tilespmem:s21], [sflag:$0x3], $0x40, s31, s16, $0xb8;
	[tilespmem:$0x15800] =	vst v63  }
0xc6: {  	s28 =	simm.s32 $0xB00;
	s18 =	simm.s32 $0x2780;
	_ =	swait.ge [sflag:s14], $0x2000  }
0xc7: {  	s20 =	simm.s32 $0x2700;
	s23 =	simm.s32 $0x2680;
	[sflag:s14] =	ssyncset.done $0x0  }
0xc8: {  	s24 =	simm.s32 $0x2600;
	s25 =	simm.s32 $0xB80;
	[sflag:s14] =	ssyncadd.s32 $0xFFFFE000  }
.LBB2_9:
0xc9: {  	[tilespmem:s19], [sflag:$0x2] =	stream.indirect.gather [hbm4b:s4+s16], $0x40, s28, s16, $0xb8;
	[tilespmem:$0x15800] =	vst v63  }
0xca: {  	_ = 	snop  }
0xcb: {  	[tilespmem:s21], [sflag:$0x2] =	stream.indirect.gather [hbm4b:s4+s16], $0x40, s25, s16, $0xb8;
	[tilespmem:$0x15800] =	vst v63  }
0xcc: {  	_ =	swait.ge [sflag:s22], $0x2000  }
0xcd: {  	[sflag:s22] =	ssyncset.done $0x0  }
0xce: {  	[sflag:s22] =	ssyncadd.s32 $0xFFFFE000  }
0xcf: {  	_ =	swait.ge [sflag:s22], $0x2000  }
0xd0: {  	[sflag:s22] =	ssyncset.done $0x0  }
0xd1: {  	[sflag:s22] =	ssyncadd.s32 $0xFFFFE000  }
0xd2: {  	[spmem:s2] =	stream.indirect.scatter.add.bf16 [tilespmem:s13], [sflag:$0x3], $0x40, s24, s16, $0xb8;
	[tilespmem:$0x15800] =	vst v63  }
0xd3: {  	_ =	swait.ge [sflag:s14], $0x2000  }
0xd4: {  	[sflag:s14] =	ssyncset.done $0x0  }
0xd5: {  	[sflag:s14] =	ssyncadd.s32 $0xFFFFE000  }
0xd6: {  	[spmem:s2] =	stream.indirect.scatter.add.bf16 [tilespmem:s17], [sflag:$0x3], $0x40, s23, s16, $0xb8;
	[tilespmem:$0x15800] =	vst v63  }
0xd7: {  	_ =	swait.ge [sflag:s14], $0x2000  }
0xd8: {  	[sflag:s14] =	ssyncset.done $0x0  }
0xd9: {  	[sflag:s14] =	ssyncadd.s32 $0xFFFFE000  }
0xda: {  	_ =	swait.ge [sflag:s26], $0x2000  }
0xdb: {  	[sflag:s26] =	ssyncset.done $0x0  }
0xdc: {  	[sflag:s26] =	ssyncadd.s32 $0xFFFFE000  }
0xdd: {  	_ =	swait.ge [sflag:s26], $0x2000  }
0xde: {  	[sflag:s26] =	ssyncset.done $0x0  }
0xdf: {  	[sflag:s26] =	ssyncadd.s32 $0xFFFFE000  }
0xe0: {  	[spmem:s2] =	stream.indirect.scatter.add.bf16 [tilespmem:s19], [sflag:$0x3], $0x40, s20, s16, $0xb8;
	[tilespmem:$0x15800] =	vst v63  }
0xe1: {  	_ =	swait.ge [sflag:s14], $0x2000  }
0xe2: {  	[sflag:s14] =	ssyncset.done $0x0  }
0xe3: {  	[sflag:s14] =	ssyncadd.s32 $0xFFFFE000  }
0xe4: {  	[spmem:s2] =	stream.indirect.scatter.add.bf16 [tilespmem:s21], [sflag:$0x3], $0x40, s18, s16, $0xb8;
	[tilespmem:$0x15800] =	vst v63  }
0xe5: {  	_ =	swait.ge [sflag:s14], $0x2000  }
0xe6: {  	s28 =	sshrl.u32 s5, $0x3;
	s0 =	sadd.s32 $0x1, s0;
	[sflag:s14] =	ssyncset.done $0x0  }
0xe7: {  	p1 =	sne.s32 s0, s12;
	s25 =	sshll.u32 s1, $0x6;
	[sflag:s14] =	ssyncadd.s32 $0xFFFFE000  }
.Ltmp1:
0xe8: {  	s18 =	sor.u32 $0x1C03, s25;
	[bflag:$0x0] =	sbarrier.arrive $0xFFFF;
	(pc) =	sbr.rel @!p1 .LBB2_10-.Ltmp1, $4  }
0xe9: {  	[hbm:s11], [sflag:s18] =	dma.local [spmem:s28], $0x1400  }
0xea: {  	_ =	swait.ge [sflag:s14], $0x1400  }
0xeb: {  	[sflag:s14] =	ssyncset.done $0x0  }
0xec: {  	[sflag:s14] =	ssyncadd.s32 $0xFFFFEC00  }
.LBB2_1:
0xed: {  	s20 =	simm.s32 $0x100;
	s18 =	simm.s32 $0x0  }
.LBB2_2:
0xee: {  	p1 =	sne.s32 s20, $0x1FF00;
	[tilespmem:s18+$0x3830] =	vst v0;
	s23 =	smov.u32 s20;
	s20 =	sadd.s32 $0x100, s20  }
.Ltmp2:
0xef: {  	[tilespmem:s18+$0x3820] =	vst v0;
	(pc) =	sbr.rel @p1 .LBB2_2-.Ltmp2, $3  }
0xf0: {  	[tilespmem:s18+$0x3800] =	vst v0  }
0xf1: {  	[tilespmem:s18+$0x3810] =	vst v0;
	_ =	sdelay $0x1  }
0xf2: {  	s18 =	sshra.s32 s23, $0x2  }
0xf3: {  	[tilespmem:s18+$0x3830] =	vst v0  }
0xf4: {  	[tilespmem:s18+$0x3820] =	vst v0  }
0xf5: {  	[tilespmem:s18+$0x3800] =	vst v0  }
0xf6: {  	[tilespmem:s18+$0x3810] =	vst v0  }
0xf7: {  	[spmem:s5] =	stream.linear.scatter [tilespmem:s13], [sflag:$0x3], $0x8000, $0x38;
	[tilespmem:$0x15800] =	vst v63  }
0xf8: {  	_ =	swait.ge [sflag:s14], $0x8000  }
0xf9: {  	[sflag:s14] =	ssyncset.done $0x0  }
0xfa: {  	[sflag:s14] =	ssyncadd.s32 $0xFFFF8000  }
0xfb: {  	[spmem:s6] =	stream.linear.scatter [tilespmem:s13], [sflag:$0x3], $0x2000, $0x38;
	[tilespmem:$0x15800] =	vst v63  }
.Ltmp3:
0xfc: {  	_ =	swait.ge [sflag:s14], $0x2000;
	(pc) =	sbr.rel @p0 .LBB2_8-.Ltmp3, $3  }
0xfd: {  	[sflag:s14] =	ssyncset.done $0x0  }
0xfe: {  	[sflag:s14] =	ssyncadd.s32 $0xFFFFE000  }
0xff: {  	[bflag:$0x0] =	sbarrier.arrive $0xFFFF;
	_ =	sdelay $0x1  }
0x100: {  	s18 =	simm.s32 $0x0  }
0x101: {  	[tilespmem:s18], [sflag:$0x3] =	stream.linear.gather [hbm4b:s7+s18], $0x1C00, $0x38;
	[tilespmem:$0x15800] =	vst v63  }
0x102: {  	_ =	swait.ge [sflag:s14], $0x1C00  }
0x103: {  	[sflag:s14] =	ssyncset.done $0x0  }
0x104: {  	[sflag:s14] =	ssyncadd.s32 $0xFFFFE400  }
0x105: {  	[tilespmem:s15], [sflag:$0x3] =	stream.linear.gather [hbm4b:s8+s18], $0x1C00, $0x38;
	[tilespmem:$0x15800] =	vst v63  }
0x106: {  	p2 =	por $0x0, $0x0;
	_ =	swait.ge [sflag:s14], $0x1C00  }
.Ltmp4:
0x107: {  	[sflag:s14] =	ssyncset.done $0x0;
	(pc) =	sbr.rel @p2 .LBB2_7-.Ltmp4, $4  }
0x108: {  	[sflag:s14] =	ssyncadd.s32 $0xFFFFE400  }
0x109: {  	[tilespmem:s13], [sflag:$0x1] =	stream.indirect.gather [hbm4b:s4+s16], $0x40, s18, s16, $0xb8;
	[tilespmem:$0x15800] =	vst v63  }
0x10a: {  	p1 =	por $0x0, $0x0;
	s18 =	simm.s32 $0x0  }
0x10b: {  	[tilespmem:s17], [sflag:$0x1] =	stream.indirect.gather [hbm4b:s4+s16], $0x40, s16, s16, $0xb8;
	[tilespmem:$0x15800] =	vst v63  }
0x10c: {  	s18 =	simm.s32 $0x100  }
0x10d: {  	[tilespmem:s19], [sflag:$0x2] =	stream.indirect.gather [hbm4b:s4+s16], $0x40, s18, s16, $0xb8;
	[tilespmem:$0x15800] =	vst v63  }
0x10e: {  	s25 =	simm.s32 $0x180  }
0x10f: {  	[tilespmem:s21], [sflag:$0x2] =	stream.indirect.gather [hbm4b:s4+s16], $0x40, s25, s16, $0xb8;
	[tilespmem:$0x15800] =	vst v63  }
0x110: {  	_ =	swait.ge [sflag:s22], $0x2000  }
0x111: {  	[sflag:s22] =	ssyncset.done $0x0  }
0x112: {  	[sflag:s22] =	ssyncadd.s32 $0xFFFFE000  }
0x113: {  	_ =	swait.ge [sflag:s22], $0x2000  }
0x114: {  	[sflag:s22] =	ssyncset.done $0x0  }
0x115: {  	s28 =	simm.s32 $0x1C00;
	[sflag:s22] =	ssyncadd.s32 $0xFFFFE000  }
0x116: {  	[spmem:s2] =	stream.indirect.scatter.add.bf16 [tilespmem:s13], [sflag:$0x3], $0x40, s28, s16, $0xb8;
	[tilespmem:$0x15800] =	vst v63  }
0x117: {  	_ =	swait.ge [sflag:s14], $0x2000  }
0x118: {  	[sflag:s14] =	ssyncset.done $0x0  }
0x119: {  	s20 =	simm.s32 $0x1C80;
	[sflag:s14] =	ssyncadd.s32 $0xFFFFE000  }
0x11a: {  	[spmem:s2] =	stream.indirect.scatter.add.bf16 [tilespmem:s17], [sflag:$0x3], $0x40, s20, s16, $0xb8;
	[tilespmem:$0x15800] =	vst v63  }
0x11b: {  	_ =	swait.ge [sflag:s14], $0x2000  }
0x11c: {  	[sflag:s14] =	ssyncset.done $0x0  }
0x11d: {  	s23 =	simm.s32 $0x200;
	[sflag:s14] =	ssyncadd.s32 $0xFFFFE000  }
0x11e: {  	[tilespmem:s13], [sflag:$0x1] =	stream.indirect.gather [hbm4b:s4+s16], $0x40, s23, s16, $0xb8;
	[tilespmem:$0x15800] =	vst v63  }
0x11f: {  	s24 =	simm.s32 $0x280  }
0x120: {  	[tilespmem:s17], [sflag:$0x1] =	stream.indirect.gather [hbm4b:s4+s16], $0x40, s24, s16, $0xb8;
	[tilespmem:$0x15800] =	vst v63  }
0x121: {  	_ =	swait.ge [sflag:s26], $0x2000  }
0x122: {  	[sflag:s26] =	ssyncset.done $0x0  }
0x123: {  	[sflag:s26] =	ssyncadd.s32 $0xFFFFE000  }
0x124: {  	_ =	swait.ge [sflag:s26], $0x2000  }
0x125: {  	[sflag:s26] =	ssyncset.done $0x0  }
0x126: {  	s25 =	simm.s32 $0x1D00;
	[sflag:s26] =	ssyncadd.s32 $0xFFFFE000  }
0x127: {  	[spmem:s2] =	stream.indirect.scatter.add.bf16 [tilespmem:s19], [sflag:$0x3], $0x40, s25, s16, $0xb8;
	[tilespmem:$0x15800] =	vst v63  }
0x128: {  	p2 =	por $0x0, $0x0;
	_ =	swait.ge [sflag:s14], $0x2000  }
.Ltmp5:
0x129: {  	[sflag:s14] =	ssyncset.done $0x0;
	(pc) =	sbr.rel @p2 .LBB2_7-.Ltmp5, $4  }
0x12a: {  	s28 =	simm.s32 $0x1D80;
	[sflag:s14] =	ssyncadd.s32 $0xFFFFE000  }
0x12b: {  	[spmem:s2] =	stream.indirect.scatter.add.bf16 [tilespmem:s21], [sflag:$0x3], $0x40, s28, s16, $0xb8;
	[tilespmem:$0x15800] =	vst v63  }
0x12c: {  	p1 =	por $0x1, $0x1;
	_ =	swait.ge [sflag:s14], $0x2000  }
0x12d: {  	s18 =	simm.s32 $0x200;
	s20 =	simm.s32 $0x1000;
	[sflag:s14] =	ssyncset.done $0x0  }
.LBB2_6:
0x12e: {  	s25 =	sadd.s32 $0x100, s18  }
0x12f: {  	[sflag:s14] =	ssyncadd.s32 $0xFFFFE000;
	s23 =	smov.u32 s20;
	s24 =	sadd.s32 $0x800, s20  }
0x130: {  	[tilespmem:s19], [sflag:$0x2] =	stream.indirect.gather [hbm4b:s4+s16], $0x40, s25, s16, $0xb8;
	[tilespmem:$0x15800] =	vst v63  }
0x131: {  	p2 =	seq.s32 s20, $0x6000;
	s20 =	sadd.s32 $0x180, s18  }
0x132: {  	[tilespmem:s21], [sflag:$0x2] =	stream.indirect.gather [hbm4b:s4+s16], $0x40, s20, s16, $0xb8;
	[tilespmem:$0x15800] =	vst v63  }
0x133: {  	_ =	swait.ge [sflag:s22], $0x2000  }
0x134: {  	[sflag:s22] =	ssyncset.done $0x0  }
0x135: {  	[sflag:s22] =	ssyncadd.s32 $0xFFFFE000  }
0x136: {  	_ =	swait.ge [sflag:s22], $0x2000  }
0x137: {  	[sflag:s22] =	ssyncset.done $0x0  }
0x138: {  	s20 =	sadd.s32 $0x1C00, s18;
	[sflag:s22] =	ssyncadd.s32 $0xFFFFE000  }
0x139: {  	[spmem:s2] =	stream.indirect.scatter.add.bf16 [tilespmem:s13], [sflag:$0x3], $0x40, s20, s16, $0xb8;
	[tilespmem:$0x15800] =	vst v63  }
0x13a: {  	_ =	swait.ge [sflag:s14], $0x2000  }
0x13b: {  	[sflag:s14] =	ssyncset.done $0x0  }
0x13c: {  	s20 =	sadd.s32 $0x1C80, s18;
	[sflag:s14] =	ssyncadd.s32 $0xFFFFE000  }
0x13d: {  	[spmem:s2] =	stream.indirect.scatter.add.bf16 [tilespmem:s17], [sflag:$0x3], $0x40, s20, s16, $0xb8;
	[tilespmem:$0x15800] =	vst v63  }
0x13e: {  	_ =	swait.ge [sflag:s14], $0x2000  }
0x13f: {  	[sflag:s14] =	ssyncset.done $0x0  }
0x140: {  	s20 =	sadd.s32 $0x200, s18;
	[sflag:s14] =	ssyncadd.s32 $0xFFFFE000  }
0x141: {  	[tilespmem:s13], [sflag:$0x1] =	stream.indirect.gather [hbm4b:s4+s16], $0x40, s20, s16, $0xb8;
	[tilespmem:$0x15800] =	vst v63  }
0x142: {  	s20 =	sadd.s32 $0x280, s18  }
0x143: {  	[tilespmem:s17], [sflag:$0x1] =	stream.indirect.gather [hbm4b:s4+s16], $0x40, s20, s16, $0xb8;
	[tilespmem:$0x15800] =	vst v63  }
0x144: {  	_ =	swait.ge [sflag:s26], $0x2000  }
0x145: {  	[sflag:s26] =	ssyncset.done $0x0  }
0x146: {  	[sflag:s26] =	ssyncadd.s32 $0xFFFFE000  }
0x147: {  	_ =	swait.ge [sflag:s26], $0x2000  }
0x148: {  	[sflag:s26] =	ssyncset.done $0x0  }
0x149: {  	s20 =	sadd.s32 $0x1D00, s18;
	[sflag:s26] =	ssyncadd.s32 $0xFFFFE000  }
0x14a: {  	[spmem:s2] =	stream.indirect.scatter.add.bf16 [tilespmem:s19], [sflag:$0x3], $0x40, s20, s16, $0xb8;
	[tilespmem:$0x15800] =	vst v63  }
0x14b: {  	_ =	swait.ge [sflag:s14], $0x2000  }
.Ltmp6:
0x14c: {  	[sflag:s14] =	ssyncset.done $0x0;
	(pc) =	sbr.rel @!p2 .LBB2_6-.Ltmp6, $4  }
0x14d: {  	s18 =	sadd.s32 $0x1D80, s18;
	[sflag:s14] =	ssyncadd.s32 $0xFFFFE000  }
0x14e: {  	[spmem:s2] =	stream.indirect.scatter.add.bf16 [tilespmem:s21], [sflag:$0x3], $0x40, s18, s16, $0xb8;
	[tilespmem:$0x15800] =	vst v63  }
0x14f: {  	_ =	swait.ge [sflag:s14], $0x2000  }
0x150: {  	s20 =	smov.u32 s24;
	s18 =	sshra.s32 s23, $0x2;
	[sflag:s14] =	ssyncset.done $0x0  }
.LBB2_7:
0x151: {  	s20 =	sadd.s32 $0x100, s18;
	[sflag:s14] =	ssyncadd.s32 @p1 $0xFFFFE000  }
0x152: {  	[tilespmem:s19], [sflag:$0x2] =	stream.indirect.gather [hbm4b:s4+s16], $0x40, s20, s16, $0xb8;
	[tilespmem:$0x15800] =	vst v63  }
0x153: {  	s25 =	sadd.s32 $0x180, s18  }
0x154: {  	[tilespmem:s21], [sflag:$0x2] =	stream.indirect.gather [hbm4b:s4+s16], $0x40, s25, s16, $0xb8;
	[tilespmem:$0x15800] =	vst v63  }
0x155: {  	_ =	swait.ge [sflag:s22], $0x2000  }
0x156: {  	[sflag:s22] =	ssyncset.done $0x0  }
0x157: {  	[sflag:s22] =	ssyncadd.s32 $0xFFFFE000  }
0x158: {  	_ =	swait.ge [sflag:s22], $0x2000  }
0x159: {  	[sflag:s22] =	ssyncset.done $0x0  }
0x15a: {  	s23 =	sadd.s32 $0x1C00, s18;
	[sflag:s22] =	ssyncadd.s32 $0xFFFFE000  }
0x15b: {  	[spmem:s2] =	stream.indirect.scatter.add.bf16 [tilespmem:s13], [sflag:$0x3], $0x40, s23, s16, $0xb8;
	[tilespmem:$0x15800] =	vst v63  }
0x15c: {  	_ =	swait.ge [sflag:s14], $0x2000  }
0x15d: {  	[sflag:s14] =	ssyncset.done $0x0  }
0x15e: {  	s24 =	sadd.s32 $0x1C80, s18;
	[sflag:s14] =	ssyncadd.s32 $0xFFFFE000  }
0x15f: {  	[spmem:s2] =	stream.indirect.scatter.add.bf16 [tilespmem:s17], [sflag:$0x3], $0x40, s24, s16, $0xb8;
	[tilespmem:$0x15800] =	vst v63  }
0x160: {  	_ =	swait.ge [sflag:s14], $0x2000  }
0x161: {  	[sflag:s14] =	ssyncset.done $0x0  }
0x162: {  	s25 =	sadd.s32 $0x200, s18;
	[sflag:s14] =	ssyncadd.s32 $0xFFFFE000  }
0x163: {  	[tilespmem:s13], [sflag:$0x1] =	stream.indirect.gather [hbm4b:s4+s16], $0x40, s25, s16, $0xb8;
	[tilespmem:$0x15800] =	vst v63  }
0x164: {  	s23 =	sadd.s32 $0x280, s18  }
0x165: {  	[tilespmem:s17], [sflag:$0x1] =	stream.indirect.gather [hbm4b:s4+s16], $0x40, s23, s16, $0xb8;
	[tilespmem:$0x15800] =	vst v63  }
0x166: {  	_ =	swait.ge [sflag:s26], $0x2000  }
0x167: {  	[sflag:s26] =	ssyncset.done $0x0  }
0x168: {  	[sflag:s26] =	ssyncadd.s32 $0xFFFFE000  }
0x169: {  	_ =	swait.ge [sflag:s26], $0x2000  }
0x16a: {  	[sflag:s26] =	ssyncset.done $0x0  }
0x16b: {  	s24 =	sadd.s32 $0x1D00, s18;
	[sflag:s26] =	ssyncadd.s32 $0xFFFFE000  }
0x16c: {  	[spmem:s2] =	stream.indirect.scatter.add.bf16 [tilespmem:s19], [sflag:$0x3], $0x40, s24, s16, $0xb8;
	[tilespmem:$0x15800] =	vst v63  }
0x16d: {  	_ =	swait.ge [sflag:s14], $0x2000  }
0x16e: {  	[sflag:s14] =	ssyncset.done $0x0  }
.Ltmp7:
0x16f: {  	s25 =	sadd.s32 $0x1D80, s18;
	[sflag:s14] =	ssyncadd.s32 $0xFFFFE000;
	(pc) =	sbr.rel .LBB2_9-.Ltmp7, $4  }
0x170: {  	[spmem:s2] =	stream.indirect.scatter.add.bf16 [tilespmem:s21], [sflag:$0x3], $0x40, s25, s16, $0xb8;
	[tilespmem:$0x15800] =	vst v63  }
0x171: {  	s28 =	simm.s32 $0x1B00;
	s20 =	simm.s32 $0x3700;
	_ =	swait.ge [sflag:s14], $0x2000  }
0x172: {  	s18 =	simm.s32 $0x3780;
	s23 =	simm.s32 $0x3680;
	[sflag:s14] =	ssyncset.done $0x0  }
0x173: {  	s24 =	simm.s32 $0x3600;
	s25 =	simm.s32 $0x1B80;
	[sflag:s14] =	ssyncadd.s32 $0xFFFFE000  }
.LBB2_10:
0x174: {  	_ =	sfence.sel $0x180000  }
0x175: {  	[bflag:$0x0] =	sbarrier.arrive $0xFFFF  }
0x176: {  	_ =	strace $0x9000004A  }
0x177: {  	[bflag:$0x2] =	sbarrier.arrive $0xFFFF  }
0x178: {  	p0 =	sne.s32 s1, $0x0;
	s0 =	rddreg [dreg:$0x2]  }
0x179: {  	s0 =	sadd.s32 @!p0 $0x100000, s0  }
0x17a: {  	[sflag:s0] =	ssyncadd.tile.s32 @!p0 $0x1;
	_ =	shalt  }
.Lfunc_end2:
_tile_overlayer_lowered:
.L_overlay_start_2:
0x17b: {  	(tag) =	ssettag $0x2  }
0x17c: {  	s0 =	rddreg [dreg:$0x0];
	s2 =	stileid.u32  }
0x17d: {  	s1 =	rddreg [dreg:$0x1];
	p0 =	sne.s32 s2, $0x0  }
0x17e: {  	s3 =	rddreg [dreg:$0x2];
	[bflag:$0x3] =	sbarrier.arrive $0xFFFF;
	s2 =	simm.s32 @!p0 $0x1C03  }
0x17f: {  	[timem:s3], [sflag:s2] =	dma.local @!p0 [hbm:s0], s1  }
0x180: {  	s0 =	simm.s32 @!p0 $0x3  }
0x181: {  	_ =	swait.ge @!p0 [sflag:s0], s1  }
0x182: {  	s1 =	ssub.s32 @!p0 $0x0, s1;
	[sflag:s0] =	ssyncset.done @!p0 $0x0  }
0x183: {  	[sflag:s0] =	ssyncadd.s32 @!p0 s1  }
0x184: {  	[bflag:$0x3] =	sbarrier.arrive $0xFFFF  }
0x185: {  	_ =	shalt  }

// kernel: kernel.14.cloned.1.call-start
scs
__scs_entry_jumppad:
0x0: {  	(pc) =	sbr.rel $0x88, $3  }
0x1: {  	(tag) =	ssettag $0x0;
	lr =	simm.s32 $0x1  }
0x2: {  	[smem:$0x3F9B] =	sst lr;
	_ =	strace $0xD0000000  }
0x3: {  	_ = 	snop  }
0x4: {  	_ = 	snop  }
0x5: {  	_ = 	snop  }
0x6: {  	_ = 	snop  }
0x7: {  	_ = 	snop  }
__scs_overlays_trampoline_lowered:
0x8: {  	[smem:$0x3FAA] =	sst s0  }
0x9: {  	[smem:$0x3FAB] =	sst s1  }
0xa: {  	[smem:$0x3FAC] =	sst s2  }
0xb: {  	[smem:$0x3FAD] =	sst s3  }
0xc: {  	[smem:$0x3FAE] =	sst s4  }
0xd: {  	[smem:$0x3FAF] =	sst s5  }
0xe: {  	[smem:$0x3FB0] =	sst s6  }
0xf: {  	[smem:$0x3FB1] =	sst s7  }
0x10: {  	[smem:$0x3FB2] =	sst s8  }
0x11: {  	[smem:$0x3FB3] =	sst s9;
	s0 =	simm.s32 @!p0 $0x0  }
0x12: {  	s1 =	sld [smem:$0x3F99];
	s0 =	simm.s32 @p0 $0x1  }
0x13: {  	[smem:$0x3FB4] =	sst s0;
	s0 =	simm.s32 @!p1 $0x0  }
0x14: {  	s2 =	sld [smem:$0x3F98];
	s0 =	simm.s32 @p1 $0x1  }
0x15: {  	[smem:$0x3FB5] =	sst s0;
	s0 =	simm.s32 @!p2 $0x0  }
0x16: {  	s3 =	sld [smem:$0x3FDB];
	s0 =	simm.s32 @p2 $0x1  }
0x17: {  	s4 =	simm.s32 $0x1BF5;
	[smem:$0x3FB7] =	sst s0  }
0x18: {  	s0 =	sld [smem:$0x3F9A];
	_ =	swait.ge [sflag:s4], $0x0  }
0x19: {  	s7 =	sld [smem:$0x3F9B]  }
0x1a: {  	s8 =	sadd.s32 $0xFFFFE003, lr  }
0x1b: {  	s9 =	sadd.s32 $0xFFFFFEF7, lr;
	s5 =	simm.s32 $0xFFFFFFFF;
	p2 =	slt.u32 s8, $0xFFFFF086  }
0x1c: {  	p1 =	slt.u32 s9, $0xF7A;
	s5 =	simm.s32 @!p2 $0x0  }
0x1d: {  	s5 =	simm.s32 @p1 $0x1;
	p0 =	seq.s32 s7, s2  }
0x1e: {  	s7 =	smul.u32 @!p0 $0xF7A, s2;
	p2 =	seq.s32 @!p0 s5, $0x0  }
0x1f: {  	s9 =	smul.u32 $0xF7A, s1;
	s8 =	simm.s32 @!p0 $0x1BF5;
	p2 =	por !p2, p0  }
0x20: {  	[sflag:s8] =	ssyncset.s32 @!p0 $0xFFFFF086;
	s6 =	sadd.s32 @!p0 s3, s7;
	s7 =	simm.s32 @!p0 $0x108  }
0x21: {  	s3 =	sadd.s32 s3, s9;
	s6 =	sadd.s32 @!p0 $0x88, s6;
	s7 =	simm.s32 @p2 $0x1082  }
0x22: {  	[simem:s7], [sflag:s8] =	dma.local @!p0 [hbm:s6], $0xF7A  }
0x23: {  	s9 =	sor.u32 $0xD0000000, s2;
	s6 =	simm.s32 $0x108;
	_ =	swait.ge @!p0 [sflag:s8], $0x0  }
0x24: {  	s3 =	sadd.s32 $0x88, s3;
	s6 =	simm.s32 @!p1 $0x1082;
	[sflag:s4] =	ssyncset.s32 $0xFFFFF086  }
0x25: {  	[simem:s6], [sflag:s4] =	dma.local [hbm:s3], $0xF7A  }
0x26: {  	[smem:$0x3F9B] =	sst s1;
	(tag) =	ssettag s2;
	_ =	strace s9  }
0x27: {  	s1 =	sld [smem:$0x3FAB]  }
0x28: {  	s2 =	sld [smem:$0x3FAC]  }
0x29: {  	s4 =	sld [smem:$0x3FAE]  }
0x2a: {  	p0 =	seq.s32 s5, $0x0;
	s5 =	sld [smem:$0x3FAF]  }
0x2b: {  	s6 =	sld [smem:$0x3FB0]  }
0x2c: {  	s7 =	sld [smem:$0x3FB1]  }
0x2d: {  	s3 =	simm.s32 $0x108;
	s8 =	sld [smem:$0x3FB2]  }
0x2e: {  	s3 =	simm.s32 @!p0 $0x1082;
	s9 =	sld [smem:$0x3FB3]  }
0x2f: {  	lr =	sadd.s32 s0, s3;
	s0 =	sld [smem:$0x3FAA]  }
0x30: {  	s3 =	sld [smem:$0x3FAD]  }
0x31: {  	[smem:$0x3FB6] =	sst s10  }
0x32: {  	s10 =	sld [smem:$0x3FB4];
	_ =	sdelay $0x3  }
0x33: {  	p0 =	seq.s32 s10, $0x1;
	s10 =	sld [smem:$0x3FB6];
	_ =	sdelay $0x3  }
0x34: {  	[smem:$0x3FB6] =	sst s10  }
0x35: {  	s10 =	sld [smem:$0x3FB5];
	_ =	sdelay $0x3  }
0x36: {  	p1 =	seq.s32 s10, $0x1;
	s10 =	sld [smem:$0x3FB6];
	_ =	sdelay $0x3  }
0x37: {  	[smem:$0x3FB6] =	sst s10  }
0x38: {  	s10 =	sld [smem:$0x3FB7]  }
0x39: {  	_ = 	snop;
	(pc) =	sbr.ind lr, $3  }
0x3a: {  	_ = 	snop  }
0x3b: {  	_ = 	snop  }
0x3c: {  	p2 =	seq.s32 s10, $0x1;
	s10 =	sld [smem:$0x3FB6]  }
0x3d: {  	_ =	shalt  }
0x3e: {  	_ =	shalt  }
0x3f: {  	_ =	shalt  }
0x40: {  	_ =	shalt  }
0x41: {  	_ =	shalt  }
0x42: {  	_ =	shalt  }
0x43: {  	_ =	shalt  }
0x44: {  	_ =	shalt  }
0x45: {  	_ =	shalt  }
0x46: {  	_ =	shalt  }
0x47: {  	_ =	shalt  }
0x48: {  	_ =	shalt  }
0x49: {  	_ =	shalt  }
0x4a: {  	_ =	shalt  }
0x4b: {  	_ =	shalt  }
0x4c: {  	_ =	shalt  }
0x4d: {  	_ =	shalt  }
0x4e: {  	_ =	shalt  }
0x4f: {  	_ =	shalt  }
0x50: {  	_ =	shalt  }
0x51: {  	_ =	shalt  }
0x52: {  	_ =	shalt  }
0x53: {  	_ =	shalt  }
0x54: {  	_ =	shalt  }
0x55: {  	_ =	shalt  }
0x56: {  	_ =	shalt  }
0x57: {  	_ =	shalt  }
0x58: {  	_ =	shalt  }
0x59: {  	_ =	shalt  }
0x5a: {  	_ =	shalt  }
0x5b: {  	_ =	shalt  }
0x5c: {  	_ =	shalt  }
0x5d: {  	_ =	shalt  }
0x5e: {  	_ =	shalt  }
0x5f: {  	_ =	shalt  }
0x60: {  	_ =	shalt  }
0x61: {  	_ =	shalt  }
0x62: {  	_ =	shalt  }
0x63: {  	_ =	shalt  }
0x64: {  	_ =	shalt  }
0x65: {  	_ =	shalt  }
0x66: {  	_ =	shalt  }
0x67: {  	_ =	shalt  }
0x68: {  	_ =	shalt  }
0x69: {  	_ =	shalt  }
0x6a: {  	_ =	shalt  }
0x6b: {  	_ =	shalt  }
0x6c: {  	_ =	shalt  }
0x6d: {  	_ =	shalt  }
0x6e: {  	_ =	shalt  }
0x6f: {  	_ =	shalt  }
0x70: {  	_ =	shalt  }
0x71: {  	_ =	shalt  }
0x72: {  	_ =	shalt  }
0x73: {  	_ =	shalt  }
0x74: {  	_ =	shalt  }
0x75: {  	_ =	shalt  }
0x76: {  	_ =	shalt  }
0x77: {  	_ =	shalt  }
0x78: {  	_ =	shalt  }
0x79: {  	_ =	shalt  }
0x7a: {  	_ =	shalt  }
0x7b: {  	_ =	shalt  }
0x7c: {  	_ =	shalt  }
0x7d: {  	_ =	shalt  }
0x7e: {  	_ =	shalt  }
0x7f: {  	_ =	shalt  }
0x80: {  	_ =	shalt  }
0x81: {  	_ =	shalt  }
0x82: {  	_ =	shalt  }
0x83: {  	_ =	shalt  }
0x84: {  	_ =	shalt  }
0x85: {  	_ =	shalt  }
0x86: {  	_ =	shalt  }
0x87: {  	_ =	shalt  }
.Lfunc_end0:
.L_simem_size_0:
called_computation.2_lowered:
.L_overlay_start_0:
0x88: {  	s2 =	sld [smem:$0x3FD9]  }
0x89: {  	s3 =	sld [smem:$0x3FFE];
	_ =	sdelay $0x1  }
0x8a: {  	s1 =	srdreg.scid  }
0x8b: {  	s0 =	sand.u32 $0x1, s1  }
0x8c: {  	s17 =	sshll.u32 s0, $0xA;
	s2 =	sadd.s32 s3, s2  }
0x8d: {  	s2 =	sadd.s32 s2, s17  }
0x8e: {  	[smem:$0x3FC2] =	sst s2  }
0x8f: {  	_ = 	snop  }
0x90: {  	s2 =	sld [smem:$0x3FD0];
	(tm) =	ssettm $0x1  }
0x91: {  	s18 =	sld [smem:$0x3FFB];
	_ =	sdelay $0x3  }
0x92: {  	_ =	strace s18  }
0x93: {  	s3 =	sld [smem:$0x3FFC];
	_ =	sdelay $0x3  }
0x94: {  	_ =	strace s3  }
0x95: {  	s3 =	sld [smem:$0x3FFD];
	_ =	sdelay $0x3  }
0x96: {  	_ =	strace s3  }
0x97: {  	_ =	strace $0x8FFFFFFF  }
0x98: {  	s19 =	sld [smem:$0x3FDB];
	_ =	sdelay $0x1  }
0x99: {  	s4 =	simm.s32 $_scs_section_size  }
0x9a: {  	s5 =	simm.s32 $_size__tile_overlayer_lowered;
	s6 =	simm.s32 $_tile_overlayer_lowered  }
0x9b: {  	s22 =	simm.s32 $0x1BFF;
	s21 =	sshll.u32 s6, $0x1;
	s3 =	sadd.s32 s4, s19  }
0x9c: {  	s7 =	simm.s32 $0x0;
	s20 =	sshll.u32 s5, $0x1;
	s5 =	sadd.s32 s21, s3  }
0x9d: {  	[timem:s7], [sflag:s22] =	dma.local [hbm:s5], s20  }
0x9e: {  	_ =	swait.ge [sflag:s22], s20  }
0x9f: {  	s4 =	ssub.s32 $0x0, s20;
	[sflag:s22] =	ssyncset.done $0x0  }
0xa0: {  	[sflag:s22] =	ssyncadd.s32 s4;
	_ =	sdelay $0x1  }
0xa1: {  	s23 =	simm.s32 $0x1B8B  }
0xa2: {  	_ =	swait.ge [sflag:s23], $0x1  }
0xa3: {  	[sflag:s23] =	ssyncset.done $0x0  }
0xa4: {  	s25 =	simm.s32 $0x1B8E;
	s24 =	sld [smem:$0x3FFE];
	[sflag:s23] =	ssyncadd.s32 $0xFFFFFFFF  }
0xa5: {  	s26 =	simm.s32 $execute0_lowered;
	[smem:$0x3FD2] =	sst s25  }
0xa6: {  	s5 =	sshll.u32 s26, $0x1;
	_ =	strace $0x8000004C;
	[dreg:$0x1] =	wrdreg $0xFFFFFFFF  }
0xa7: {  	s28 =	simm.s32 $_size_execute0_lowered;
	s3 =	sadd.s32 s3, s5;
	[dreg:$0x0] =	wrdreg $0x0  }
0xa8: {  	s5 =	sshll.u32 s28, $0x1;
	[dreg:$0x2] =	wrdreg s3  }
0xa9: {  	[dreg:$0x3] =	wrdreg s5  }
0xaa: {  	[dreg:$0x4] =	wrdreg $0xC0  }
0xab: {  	_ =	task [dreg:s7], $0x5FFFF  }
0xac: {  	[dreg:$0x1] =	wrdreg $0xFFFFFFFF  }
0xad: {  	[dreg:$0x0] =	wrdreg $0x60  }
0xae: {  	[dreg:$0x2] =	wrdreg s2  }
0xaf: {  	[dreg:$0x3] =	wrdreg s24  }
0xb0: {  	[dreg:$0x4] =	wrdreg $0x80000  }
0xb1: {  	[dreg:$0x5] =	wrdreg $0x58000  }
0xb2: {  	[dreg:$0x6] =	wrdreg $0x9  }
0xb3: {  	_ =	task.clear_ibuf [dreg:s7], $0x7FFFF;
	_ =	strace $0x9000004C  }
0xb4: {  	s29 =	simm.s32 $0x9;
	_ =	strace $0x8000004E  }
0xb5: {  	_ =	swait.ge [sflag:s29], $0x1  }
0xb6: {  	[sflag:s29] =	ssyncadd.s32 $0xFFFFFFFF  }
0xb7: {  	_ =	strace $0x9000004E  }
0xb8: {  	_ =	sfence  }
0xb9: {  	s30 =	sld [smem:$0x0];
	_ =	sdelay $0x2  }
0xba: {  	s31 =	sshll.u32 s1, $0xD;
	s1 =	sshrl.u32 s1, $0x2  }
0xbb: {  	s3 =	sand.u32 $0x4000, s31;
	s1 =	sadd.s32 s1, s30  }
0xbc: {  	s0 =	sor.u32 s3, s0;
	s1 =	sshll.u32 s1, $0x11  }
0xbd: {  	s0 =	sor.u32 s1, s0  }
0xbe: {  	s0 =	sadd.s32 $0x8F2B, s0  }
0xbf: {  	[sflag:s0] =	ssyncadd.remote.s32 $0x1  }
0xc0: {  	_ =	sfence.sel $0xFFFF  }
0xc1: {  	[dreg:$0x0] =	wrdreg $0xFFFFFFFF;
	(pc) =	sbr.abs _section_cstart, $3  }
0xc2: {  	[dreg:$0x1] =	wrdreg $0xFFFFFFFF  }
0xc3: {  	_ =	task.clear_ibuf [dreg:s7], $0x2FFFF;
	_ =	strace $0x9FFFFFFF  }
0xc4: {  	(tm) =	ssettm $0x7FFFFFFF  }
0xc5: {  	_ =	shalt  }
tec
execute0_lowered:
.L_overlay_start_1:
0x0: {  	(tag) =	ssettag $0x1  }
0x1: {  	s0 =	rddreg [dreg:$0x0]  }
0x2: {  	s1 =	rddreg [dreg:$0x1]  }
0x3: {  	s2 =	rddreg [dreg:$0x2];
	s4 =	srdreg.scid  }
0x4: {  	s13 =	stileid.u32;
	s3 =	rddreg [dreg:$0x3];
	s16 =	simm.s32 $0x3  }
0x5: {  	s17 =	simm.s32 $0x3800;
	s18 =	simm.s32 $0x1C00;
	s7 =	smul.u32 $0x2800, s13  }
0x6: {  	s19 =	simm.s32 $0x80;
	s20 =	simm.s32 $0x4000;
	s8 =	smul.u32 $0x2710, s13  }
0x7: {  	s22 =	simm.s32 $0x4800;
	s30 =	simm.s32 $0x2;
	s10 =	smul.u32 $0xA000, s13  }
0x8: {  	s9 =	sand.u32 $0x1, s4;
	s4 =	simm.s32 $0x0;
	s29 =	smul.u32 $0xC00, s13  }
0x9: {  	s11 =	sadd.s32 $0x10C00, s1;
	s26 =	sshll.u32 s13, $0x6;
	s13 =	smul.u32 $0x380, s13  }
0xa: {  	s12 =	sadd.s32 $0x1C00, s1;
	s5 =	smul.u32 $0x28000, s9;
	[smem:$0x7FF] =	sst s4  }
0xb: {  	s6 =	ssub.s32 $0x2, s9;
	p0 =	seq.s32 s9, $0x1;
	_ =	strace $0x8000004D  }
0xc: {  	s24 =	sshrl.u32 s6, $0x1;
	s25 =	sshrl.u32 s8, $0x3;
	s15 =	sadd.s32 s8, s2  }
0xd: {  	s28 =	sshrl.u32 s10, $0x2;
	s31 =	sshrl.u32 s29, $0x3;
	s9 =	sadd.s32 s11, s13  }
0xe: {  	s10 =	sadd.s32 s12, s13;
	s5 =	sadd.s32 s7, s5;
	s14 =	ssub.s32 s6, s24  }
0xf: {  	s6 =	sor.u32 $0x1C03, s26;
	s7 =	sadd.s32 s7, s3;
	s15 =	sshrl.u32 s15, $0x3  }
.Ltmp0:
0x10: {  	s24 =	simm.s32 $0x5000;
	s5 =	sshrl.u32 s5, $0x3;
	(pc) =	sbr.rel .LBB2_1-.Ltmp0, $4  }
0x11: {  	s1 =	sadd.s32 s5, s1;
	s5 =	sadd.s32 s0, s25;
	s0 =	sadd.s32 s28, s3  }
0x12: {  	s14 =	smax.u32 s14, $0x1;
	s25 =	simm.s32 $0x1;
	s8 =	sadd.s32 $0x2000, s0  }
0x13: {  	s0 =	sadd.s32 $0x3800, s31;
	s13 =	sadd.s32 $0x6C00, s1;
	s1 =	simm.s32 $0x2580  }
0x14: {  	v0 =	vimm.f32 $0.0e+00;
	s11 =	sadd.s32 s11, s0;
	s12 =	sadd.s32 s12, s0;
	s0 =	simm.s32 $0x0  }
.LBB2_8:
0x15: {  	[tilespmem:s4], [sflag:$0x3] =	stream.linear.gather [hbm4b:s11+s4], $0xC00, $0x38;
	[tilespmem:$0xA710] =	vst v63  }
0x16: {  	_ =	swait.ge [sflag:s16], $0xC00  }
0x17: {  	[sflag:s16] =	ssyncset.done $0x0  }
0x18: {  	[sflag:s16] =	ssyncadd.s32 $0xFFFFF400  }
0x19: {  	[tilespmem:s18], [sflag:$0x3] =	stream.linear.gather [hbm4b:s12+s4], $0xC00, $0x38;
	[tilespmem:$0xA710] =	vst v63  }
0x1a: {  	_ =	swait.ge [sflag:s16], $0xC00  }
0x1b: {  	[sflag:s16] =	ssyncset.done $0x0  }
0x1c: {  	[sflag:s16] =	ssyncadd.s32 $0xFFFFF400  }
0x1d: {  	[tilespmem:s17], [sflag:$0x1] =	stream.indirect.gather [spmem:s2], $0x10, s4, s19, $0xb8;
	[tilespmem:$0xA710] =	vst v63  }
0x1e: {  	_ = 	snop  }
0x1f: {  	[tilespmem:s20], [sflag:$0x1] =	stream.indirect.gather [spmem:s2], $0x10, s19, s19, $0xb8;
	[tilespmem:$0xA710] =	vst v63  }
0x20: {  	s21 =	simm.s32 $0x100  }
0x21: {  	[tilespmem:s22], [sflag:$0x2] =	stream.indirect.gather [spmem:s2], $0x10, s21, s19, $0xb8;
	[tilespmem:$0xA710] =	vst v63  }
0x22: {  	s26 =	simm.s32 $0x180  }
0x23: {  	[tilespmem:s24], [sflag:$0x2] =	stream.indirect.gather [spmem:s2], $0x10, s26, s19, $0xb8;
	[tilespmem:$0xA710] =	vst v63  }
0x24: {  	_ =	swait.ge [sflag:s25], $0x800  }
0x25: {  	[sflag:s25] =	ssyncset.done $0x0  }
0x26: {  	[sflag:s25] =	ssyncadd.s32 $0xFFFFF800  }
0x27: {  	_ =	swait.ge [sflag:s25], $0x800  }
0x28: {  	[sflag:s25] =	ssyncset.done $0x0  }
0x29: {  	[sflag:s25] =	ssyncadd.s32 $0xFFFFF800  }
0x2a: {  	[spmem:s3] =	stream.indirect.scatter.add.f32 [tilespmem:s17], [sflag:$0x3], $0x10, s18, s19, $0xb8;
	[tilespmem:$0xA710] =	vst v63  }
0x2b: {  	_ =	swait.ge [sflag:s16], $0x800  }
0x2c: {  	[sflag:s16] =	ssyncset.done $0x0  }
0x2d: {  	s23 =	simm.s32 $0x1C80;
	[sflag:s16] =	ssyncadd.s32 $0xFFFFF800  }
0x2e: {  	[spmem:s3] =	stream.indirect.scatter.add.f32 [tilespmem:s20], [sflag:$0x3], $0x10, s23, s19, $0xb8;
	[tilespmem:$0xA710] =	vst v63  }
0x2f: {  	_ =	swait.ge [sflag:s16], $0x800  }
0x30: {  	[sflag:s16] =	ssyncset.done $0x0  }
0x31: {  	s26 =	simm.s32 $0x200;
	[sflag:s16] =	ssyncadd.s32 $0xFFFFF800  }
0x32: {  	[tilespmem:s17], [sflag:$0x1] =	stream.indirect.gather [spmem:s2], $0x10, s26, s19, $0xb8;
	[tilespmem:$0xA710] =	vst v63  }
0x33: {  	s23 =	simm.s32 $0x280  }
0x34: {  	[tilespmem:s20], [sflag:$0x1] =	stream.indirect.gather [spmem:s2], $0x10, s23, s19, $0xb8;
	[tilespmem:$0xA710] =	vst v63  }
0x35: {  	_ =	swait.ge [sflag:s30], $0x800  }
0x36: {  	[sflag:s30] =	ssyncset.done $0x0  }
0x37: {  	[sflag:s30] =	ssyncadd.s32 $0xFFFFF800  }
0x38: {  	_ =	swait.ge [sflag:s30], $0x800  }
0x39: {  	[sflag:s30] =	ssyncset.done $0x0  }
0x3a: {  	s26 =	simm.s32 $0x1D00;
	[sflag:s30] =	ssyncadd.s32 $0xFFFFF800  }
0x3b: {  	[spmem:s3] =	stream.indirect.scatter.add.f32 [tilespmem:s22], [sflag:$0x3], $0x10, s26, s19, $0xb8;
	[tilespmem:$0xA710] =	vst v63  }
0x3c: {  	_ =	swait.ge [sflag:s16], $0x800  }
0x3d: {  	[sflag:s16] =	ssyncset.done $0x0  }
0x3e: {  	s23 =	simm.s32 $0x1D80;
	[sflag:s16] =	ssyncadd.s32 $0xFFFFF800  }
0x3f: {  	[spmem:s3] =	stream.indirect.scatter.add.f32 [tilespmem:s24], [sflag:$0x3], $0x10, s23, s19, $0xb8;
	[tilespmem:$0xA710] =	vst v63  }
0x40: {  	_ =	swait.ge [sflag:s16], $0x800  }
0x41: {  	[sflag:s16] =	ssyncset.done $0x0  }
0x42: {  	s26 =	simm.s32 $0x300;
	[sflag:s16] =	ssyncadd.s32 $0xFFFFF800  }
0x43: {  	[tilespmem:s22], [sflag:$0x2] =	stream.indirect.gather [spmem:s2], $0x10, s26, s19, $0xb8;
	[tilespmem:$0xA710] =	vst v63  }
0x44: {  	s23 =	simm.s32 $0x380  }
0x45: {  	[tilespmem:s24], [sflag:$0x2] =	stream.indirect.gather [spmem:s2], $0x10, s23, s19, $0xb8;
	[tilespmem:$0xA710] =	vst v63  }
0x46: {  	_ =	swait.ge [sflag:s25], $0x800  }
0x47: {  	[sflag:s25] =	ssyncset.done $0x0  }
0x48: {  	[sflag:s25] =	ssyncadd.s32 $0xFFFFF800  }
0x49: {  	_ =	swait.ge [sflag:s25], $0x800  }
0x4a: {  	[sflag:s25] =	ssyncset.done $0x0  }
0x4b: {  	s26 =	simm.s32 $0x1E00;
	[sflag:s25] =	ssyncadd.s32 $0xFFFFF800  }
0x4c: {  	[spmem:s3] =	stream.indirect.scatter.add.f32 [tilespmem:s17], [sflag:$0x3], $0x10, s26, s19, $0xb8;
	[tilespmem:$0xA710] =	vst v63  }
0x4d: {  	_ =	swait.ge [sflag:s16], $0x800  }
0x4e: {  	[sflag:s16] =	ssyncset.done $0x0  }
0x4f: {  	s23 =	simm.s32 $0x1E80;
	[sflag:s16] =	ssyncadd.s32 $0xFFFFF800  }
0x50: {  	[spmem:s3] =	stream.indirect.scatter.add.f32 [tilespmem:s20], [sflag:$0x3], $0x10, s23, s19, $0xb8;
	[tilespmem:$0xA710] =	vst v63  }
0x51: {  	_ =	swait.ge [sflag:s16], $0x800  }
0x52: {  	[sflag:s16] =	ssyncset.done $0x0  }
0x53: {  	s26 =	simm.s32 $0x400;
	[sflag:s16] =	ssyncadd.s32 $0xFFFFF800  }
0x54: {  	[tilespmem:s17], [sflag:$0x1] =	stream.indirect.gather [spmem:s2], $0x10, s26, s19, $0xb8;
	[tilespmem:$0xA710] =	vst v63  }
0x55: {  	s23 =	simm.s32 $0x480  }
0x56: {  	[tilespmem:s20], [sflag:$0x1] =	stream.indirect.gather [spmem:s2], $0x10, s23, s19, $0xb8;
	[tilespmem:$0xA710] =	vst v63  }
0x57: {  	_ =	swait.ge [sflag:s30], $0x800  }
0x58: {  	[sflag:s30] =	ssyncset.done $0x0  }
0x59: {  	[sflag:s30] =	ssyncadd.s32 $0xFFFFF800  }
0x5a: {  	_ =	swait.ge [sflag:s30], $0x800  }
0x5b: {  	[sflag:s30] =	ssyncset.done $0x0  }
0x5c: {  	s26 =	simm.s32 $0x1F00;
	[sflag:s30] =	ssyncadd.s32 $0xFFFFF800  }
0x5d: {  	[spmem:s3] =	stream.indirect.scatter.add.f32 [tilespmem:s22], [sflag:$0x3], $0x10, s26, s19, $0xb8;
	[tilespmem:$0xA710] =	vst v63  }
0x5e: {  	_ =	swait.ge [sflag:s16], $0x800  }
0x5f: {  	[sflag:s16] =	ssyncset.done $0x0  }
0x60: {  	s23 =	simm.s32 $0x1F80;
	[sflag:s16] =	ssyncadd.s32 $0xFFFFF800  }
0x61: {  	[spmem:s3] =	stream.indirect.scatter.add.f32 [tilespmem:s24], [sflag:$0x3], $0x10, s23, s19, $0xb8;
	[tilespmem:$0xA710] =	vst v63  }
0x62: {  	_ =	swait.ge [sflag:s16], $0x800  }
0x63: {  	[sflag:s16] =	ssyncset.done $0x0  }
0x64: {  	s26 =	simm.s32 $0x500;
	[sflag:s16] =	ssyncadd.s32 $0xFFFFF800  }
0x65: {  	[tilespmem:s22], [sflag:$0x2] =	stream.indirect.gather [spmem:s2], $0x10, s26, s19, $0xb8;
	[tilespmem:$0xA710] =	vst v63  }
0x66: {  	s23 =	simm.s32 $0x580  }
0x67: {  	[tilespmem:s24], [sflag:$0x2] =	stream.indirect.gather [spmem:s2], $0x10, s23, s19, $0xb8;
	[tilespmem:$0xA710] =	vst v63  }
0x68: {  	_ =	swait.ge [sflag:s25], $0x800  }
0x69: {  	[sflag:s25] =	ssyncset.done $0x0  }
0x6a: {  	[sflag:s25] =	ssyncadd.s32 $0xFFFFF800  }
0x6b: {  	_ =	swait.ge [sflag:s25], $0x800  }
0x6c: {  	[sflag:s25] =	ssyncset.done $0x0  }
0x6d: {  	s26 =	simm.s32 $0x2000;
	[sflag:s25] =	ssyncadd.s32 $0xFFFFF800  }
0x6e: {  	[spmem:s3] =	stream.indirect.scatter.add.f32 [tilespmem:s17], [sflag:$0x3], $0x10, s26, s19, $0xb8;
	[tilespmem:$0xA710] =	vst v63  }
0x6f: {  	_ =	swait.ge [sflag:s16], $0x800  }
0x70: {  	[sflag:s16] =	ssyncset.done $0x0  }
0x71: {  	s23 =	simm.s32 $0x2080;
	[sflag:s16] =	ssyncadd.s32 $0xFFFFF800  }
0x72: {  	[spmem:s3] =	stream.indirect.scatter.add.f32 [tilespmem:s20], [sflag:$0x3], $0x10, s23, s19, $0xb8;
	[tilespmem:$0xA710] =	vst v63  }
0x73: {  	_ =	swait.ge [sflag:s16], $0x800  }
0x74: {  	[sflag:s16] =	ssyncset.done $0x0  }
0x75: {  	s26 =	simm.s32 $0x600;
	[sflag:s16] =	ssyncadd.s32 $0xFFFFF800  }
0x76: {  	[tilespmem:s17], [sflag:$0x1] =	stream.indirect.gather [spmem:s2], $0x10, s26, s19, $0xb8;
	[tilespmem:$0xA710] =	vst v63  }
0x77: {  	s23 =	simm.s32 $0x680  }
0x78: {  	[tilespmem:s20], [sflag:$0x1] =	stream.indirect.gather [spmem:s2], $0x10, s23, s19, $0xb8;
	[tilespmem:$0xA710] =	vst v63  }
0x79: {  	_ =	swait.ge [sflag:s30], $0x800  }
0x7a: {  	[sflag:s30] =	ssyncset.done $0x0  }
0x7b: {  	[sflag:s30] =	ssyncadd.s32 $0xFFFFF800  }
0x7c: {  	_ =	swait.ge [sflag:s30], $0x800  }
0x7d: {  	[sflag:s30] =	ssyncset.done $0x0  }
0x7e: {  	s26 =	simm.s32 $0x2100;
	[sflag:s30] =	ssyncadd.s32 $0xFFFFF800  }
0x7f: {  	[spmem:s3] =	stream.indirect.scatter.add.f32 [tilespmem:s22], [sflag:$0x3], $0x10, s26, s19, $0xb8;
	[tilespmem:$0xA710] =	vst v63  }
0x80: {  	_ =	swait.ge [sflag:s16], $0x800  }
0x81: {  	[sflag:s16] =	ssyncset.done $0x0  }
0x82: {  	s23 =	simm.s32 $0x2180;
	[sflag:s16] =	ssyncadd.s32 $0xFFFFF800  }
0x83: {  	[spmem:s3] =	stream.indirect.scatter.add.f32 [tilespmem:s24], [sflag:$0x3], $0x10, s23, s19, $0xb8;
	[tilespmem:$0xA710] =	vst v63  }
0x84: {  	_ =	swait.ge [sflag:s16], $0x800  }
0x85: {  	[sflag:s16] =	ssyncset.done $0x0  }
0x86: {  	s26 =	simm.s32 $0x700;
	[sflag:s16] =	ssyncadd.s32 $0xFFFFF800  }
0x87: {  	[tilespmem:s22], [sflag:$0x2] =	stream.indirect.gather [spmem:s2], $0x10, s26, s19, $0xb8;
	[tilespmem:$0xA710] =	vst v63  }
0x88: {  	s23 =	simm.s32 $0x780  }
0x89: {  	[tilespmem:s24], [sflag:$0x2] =	stream.indirect.gather [spmem:s2], $0x10, s23, s19, $0xb8;
	[tilespmem:$0xA710] =	vst v63  }
0x8a: {  	_ =	swait.ge [sflag:s25], $0x800  }
0x8b: {  	[sflag:s25] =	ssyncset.done $0x0  }
0x8c: {  	[sflag:s25] =	ssyncadd.s32 $0xFFFFF800  }
0x8d: {  	_ =	swait.ge [sflag:s25], $0x800  }
0x8e: {  	[sflag:s25] =	ssyncset.done $0x0  }
0x8f: {  	s26 =	simm.s32 $0x2200;
	[sflag:s25] =	ssyncadd.s32 $0xFFFFF800  }
0x90: {  	[spmem:s3] =	stream.indirect.scatter.add.f32 [tilespmem:s17], [sflag:$0x3], $0x10, s26, s19, $0xb8;
	[tilespmem:$0xA710] =	vst v63  }
0x91: {  	_ =	swait.ge [sflag:s16], $0x800  }
0x92: {  	[sflag:s16] =	ssyncset.done $0x0  }
0x93: {  	s23 =	simm.s32 $0x2280;
	[sflag:s16] =	ssyncadd.s32 $0xFFFFF800  }
0x94: {  	[spmem:s3] =	stream.indirect.scatter.add.f32 [tilespmem:s20], [sflag:$0x3], $0x10, s23, s19, $0xb8;
	[tilespmem:$0xA710] =	vst v63  }
0x95: {  	_ =	swait.ge [sflag:s16], $0x800  }
0x96: {  	[sflag:s16] =	ssyncset.done $0x0  }
0x97: {  	s26 =	simm.s32 $0x800;
	[sflag:s16] =	ssyncadd.s32 $0xFFFFF800  }
0x98: {  	[tilespmem:s17], [sflag:$0x1] =	stream.indirect.gather [spmem:s2], $0x10, s26, s19, $0xb8;
	[tilespmem:$0xA710] =	vst v63  }
0x99: {  	s23 =	simm.s32 $0x880  }
0x9a: {  	[tilespmem:s20], [sflag:$0x1] =	stream.indirect.gather [spmem:s2], $0x10, s23, s19, $0xb8;
	[tilespmem:$0xA710] =	vst v63  }
0x9b: {  	_ =	swait.ge [sflag:s30], $0x800  }
0x9c: {  	[sflag:s30] =	ssyncset.done $0x0  }
0x9d: {  	[sflag:s30] =	ssyncadd.s32 $0xFFFFF800  }
0x9e: {  	_ =	swait.ge [sflag:s30], $0x800  }
0x9f: {  	[sflag:s30] =	ssyncset.done $0x0  }
0xa0: {  	s26 =	simm.s32 $0x2300;
	[sflag:s30] =	ssyncadd.s32 $0xFFFFF800  }
0xa1: {  	[spmem:s3] =	stream.indirect.scatter.add.f32 [tilespmem:s22], [sflag:$0x3], $0x10, s26, s19, $0xb8;
	[tilespmem:$0xA710] =	vst v63  }
0xa2: {  	_ =	swait.ge [sflag:s16], $0x800  }
0xa3: {  	[sflag:s16] =	ssyncset.done $0x0  }
0xa4: {  	s23 =	simm.s32 $0x2380;
	[sflag:s16] =	ssyncadd.s32 $0xFFFFF800  }
0xa5: {  	[spmem:s3] =	stream.indirect.scatter.add.f32 [tilespmem:s24], [sflag:$0x3], $0x10, s23, s19, $0xb8;
	[tilespmem:$0xA710] =	vst v63  }
0xa6: {  	_ =	swait.ge [sflag:s16], $0x800  }
0xa7: {  	[sflag:s16] =	ssyncset.done $0x0  }
0xa8: {  	s26 =	simm.s32 $0x900;
	[sflag:s16] =	ssyncadd.s32 $0xFFFFF800  }
0xa9: {  	[tilespmem:s22], [sflag:$0x2] =	stream.indirect.gather [spmem:s2], $0x10, s26, s19, $0xb8;
	[tilespmem:$0xA710] =	vst v63  }
0xaa: {  	s23 =	simm.s32 $0x980  }
0xab: {  	[tilespmem:s24], [sflag:$0x2] =	stream.indirect.gather [spmem:s2], $0x10, s23, s19, $0xb8;
	[tilespmem:$0xA710] =	vst v63  }
0xac: {  	_ =	swait.ge [sflag:s25], $0x800  }
0xad: {  	[sflag:s25] =	ssyncset.done $0x0  }
0xae: {  	[sflag:s25] =	ssyncadd.s32 $0xFFFFF800  }
0xaf: {  	_ =	swait.ge [sflag:s25], $0x800  }
0xb0: {  	[sflag:s25] =	ssyncset.done $0x0  }
0xb1: {  	s26 =	simm.s32 $0x2400;
	[sflag:s25] =	ssyncadd.s32 $0xFFFFF800  }
0xb2: {  	[spmem:s3] =	stream.indirect.scatter.add.f32 [tilespmem:s17], [sflag:$0x3], $0x10, s26, s19, $0xb8;
	[tilespmem:$0xA710] =	vst v63  }
0xb3: {  	_ =	swait.ge [sflag:s16], $0x800  }
0xb4: {  	[sflag:s16] =	ssyncset.done $0x0  }
0xb5: {  	s23 =	simm.s32 $0x2480;
	[sflag:s16] =	ssyncadd.s32 $0xFFFFF800  }
0xb6: {  	[spmem:s3] =	stream.indirect.scatter.add.f32 [tilespmem:s20], [sflag:$0x3], $0x10, s23, s19, $0xb8;
	[tilespmem:$0xA710] =	vst v63  }
0xb7: {  	_ =	swait.ge [sflag:s16], $0x800  }
0xb8: {  	[sflag:s16] =	ssyncset.done $0x0  }
0xb9: {  	s26 =	simm.s32 $0xA00;
	[sflag:s16] =	ssyncadd.s32 $0xFFFFF800  }
0xba: {  	[tilespmem:s17], [sflag:$0x1] =	stream.indirect.gather [spmem:s2], $0x10, s26, s19, $0xb8;
	[tilespmem:$0xA710] =	vst v63  }
0xbb: {  	s23 =	simm.s32 $0xA80  }
0xbc: {  	[tilespmem:s20], [sflag:$0x1] =	stream.indirect.gather [spmem:s2], $0x10, s23, s19, $0xb8;
	[tilespmem:$0xA710] =	vst v63  }
0xbd: {  	_ =	swait.ge [sflag:s30], $0x800  }
0xbe: {  	[sflag:s30] =	ssyncset.done $0x0  }
0xbf: {  	[sflag:s30] =	ssyncadd.s32 $0xFFFFF800  }
0xc0: {  	_ =	swait.ge [sflag:s30], $0x800  }
0xc1: {  	[sflag:s30] =	ssyncset.done $0x0  }
0xc2: {  	s26 =	simm.s32 $0x2500;
	[sflag:s30] =	ssyncadd.s32 $0xFFFFF800  }
0xc3: {  	[spmem:s3] =	stream.indirect.scatter.add.f32 [tilespmem:s22], [sflag:$0x3], $0x10, s26, s19, $0xb8;
	[tilespmem:$0xA710] =	vst v63  }
0xc4: {  	_ =	swait.ge [sflag:s16], $0x800  }
0xc5: {  	[sflag:s16] =	ssyncset.done $0x0  }
0xc6: {  	[sflag:s16] =	ssyncadd.s32 $0xFFFFF800  }
0xc7: {  	[spmem:s3] =	stream.indirect.scatter.add.f32 [tilespmem:s24], [sflag:$0x3], $0x10, s1, s19, $0xb8;
	[tilespmem:$0xA710] =	vst v63  }
0xc8: {  	s28 =	simm.s32 $0x2600;
	s29 =	simm.s32 $0xB80;
	_ =	swait.ge [sflag:s16], $0x800  }
0xc9: {  	s31 =	simm.s32 $0xB00;
	s21 =	simm.s32 $0x2780;
	[sflag:s16] =	ssyncset.done $0x0  }
0xca: {  	s23 =	simm.s32 $0x2700;
	s26 =	simm.s32 $0x2680;
	[sflag:s16] =	ssyncadd.s32 $0xFFFFF800  }
.LBB2_9:
0xcb: {  	[tilespmem:s22], [sflag:$0x2] =	stream.indirect.gather [spmem:s2], $0x10, s31, s19, $0xb8;
	[tilespmem:$0xA710] =	vst v63  }
0xcc: {  	_ = 	snop  }
0xcd: {  	[tilespmem:s24], [sflag:$0x2] =	stream.indirect.gather [spmem:s2], $0x10, s29, s19, $0xb8;
	[tilespmem:$0xA710] =	vst v63  }
0xce: {  	_ =	swait.ge [sflag:s25], $0x800  }
0xcf: {  	[sflag:s25] =	ssyncset.done $0x0  }
0xd0: {  	[sflag:s25] =	ssyncadd.s32 $0xFFFFF800  }
0xd1: {  	_ =	swait.ge [sflag:s25], $0x800  }
0xd2: {  	[sflag:s25] =	ssyncset.done $0x0  }
0xd3: {  	[sflag:s25] =	ssyncadd.s32 $0xFFFFF800  }
0xd4: {  	[spmem:s3] =	stream.indirect.scatter.add.f32 [tilespmem:s17], [sflag:$0x3], $0x10, s28, s19, $0xb8;
	[tilespmem:$0xA710] =	vst v63  }
0xd5: {  	_ =	swait.ge [sflag:s16], $0x800  }
0xd6: {  	[sflag:s16] =	ssyncset.done $0x0  }
0xd7: {  	[sflag:s16] =	ssyncadd.s32 $0xFFFFF800  }
0xd8: {  	[spmem:s3] =	stream.indirect.scatter.add.f32 [tilespmem:s20], [sflag:$0x3], $0x10, s26, s19, $0xb8;
	[tilespmem:$0xA710] =	vst v63  }
0xd9: {  	_ =	swait.ge [sflag:s16], $0x800  }
0xda: {  	[sflag:s16] =	ssyncset.done $0x0  }
0xdb: {  	[sflag:s16] =	ssyncadd.s32 $0xFFFFF800  }
0xdc: {  	_ =	swait.ge [sflag:s30], $0x800  }
0xdd: {  	[sflag:s30] =	ssyncset.done $0x0  }
0xde: {  	[sflag:s30] =	ssyncadd.s32 $0xFFFFF800  }
0xdf: {  	_ =	swait.ge [sflag:s30], $0x800  }
0xe0: {  	[sflag:s30] =	ssyncset.done $0x0  }
0xe1: {  	[sflag:s30] =	ssyncadd.s32 $0xFFFFF800  }
0xe2: {  	[spmem:s3] =	stream.indirect.scatter.add.f32 [tilespmem:s22], [sflag:$0x3], $0x10, s23, s19, $0xb8;
	[tilespmem:$0xA710] =	vst v63  }
0xe3: {  	_ =	swait.ge [sflag:s16], $0x800  }
0xe4: {  	[sflag:s16] =	ssyncset.done $0x0  }
0xe5: {  	[sflag:s16] =	ssyncadd.s32 $0xFFFFF800  }
0xe6: {  	[spmem:s3] =	stream.indirect.scatter.add.f32 [tilespmem:s24], [sflag:$0x3], $0x10, s21, s19, $0xb8;
	[tilespmem:$0xA710] =	vst v63  }
0xe7: {  	_ =	swait.ge [sflag:s16], $0x800  }
0xe8: {  	s0 =	sadd.s32 $0x1, s0;
	[sflag:s16] =	ssyncset.done $0x0  }
0xe9: {  	p1 =	sne.s32 s0, s14;
	[sflag:s16] =	ssyncadd.s32 $0xFFFFF800  }
.Ltmp1:
0xea: {  	s31 =	sshrl.u32 s7, $0x3;
	[bflag:$0x0] =	sbarrier.arrive $0xFFFF;
	(pc) =	sbr.rel @!p1 .LBB2_10-.Ltmp1, $4  }
0xeb: {  	[hbm:s13], [sflag:s6] =	dma.local [spmem:s31], $0x500  }
0xec: {  	_ =	swait.ge [sflag:s16], $0x500  }
0xed: {  	[sflag:s16] =	ssyncset.done $0x0  }
0xee: {  	[sflag:s16] =	ssyncadd.s32 $0xFFFFFB00  }
.LBB2_1:
0xef: {  	[spmem:s15], [sflag:s6] =	dma.local [hbm:s5], $0x4E2  }
0xf0: {  	_ =	swait.ge [sflag:s16], $0x4E2  }
0xf1: {  	[sflag:s16] =	ssyncset.done $0x0  }
0xf2: {  	s21 =	simm.s32 $0x40;
	s23 =	simm.s32 $0x0;
	[sflag:s16] =	ssyncadd.s32 $0xFFFFFB1E  }
.LBB2_2:
0xf3: {  	p1 =	sne.s32 s21, $0x7FC0;
	[tilespmem:s23+$0x3800] =	vst v0;
	s23 =	smov.u32 s21;
	s21 =	sadd.s32 $0x40, s21  }
.Ltmp2:
0xf4: {  	(pc) =	sbr.rel @p1 .LBB2_2-.Ltmp2, $2  }
0xf5: {  	_ =	sdelay $0x2  }
0xf6: {  	s23 =	sshra.s32 s23, $0x2  }
0xf7: {  	[tilespmem:s23+$0x3800] =	vst v0  }
0xf8: {  	[spmem:s7] =	stream.linear.scatter [tilespmem:s17], [sflag:$0x3], $0x2000, $0x38;
	[tilespmem:$0xA710] =	vst v63  }
0xf9: {  	_ =	swait.ge [sflag:s16], $0x2000  }
0xfa: {  	[sflag:s16] =	ssyncset.done $0x0  }
0xfb: {  	[sflag:s16] =	ssyncadd.s32 $0xFFFFE000  }
0xfc: {  	[spmem:s8] =	stream.linear.scatter [tilespmem:s17], [sflag:$0x3], $0x800, $0x38;
	[tilespmem:$0xA710] =	vst v63  }
.Ltmp3:
0xfd: {  	_ =	swait.ge [sflag:s16], $0x800;
	(pc) =	sbr.rel @p0 .LBB2_8-.Ltmp3, $3  }
0xfe: {  	[sflag:s16] =	ssyncset.done $0x0  }
0xff: {  	[sflag:s16] =	ssyncadd.s32 $0xFFFFF800  }
0x100: {  	[bflag:$0x0] =	sbarrier.arrive $0xFFFF;
	_ =	sdelay $0x1  }
0x101: {  	s21 =	simm.s32 $0x0  }
0x102: {  	[tilespmem:s21], [sflag:$0x3] =	stream.linear.gather [hbm4b:s9+s21], $0x1C00, $0x38;
	[tilespmem:$0xA710] =	vst v63  }
0x103: {  	_ =	swait.ge [sflag:s16], $0x1C00  }
0x104: {  	[sflag:s16] =	ssyncset.done $0x0  }
0x105: {  	[sflag:s16] =	ssyncadd.s32 $0xFFFFE400  }
0x106: {  	[tilespmem:s18], [sflag:$0x3] =	stream.linear.gather [hbm4b:s10+s21], $0x1C00, $0x38;
	[tilespmem:$0xA710] =	vst v63  }
0x107: {  	p2 =	por $0x0, $0x0;
	_ =	swait.ge [sflag:s16], $0x1C00  }
.Ltmp4:
0x108: {  	[sflag:s16] =	ssyncset.done $0x0;
	(pc) =	sbr.rel @p2 .LBB2_7-.Ltmp4, $4  }
0x109: {  	[sflag:s16] =	ssyncadd.s32 $0xFFFFE400  }
0x10a: {  	[tilespmem:s17], [sflag:$0x1] =	stream.indirect.gather [spmem:s2], $0x10, s21, s19, $0xb8;
	[tilespmem:$0xA710] =	vst v63  }
0x10b: {  	p1 =	por $0x0, $0x0;
	s21 =	simm.s32 $0x0  }
0x10c: {  	[tilespmem:s20], [sflag:$0x1] =	stream.indirect.gather [spmem:s2], $0x10, s19, s19, $0xb8;
	[tilespmem:$0xA710] =	vst v63  }
0x10d: {  	s21 =	simm.s32 $0x100  }
0x10e: {  	[tilespmem:s22], [sflag:$0x2] =	stream.indirect.gather [spmem:s2], $0x10, s21, s19, $0xb8;
	[tilespmem:$0xA710] =	vst v63  }
0x10f: {  	s29 =	simm.s32 $0x180  }
0x110: {  	[tilespmem:s24], [sflag:$0x2] =	stream.indirect.gather [spmem:s2], $0x10, s29, s19, $0xb8;
	[tilespmem:$0xA710] =	vst v63  }
0x111: {  	_ =	swait.ge [sflag:s25], $0x800  }
0x112: {  	[sflag:s25] =	ssyncset.done $0x0  }
0x113: {  	[sflag:s25] =	ssyncadd.s32 $0xFFFFF800  }
0x114: {  	_ =	swait.ge [sflag:s25], $0x800  }
0x115: {  	[sflag:s25] =	ssyncset.done $0x0  }
0x116: {  	s31 =	simm.s32 $0x1C00;
	[sflag:s25] =	ssyncadd.s32 $0xFFFFF800  }
0x117: {  	[spmem:s3] =	stream.indirect.scatter.add.f32 [tilespmem:s17], [sflag:$0x3], $0x10, s31, s19, $0xb8;
	[tilespmem:$0xA710] =	vst v63  }
0x118: {  	_ =	swait.ge [sflag:s16], $0x800  }
0x119: {  	[sflag:s16] =	ssyncset.done $0x0  }
0x11a: {  	s23 =	simm.s32 $0x1C80;
	[sflag:s16] =	ssyncadd.s32 $0xFFFFF800  }
0x11b: {  	[spmem:s3] =	stream.indirect.scatter.add.f32 [tilespmem:s20], [sflag:$0x3], $0x10, s23, s19, $0xb8;
	[tilespmem:$0xA710] =	vst v63  }
0x11c: {  	_ =	swait.ge [sflag:s16], $0x800  }
0x11d: {  	[sflag:s16] =	ssyncset.done $0x0  }
0x11e: {  	s26 =	simm.s32 $0x200;
	[sflag:s16] =	ssyncadd.s32 $0xFFFFF800  }
0x11f: {  	[tilespmem:s17], [sflag:$0x1] =	stream.indirect.gather [spmem:s2], $0x10, s26, s19, $0xb8;
	[tilespmem:$0xA710] =	vst v63  }
0x120: {  	s28 =	simm.s32 $0x280  }
0x121: {  	[tilespmem:s20], [sflag:$0x1] =	stream.indirect.gather [spmem:s2], $0x10, s28, s19, $0xb8;
	[tilespmem:$0xA710] =	vst v63  }
0x122: {  	_ =	swait.ge [sflag:s30], $0x800  }
0x123: {  	[sflag:s30] =	ssyncset.done $0x0  }
0x124: {  	[sflag:s30] =	ssyncadd.s32 $0xFFFFF800  }
0x125: {  	_ =	swait.ge [sflag:s30], $0x800  }
0x126: {  	[sflag:s30] =	ssyncset.done $0x0  }
0x127: {  	s29 =	simm.s32 $0x1D00;
	[sflag:s30] =	ssyncadd.s32 $0xFFFFF800  }
0x128: {  	[spmem:s3] =	stream.indirect.scatter.add.f32 [tilespmem:s22], [sflag:$0x3], $0x10, s29, s19, $0xb8;
	[tilespmem:$0xA710] =	vst v63  }
0x129: {  	p2 =	por $0x0, $0x0;
	_ =	swait.ge [sflag:s16], $0x800  }
.Ltmp5:
0x12a: {  	[sflag:s16] =	ssyncset.done $0x0;
	(pc) =	sbr.rel @p2 .LBB2_7-.Ltmp5, $4  }
0x12b: {  	s31 =	simm.s32 $0x1D80;
	[sflag:s16] =	ssyncadd.s32 $0xFFFFF800  }
0x12c: {  	[spmem:s3] =	stream.indirect.scatter.add.f32 [tilespmem:s24], [sflag:$0x3], $0x10, s31, s19, $0xb8;
	[tilespmem:$0xA710] =	vst v63  }
0x12d: {  	p1 =	por $0x1, $0x1;
	_ =	swait.ge [sflag:s16], $0x800  }
0x12e: {  	s21 =	simm.s32 $0x200;
	s23 =	simm.s32 $0x1000;
	[sflag:s16] =	ssyncset.done $0x0  }
.LBB2_6:
0x12f: {  	s29 =	sadd.s32 $0x100, s21  }
0x130: {  	[sflag:s16] =	ssyncadd.s32 $0xFFFFF800;
	s26 =	smov.u32 s23;
	s28 =	sadd.s32 $0x800, s23  }
0x131: {  	[tilespmem:s22], [sflag:$0x2] =	stream.indirect.gather [spmem:s2], $0x10, s29, s19, $0xb8;
	[tilespmem:$0xA710] =	vst v63  }
0x132: {  	p2 =	seq.s32 s23, $0x6000;
	s23 =	sadd.s32 $0x180, s21  }
0x133: {  	[tilespmem:s24], [sflag:$0x2] =	stream.indirect.gather [spmem:s2], $0x10, s23, s19, $0xb8;
	[tilespmem:$0xA710] =	vst v63  }
0x134: {  	_ =	swait.ge [sflag:s25], $0x800  }
0x135: {  	[sflag:s25] =	ssyncset.done $0x0  }
0x136: {  	[sflag:s25] =	ssyncadd.s32 $0xFFFFF800  }
0x137: {  	_ =	swait.ge [sflag:s25], $0x800  }
0x138: {  	[sflag:s25] =	ssyncset.done $0x0  }
0x139: {  	s23 =	sadd.s32 $0x1C00, s21;
	[sflag:s25] =	ssyncadd.s32 $0xFFFFF800  }
0x13a: {  	[spmem:s3] =	stream.indirect.scatter.add.f32 [tilespmem:s17], [sflag:$0x3], $0x10, s23, s19, $0xb8;
	[tilespmem:$0xA710] =	vst v63  }
0x13b: {  	_ =	swait.ge [sflag:s16], $0x800  }
0x13c: {  	[sflag:s16] =	ssyncset.done $0x0  }
0x13d: {  	s23 =	sadd.s32 $0x1C80, s21;
	[sflag:s16] =	ssyncadd.s32 $0xFFFFF800  }
0x13e: {  	[spmem:s3] =	stream.indirect.scatter.add.f32 [tilespmem:s20], [sflag:$0x3], $0x10, s23, s19, $0xb8;
	[tilespmem:$0xA710] =	vst v63  }
0x13f: {  	_ =	swait.ge [sflag:s16], $0x800  }
0x140: {  	[sflag:s16] =	ssyncset.done $0x0  }
0x141: {  	s23 =	sadd.s32 $0x200, s21;
	[sflag:s16] =	ssyncadd.s32 $0xFFFFF800  }
0x142: {  	[tilespmem:s17], [sflag:$0x1] =	stream.indirect.gather [spmem:s2], $0x10, s23, s19, $0xb8;
	[tilespmem:$0xA710] =	vst v63  }
0x143: {  	s23 =	sadd.s32 $0x280, s21  }
0x144: {  	[tilespmem:s20], [sflag:$0x1] =	stream.indirect.gather [spmem:s2], $0x10, s23, s19, $0xb8;
	[tilespmem:$0xA710] =	vst v63  }
0x145: {  	_ =	swait.ge [sflag:s30], $0x800  }
0x146: {  	[sflag:s30] =	ssyncset.done $0x0  }
0x147: {  	[sflag:s30] =	ssyncadd.s32 $0xFFFFF800  }
0x148: {  	_ =	swait.ge [sflag:s30], $0x800  }
0x149: {  	[sflag:s30] =	ssyncset.done $0x0  }
0x14a: {  	s23 =	sadd.s32 $0x1D00, s21;
	[sflag:s30] =	ssyncadd.s32 $0xFFFFF800  }
0x14b: {  	[spmem:s3] =	stream.indirect.scatter.add.f32 [tilespmem:s22], [sflag:$0x3], $0x10, s23, s19, $0xb8;
	[tilespmem:$0xA710] =	vst v63  }
0x14c: {  	_ =	swait.ge [sflag:s16], $0x800  }
.Ltmp6:
0x14d: {  	[sflag:s16] =	ssyncset.done $0x0;
	(pc) =	sbr.rel @!p2 .LBB2_6-.Ltmp6, $4  }
0x14e: {  	s21 =	sadd.s32 $0x1D80, s21;
	[sflag:s16] =	ssyncadd.s32 $0xFFFFF800  }
0x14f: {  	[spmem:s3] =	stream.indirect.scatter.add.f32 [tilespmem:s24], [sflag:$0x3], $0x10, s21, s19, $0xb8;
	[tilespmem:$0xA710] =	vst v63  }
0x150: {  	_ =	swait.ge [sflag:s16], $0x800  }
0x151: {  	s23 =	smov.u32 s28;
	s21 =	sshra.s32 s26, $0x2;
	[sflag:s16] =	ssyncset.done $0x0  }
.LBB2_7:
0x152: {  	s23 =	sadd.s32 $0x100, s21;
	[sflag:s16] =	ssyncadd.s32 @p1 $0xFFFFF800  }
0x153: {  	[tilespmem:s22], [sflag:$0x2] =	stream.indirect.gather [spmem:s2], $0x10, s23, s19, $0xb8;
	[tilespmem:$0xA710] =	vst v63  }
0x154: {  	s26 =	sadd.s32 $0x180, s21  }
0x155: {  	[tilespmem:s24], [sflag:$0x2] =	stream.indirect.gather [spmem:s2], $0x10, s26, s19, $0xb8;
	[tilespmem:$0xA710] =	vst v63  }
0x156: {  	_ =	swait.ge [sflag:s25], $0x800  }
0x157: {  	[sflag:s25] =	ssyncset.done $0x0  }
0x158: {  	[sflag:s25] =	ssyncadd.s32 $0xFFFFF800  }
0x159: {  	_ =	swait.ge [sflag:s25], $0x800  }
0x15a: {  	[sflag:s25] =	ssyncset.done $0x0  }
0x15b: {  	s26 =	sadd.s32 $0x1C00, s21;
	[sflag:s25] =	ssyncadd.s32 $0xFFFFF800  }
0x15c: {  	[spmem:s3] =	stream.indirect.scatter.add.f32 [tilespmem:s17], [sflag:$0x3], $0x10, s26, s19, $0xb8;
	[tilespmem:$0xA710] =	vst v63  }
0x15d: {  	_ =	swait.ge [sflag:s16], $0x800  }
0x15e: {  	[sflag:s16] =	ssyncset.done $0x0  }
0x15f: {  	s26 =	sadd.s32 $0x1C80, s21;
	[sflag:s16] =	ssyncadd.s32 $0xFFFFF800  }
0x160: {  	[spmem:s3] =	stream.indirect.scatter.add.f32 [tilespmem:s20], [sflag:$0x3], $0x10, s26, s19, $0xb8;
	[tilespmem:$0xA710] =	vst v63  }
0x161: {  	_ =	swait.ge [sflag:s16], $0x800  }
0x162: {  	[sflag:s16] =	ssyncset.done $0x0  }
0x163: {  	s26 =	sadd.s32 $0x200, s21;
	[sflag:s16] =	ssyncadd.s32 $0xFFFFF800  }
0x164: {  	[tilespmem:s17], [sflag:$0x1] =	stream.indirect.gather [spmem:s2], $0x10, s26, s19, $0xb8;
	[tilespmem:$0xA710] =	vst v63  }
0x165: {  	s26 =	sadd.s32 $0x280, s21  }
0x166: {  	[tilespmem:s20], [sflag:$0x1] =	stream.indirect.gather [spmem:s2], $0x10, s26, s19, $0xb8;
	[tilespmem:$0xA710] =	vst v63  }
0x167: {  	_ =	swait.ge [sflag:s30], $0x800  }
0x168: {  	[sflag:s30] =	ssyncset.done $0x0  }
0x169: {  	[sflag:s30] =	ssyncadd.s32 $0xFFFFF800  }
0x16a: {  	_ =	swait.ge [sflag:s30], $0x800  }
0x16b: {  	[sflag:s30] =	ssyncset.done $0x0  }
0x16c: {  	s26 =	sadd.s32 $0x1D00, s21;
	[sflag:s30] =	ssyncadd.s32 $0xFFFFF800  }
0x16d: {  	[spmem:s3] =	stream.indirect.scatter.add.f32 [tilespmem:s22], [sflag:$0x3], $0x10, s26, s19, $0xb8;
	[tilespmem:$0xA710] =	vst v63  }
0x16e: {  	_ =	swait.ge [sflag:s16], $0x800  }
0x16f: {  	[sflag:s16] =	ssyncset.done $0x0  }
.Ltmp7:
0x170: {  	s26 =	sadd.s32 $0x1D80, s21;
	[sflag:s16] =	ssyncadd.s32 $0xFFFFF800;
	(pc) =	sbr.rel .LBB2_9-.Ltmp7, $4  }
0x171: {  	[spmem:s3] =	stream.indirect.scatter.add.f32 [tilespmem:s24], [sflag:$0x3], $0x10, s26, s19, $0xb8;
	[tilespmem:$0xA710] =	vst v63  }
0x172: {  	s28 =	simm.s32 $0x3600;
	s29 =	simm.s32 $0x1B80;
	_ =	swait.ge [sflag:s16], $0x800  }
0x173: {  	s31 =	simm.s32 $0x1B00;
	s23 =	simm.s32 $0x3700;
	[sflag:s16] =	ssyncset.done $0x0  }
0x174: {  	s21 =	simm.s32 $0x3780;
	s26 =	simm.s32 $0x3680;
	[sflag:s16] =	ssyncadd.s32 $0xFFFFF800  }
.LBB2_10:
0x175: {  	_ =	sfence.sel $0x180000  }
0x176: {  	[bflag:$0x0] =	sbarrier.arrive $0xFFFF  }
0x177: {  	_ =	strace $0x9000004D  }
0x178: {  	s0 =	stileid.u32;
	[bflag:$0x2] =	sbarrier.arrive $0xFFFF  }
0x179: {  	p0 =	sne.s32 s0, $0x0;
	s0 =	rddreg [dreg:$0x4]  }
0x17a: {  	s0 =	sadd.s32 @!p0 $0x100000, s0  }
0x17b: {  	[sflag:s0] =	ssyncadd.tile.s32 @!p0 $0x1;
	_ =	shalt  }
.Lfunc_end2:
_tile_overlayer_lowered:
.L_overlay_start_2:
0x17c: {  	(tag) =	ssettag $0x2  }
0x17d: {  	s0 =	rddreg [dreg:$0x0];
	s2 =	stileid.u32  }
0x17e: {  	s1 =	rddreg [dreg:$0x1];
	p0 =	sne.s32 s2, $0x0  }
0x17f: {  	s3 =	rddreg [dreg:$0x2];
	[bflag:$0x3] =	sbarrier.arrive $0xFFFF;
	s2 =	simm.s32 @!p0 $0x1C03  }
0x180: {  	[timem:s3], [sflag:s2] =	dma.local @!p0 [hbm:s0], s1  }
0x181: {  	s0 =	simm.s32 @!p0 $0x3  }
0x182: {  	_ =	swait.ge @!p0 [sflag:s0], s1  }
0x183: {  	s1 =	ssub.s32 @!p0 $0x0, s1;
	[sflag:s0] =	ssyncset.done @!p0 $0x0  }
0x184: {  	[sflag:s0] =	ssyncadd.s32 @!p0 s1  }
0x185: {  	[bflag:$0x3] =	sbarrier.arrive $0xFFFF  }
0x186: {  	_ =	shalt  }

// kernel: kernel.8.cloned.1.call-start
scs
__scs_entry_jumppad:
0x0: {  	(pc) =	sbr.rel $0x88, $3  }
0x1: {  	(tag) =	ssettag $0x0;
	lr =	simm.s32 $0x1  }
0x2: {  	[smem:$0x3F9B] =	sst lr;
	_ =	strace $0xD0000000  }
0x3: {  	_ = 	snop  }
0x4: {  	_ = 	snop  }
0x5: {  	_ = 	snop  }
0x6: {  	_ = 	snop  }
0x7: {  	_ = 	snop  }
__scs_overlays_trampoline_lowered:
0x8: {  	[smem:$0x3FAA] =	sst s0  }
0x9: {  	[smem:$0x3FAB] =	sst s1  }
0xa: {  	[smem:$0x3FAC] =	sst s2  }
0xb: {  	[smem:$0x3FAD] =	sst s3  }
0xc: {  	[smem:$0x3FAE] =	sst s4  }
0xd: {  	[smem:$0x3FAF] =	sst s5  }
0xe: {  	[smem:$0x3FB0] =	sst s6  }
0xf: {  	[smem:$0x3FB1] =	sst s7  }
0x10: {  	[smem:$0x3FB2] =	sst s8  }
0x11: {  	[smem:$0x3FB3] =	sst s9;
	s0 =	simm.s32 @!p0 $0x0  }
0x12: {  	s1 =	sld [smem:$0x3F99];
	s0 =	simm.s32 @p0 $0x1  }
0x13: {  	[smem:$0x3FB4] =	sst s0;
	s0 =	simm.s32 @!p1 $0x0  }
0x14: {  	s2 =	sld [smem:$0x3F98];
	s0 =	simm.s32 @p1 $0x1  }
0x15: {  	[smem:$0x3FB5] =	sst s0;
	s0 =	simm.s32 @!p2 $0x0  }
0x16: {  	s3 =	sld [smem:$0x3FDB];
	s0 =	simm.s32 @p2 $0x1  }
0x17: {  	s4 =	simm.s32 $0x1BF5;
	[smem:$0x3FB7] =	sst s0  }
0x18: {  	s0 =	sld [smem:$0x3F9A];
	_ =	swait.ge [sflag:s4], $0x0  }
0x19: {  	s7 =	sld [smem:$0x3F9B]  }
0x1a: {  	s8 =	sadd.s32 $0xFFFFE003, lr  }
0x1b: {  	s9 =	sadd.s32 $0xFFFFFEF7, lr;
	s5 =	simm.s32 $0xFFFFFFFF;
	p2 =	slt.u32 s8, $0xFFFFF086  }
0x1c: {  	p1 =	slt.u32 s9, $0xF7A;
	s5 =	simm.s32 @!p2 $0x0  }
0x1d: {  	s5 =	simm.s32 @p1 $0x1;
	p0 =	seq.s32 s7, s2  }
0x1e: {  	s7 =	smul.u32 @!p0 $0xF7A, s2;
	p2 =	seq.s32 @!p0 s5, $0x0  }
0x1f: {  	s9 =	smul.u32 $0xF7A, s1;
	s8 =	simm.s32 @!p0 $0x1BF5;
	p2 =	por !p2, p0  }
0x20: {  	[sflag:s8] =	ssyncset.s32 @!p0 $0xFFFFF086;
	s6 =	sadd.s32 @!p0 s3, s7;
	s7 =	simm.s32 @!p0 $0x108  }
0x21: {  	s3 =	sadd.s32 s3, s9;
	s6 =	sadd.s32 @!p0 $0x88, s6;
	s7 =	simm.s32 @p2 $0x1082  }
0x22: {  	[simem:s7], [sflag:s8] =	dma.local @!p0 [hbm:s6], $0xF7A  }
0x23: {  	s9 =	sor.u32 $0xD0000000, s2;
	s6 =	simm.s32 $0x108;
	_ =	swait.ge @!p0 [sflag:s8], $0x0  }
0x24: {  	s3 =	sadd.s32 $0x88, s3;
	s6 =	simm.s32 @!p1 $0x1082;
	[sflag:s4] =	ssyncset.s32 $0xFFFFF086  }
0x25: {  	[simem:s6], [sflag:s4] =	dma.local [hbm:s3], $0xF7A  }
0x26: {  	[smem:$0x3F9B] =	sst s1;
	(tag) =	ssettag s2;
	_ =	strace s9  }
0x27: {  	s1 =	sld [smem:$0x3FAB]  }
0x28: {  	s2 =	sld [smem:$0x3FAC]  }
0x29: {  	s4 =	sld [smem:$0x3FAE]  }
0x2a: {  	p0 =	seq.s32 s5, $0x0;
	s5 =	sld [smem:$0x3FAF]  }
0x2b: {  	s6 =	sld [smem:$0x3FB0]  }
0x2c: {  	s7 =	sld [smem:$0x3FB1]  }
0x2d: {  	s3 =	simm.s32 $0x108;
	s8 =	sld [smem:$0x3FB2]  }
0x2e: {  	s3 =	simm.s32 @!p0 $0x1082;
	s9 =	sld [smem:$0x3FB3]  }
0x2f: {  	lr =	sadd.s32 s0, s3;
	s0 =	sld [smem:$0x3FAA]  }
0x30: {  	s3 =	sld [smem:$0x3FAD]  }
0x31: {  	[smem:$0x3FB6] =	sst s10  }
0x32: {  	s10 =	sld [smem:$0x3FB4];
	_ =	sdelay $0x3  }
0x33: {  	p0 =	seq.s32 s10, $0x1;
	s10 =	sld [smem:$0x3FB6];
	_ =	sdelay $0x3  }
0x34: {  	[smem:$0x3FB6] =	sst s10  }
0x35: {  	s10 =	sld [smem:$0x3FB5];
	_ =	sdelay $0x3  }
0x36: {  	p1 =	seq.s32 s10, $0x1;
	s10 =	sld [smem:$0x3FB6];
	_ =	sdelay $0x3  }
0x37: {  	[smem:$0x3FB6] =	sst s10  }
0x38: {  	s10 =	sld [smem:$0x3FB7]  }
0x39: {  	_ = 	snop;
	(pc) =	sbr.ind lr, $3  }
0x3a: {  	_ = 	snop  }
0x3b: {  	_ = 	snop  }
0x3c: {  	p2 =	seq.s32 s10, $0x1;
	s10 =	sld [smem:$0x3FB6]  }
0x3d: {  	_ =	shalt  }
0x3e: {  	_ =	shalt  }
0x3f: {  	_ =	shalt  }
0x40: {  	_ =	shalt  }
0x41: {  	_ =	shalt  }
0x42: {  	_ =	shalt  }
0x43: {  	_ =	shalt  }
0x44: {  	_ =	shalt  }
0x45: {  	_ =	shalt  }
0x46: {  	_ =	shalt  }
0x47: {  	_ =	shalt  }
0x48: {  	_ =	shalt  }
0x49: {  	_ =	shalt  }
0x4a: {  	_ =	shalt  }
0x4b: {  	_ =	shalt  }
0x4c: {  	_ =	shalt  }
0x4d: {  	_ =	shalt  }
0x4e: {  	_ =	shalt  }
0x4f: {  	_ =	shalt  }
0x50: {  	_ =	shalt  }
0x51: {  	_ =	shalt  }
0x52: {  	_ =	shalt  }
0x53: {  	_ =	shalt  }
0x54: {  	_ =	shalt  }
0x55: {  	_ =	shalt  }
0x56: {  	_ =	shalt  }
0x57: {  	_ =	shalt  }
0x58: {  	_ =	shalt  }
0x59: {  	_ =	shalt  }
0x5a: {  	_ =	shalt  }
0x5b: {  	_ =	shalt  }
0x5c: {  	_ =	shalt  }
0x5d: {  	_ =	shalt  }
0x5e: {  	_ =	shalt  }
0x5f: {  	_ =	shalt  }
0x60: {  	_ =	shalt  }
0x61: {  	_ =	shalt  }
0x62: {  	_ =	shalt  }
0x63: {  	_ =	shalt  }
0x64: {  	_ =	shalt  }
0x65: {  	_ =	shalt  }
0x66: {  	_ =	shalt  }
0x67: {  	_ =	shalt  }
0x68: {  	_ =	shalt  }
0x69: {  	_ =	shalt  }
0x6a: {  	_ =	shalt  }
0x6b: {  	_ =	shalt  }
0x6c: {  	_ =	shalt  }
0x6d: {  	_ =	shalt  }
0x6e: {  	_ =	shalt  }
0x6f: {  	_ =	shalt  }
0x70: {  	_ =	shalt  }
0x71: {  	_ =	shalt  }
0x72: {  	_ =	shalt  }
0x73: {  	_ =	shalt  }
0x74: {  	_ =	shalt  }
0x75: {  	_ =	shalt  }
0x76: {  	_ =	shalt  }
0x77: {  	_ =	shalt  }
0x78: {  	_ =	shalt  }
0x79: {  	_ =	shalt  }
0x7a: {  	_ =	shalt  }
0x7b: {  	_ =	shalt  }
0x7c: {  	_ =	shalt  }
0x7d: {  	_ =	shalt  }
0x7e: {  	_ =	shalt  }
0x7f: {  	_ =	shalt  }
0x80: {  	_ =	shalt  }
0x81: {  	_ =	shalt  }
0x82: {  	_ =	shalt  }
0x83: {  	_ =	shalt  }
0x84: {  	_ =	shalt  }
0x85: {  	_ =	shalt  }
0x86: {  	_ =	shalt  }
0x87: {  	_ =	shalt  }
.Lfunc_end0:
.L_simem_size_0:
called_computation_lowered:
.L_overlay_start_0:
0x88: {  	s2 =	sld [smem:$0x3FD9]  }
0x89: {  	s3 =	sld [smem:$0x3FFE];
	_ =	sdelay $0x1  }
0x8a: {  	s1 =	srdreg.scid  }
0x8b: {  	s0 =	sand.u32 $0x1, s1  }
0x8c: {  	s16 =	sshll.u32 s0, $0xA;
	s2 =	sadd.s32 s3, s2  }
0x8d: {  	s2 =	sadd.s32 s2, s16  }
0x8e: {  	[smem:$0x3FC2] =	sst s2  }
0x8f: {  	_ = 	snop  }
0x90: {  	(tm) =	ssettm $0x1  }
0x91: {  	s17 =	sld [smem:$0x3FFB];
	_ =	sdelay $0x3  }
0x92: {  	_ =	strace s17  }
0x93: {  	s2 =	sld [smem:$0x3FFC];
	_ =	sdelay $0x3  }
0x94: {  	_ =	strace s2  }
0x95: {  	s2 =	sld [smem:$0x3FFD];
	_ =	sdelay $0x3  }
0x96: {  	_ =	strace s2  }
0x97: {  	_ =	strace $0x8FFFFFFF  }
0x98: {  	s18 =	sld [smem:$0x3FDB];
	_ =	sdelay $0x1  }
0x99: {  	s19 =	simm.s32 $_scs_section_size  }
0x9a: {  	s4 =	simm.s32 $_size__tile_overlayer_lowered;
	s5 =	simm.s32 $_tile_overlayer_lowered  }
0x9b: {  	s22 =	simm.s32 $0x1BFF;
	s21 =	sshll.u32 s5, $0x1;
	s2 =	sadd.s32 s19, s18  }
0x9c: {  	s6 =	simm.s32 $0x0;
	s20 =	sshll.u32 s4, $0x1;
	s4 =	sadd.s32 s21, s2  }
0x9d: {  	[timem:s6], [sflag:s22] =	dma.local [hbm:s4], s20  }
0x9e: {  	_ =	swait.ge [sflag:s22], s20  }
0x9f: {  	s3 =	ssub.s32 $0x0, s20;
	[sflag:s22] =	ssyncset.done $0x0  }
0xa0: {  	[sflag:s22] =	ssyncadd.s32 s3;
	_ =	sdelay $0x1  }
0xa1: {  	s23 =	simm.s32 $0x1B8B  }
0xa2: {  	_ =	swait.ge [sflag:s23], $0x1  }
0xa3: {  	[sflag:s23] =	ssyncset.done $0x0  }
0xa4: {  	s25 =	simm.s32 $0x1B8E;
	s24 =	sld [smem:$0x3FFE];
	[sflag:s23] =	ssyncadd.s32 $0xFFFFFFFF  }
0xa5: {  	s26 =	simm.s32 $execute0_lowered;
	[smem:$0x3FD2] =	sst s25  }
0xa6: {  	s4 =	sshll.u32 s26, $0x1;
	_ =	strace $0x80000046;
	[dreg:$0x1] =	wrdreg $0xFFFFFFFF  }
0xa7: {  	s28 =	simm.s32 $_size_execute0_lowered;
	s2 =	sadd.s32 s2, s4;
	[dreg:$0x0] =	wrdreg $0x0  }
0xa8: {  	s4 =	sshll.u32 s28, $0x1;
	[dreg:$0x2] =	wrdreg s2  }
0xa9: {  	[dreg:$0x3] =	wrdreg s4  }
0xaa: {  	[dreg:$0x4] =	wrdreg $0xC0  }
0xab: {  	_ =	task [dreg:s6], $0x5FFFF  }
0xac: {  	[dreg:$0x1] =	wrdreg $0xFFFFFFFF  }
0xad: {  	[dreg:$0x0] =	wrdreg $0x60  }
0xae: {  	[dreg:$0x2] =	wrdreg s24  }
0xaf: {  	[dreg:$0x3] =	wrdreg $0x44000  }
0xb0: {  	[dreg:$0x4] =	wrdreg $0x9  }
0xb1: {  	_ =	task.clear_ibuf [dreg:s6], $0x5FFFF;
	_ =	strace $0x90000046  }
0xb2: {  	s29 =	simm.s32 $0x9;
	_ =	strace $0x80000048  }
0xb3: {  	_ =	swait.ge [sflag:s29], $0x1  }
0xb4: {  	[sflag:s29] =	ssyncadd.s32 $0xFFFFFFFF  }
0xb5: {  	_ =	strace $0x90000048  }
0xb6: {  	_ =	sfence  }
0xb7: {  	s30 =	sld [smem:$0x0];
	_ =	sdelay $0x2  }
0xb8: {  	s31 =	sshll.u32 s1, $0xD;
	s1 =	sshrl.u32 s1, $0x2  }
0xb9: {  	s3 =	sand.u32 $0x4000, s31;
	s1 =	sadd.s32 s1, s30  }
0xba: {  	s0 =	sor.u32 s3, s0;
	s1 =	sshll.u32 s1, $0x11  }
0xbb: {  	s0 =	sor.u32 s1, s0  }
0xbc: {  	s0 =	sadd.s32 $0x8F2B, s0  }
0xbd: {  	[sflag:s0] =	ssyncadd.remote.s32 $0x1  }
0xbe: {  	_ =	sfence.sel $0xFFFF  }
0xbf: {  	[dreg:$0x0] =	wrdreg $0xFFFFFFFF;
	(pc) =	sbr.abs _section_cstart, $3  }
0xc0: {  	[dreg:$0x1] =	wrdreg $0xFFFFFFFF  }
0xc1: {  	_ =	task.clear_ibuf [dreg:s6], $0x2FFFF;
	_ =	strace $0x9FFFFFFF  }
0xc2: {  	(tm) =	ssettm $0x7FFFFFFF  }
0xc3: {  	_ =	shalt  }
tec
execute0_lowered:
.L_overlay_start_1:
0x0: {  	(tag) =	ssettag $0x1  }
0x1: {  	s1 =	srdreg.scid;
	s4 =	rddreg [dreg:$0x0]  }
0x2: {  	s0 =	stileid.u32;
	s2 =	rddreg [dreg:$0x1];
	s3 =	simm.s32 $0x0  }
0x3: {  	s10 =	simm.s32 $0x80;
	s5 =	sand.u32 $0x1, s1;
	s1 =	rddreg [dreg:$0x2]  }
0x4: {  	s11 =	simm.s32 $0x1400;
	s6 =	smul.u32 $0x2800, s0;
	[smem:$0x7FF] =	sst s3  }
0x5: {  	s12 =	sshll.u32 s0, $0x6;
	s7 =	sshll.u32 s5, $0x4;
	s8 =	smul.u32 $0x28000, s5  }
0x6: {  	_ =	strace $0x80000047;
	s5 =	ssub.s32 $0x2, s5;
	s7 =	sor.u32 s0, s7  }
0x7: {  	s31 =	sshrl.u32 s5, $0x1;
	s7 =	smul.u32 $0x280, s7;
	s8 =	sadd.s32 s6, s8  }
0x8: {  	s12 =	sor.u32 $0x1C01, s12;
	s9 =	ssub.s32 s5, s31;
	s8 =	sshrl.u32 s8, $0x3  }
0x9: {  	s7 =	sadd.s32 s7, s4;
	s8 =	sadd.s32 s8, s4;
	s4 =	sadd.s32 s6, s2  }
0xa: {  	s5 =	sadd.s32 $0x1C00, s7;
	s6 =	sadd.s32 $0x6C00, s8;
	s7 =	smax.u32 s9, $0x1  }
0xb: {  	v0 =	vimm.f32 $0.0e+00;
	v1 =	vimm.f32 $1.000000000e+00;
	s8 =	simm.s32 $0x1C00;
	s9 =	simm.s32 $0x1;
	s13 =	sshrl.u32 s4, $0x3  }
.LBB2_1:
0xc: {  	s14 =	simm.s32 $0x0  }
.LBB2_2:
0xd: {  	p0 =	sne.s32 s14, $0x9FC0  }
.Ltmp0:
0xe: {  	_ = 	snop;
	(pc) =	sbr.rel @p0 .LBB2_2-.Ltmp0, $3  }
0xf: {  	_ =	sdelay $0x1  }
0x10: {  	s15 =	sshra.s32 s14, $0x2  }
0x11: {  	s14 =	sadd.s32 $0x40, s14;
	[tilespmem:s15+$0x1C00] =	vst v0  }
0x12: {  	s14 =	simm.s32 $0x40;
	s15 =	simm.s32 $0x0  }
.LBB2_4:
0x13: {  	p0 =	sne.s32 s14, $0x1FC0;
	[tilespmem:s15+$0x1400] =	vst v1;
	s15 =	smov.u32 s14;
	s14 =	sadd.s32 $0x40, s14  }
.Ltmp1:
0x14: {  	(pc) =	sbr.rel @p0 .LBB2_4-.Ltmp1, $2  }
0x15: {  	_ =	sdelay $0x2  }
0x16: {  	s15 =	sshra.s32 s15, $0x2  }
0x17: {  	[tilespmem:s15+$0x1400] =	vst v1  }
0x18: {  	[spmem:s4] =	stream.linear.scatter [tilespmem:s8], [sflag:$0x1], $0x2800, $0x38;
	[tilespmem:$0x6C00] =	vst v63  }
0x19: {  	_ =	swait.ge [sflag:s9], $0x2800  }
0x1a: {  	[sflag:s9] =	ssyncset.done $0x0  }
0x1b: {  	[sflag:s9] =	ssyncadd.s32 $0xFFFFD800  }
0x1c: {  	s14 =	simm.s32 $0x0;
	[bflag:$0x0] =	sbarrier.arrive $0xFFFF  }
0x1d: {  	[tilespmem:s14], [sflag:$0x1] =	stream.linear.gather [hbm4b:s5+s14], $0x1400, $0x38;
	[tilespmem:$0x6C00] =	vst v63  }
0x1e: {  	_ =	swait.ge [sflag:s9], $0x1400  }
0x1f: {  	[sflag:s9] =	ssyncset.done $0x0  }
0x20: {  	s31 =	simm.s32 $0x0;
	[sflag:s9] =	ssyncadd.s32 $0xFFFFEC00  }
0x21: {  	[spmem:s2] =	stream.indirect.scatter.add.f32 [tilespmem:s11], [sflag:$0x1], $0x10, s31, s10, $0xb8;
	[tilespmem:$0x6C00] =	vst v63  }
0x22: {  	_ =	swait.ge [sflag:s9], $0x800  }
0x23: {  	s14 =	simm.s32 $0x200;
	[sflag:s9] =	ssyncset.done $0x0  }
.LBB2_6:
0x24: {  	s15 =	sshra.s32 s14, $0x2;
	[sflag:s9] =	ssyncadd.s32 $0xFFFFF800;
	p0 =	sne.s32 s14, $0x4E00  }
0x25: {  	[spmem:s2] =	stream.indirect.scatter.add.f32 [tilespmem:s11], [sflag:$0x1], $0x10, s15, s10, $0xb8;
	[tilespmem:$0x6C00] =	vst v63  }
.Ltmp2:
0x26: {  	_ = 	snop;
	(pc) =	sbr.rel @p0 .LBB2_6-.Ltmp2, $4  }
0x27: {  	_ = 	snop  }
0x28: {  	s14 =	sadd.s32 $0x200, s14  }
0x29: {  	_ =	swait.ge [sflag:s9], $0x800  }
0x2a: {  	[sflag:s9] =	ssyncset.done $0x0  }
0x2b: {  	s3 =	sadd.s32 $0x1, s3  }
0x2c: {  	[sflag:s9] =	ssyncadd.s32 $0xFFFFF800;
	p0 =	sne.s32 s3, s7  }
.Ltmp3:
0x2d: {  	[bflag:$0x0] =	sbarrier.arrive $0xFFFF;
	(pc) =	sbr.rel @p0 .LBB2_1-.Ltmp3, $4  }
0x2e: {  	[hbm:s6], [sflag:s12] =	dma.local [spmem:s13], $0x500  }
0x2f: {  	_ =	swait.ge [sflag:s9], $0x500  }
0x30: {  	[sflag:s9] =	ssyncset.done $0x0  }
0x31: {  	[sflag:s9] =	ssyncadd.s32 $0xFFFFFB00  }
0x32: {  	_ =	sfence.sel $0x180000  }
0x33: {  	[bflag:$0x0] =	sbarrier.arrive $0xFFFF  }
0x34: {  	p0 =	sne.s32 s0, $0x0;
	_ =	strace $0x90000047  }
0x35: {  	s0 =	sadd.s32 @!p0 $0x100000, s1;
	[bflag:$0x2] =	sbarrier.arrive $0xFFFF  }
0x36: {  	[sflag:s0] =	ssyncadd.tile.s32 @!p0 $0x1;
	_ =	shalt  }
.Lfunc_end2:
_tile_overlayer_lowered:
.L_overlay_start_2:
0x37: {  	(tag) =	ssettag $0x2  }
0x38: {  	s0 =	rddreg [dreg:$0x0];
	s2 =	stileid.u32  }
0x39: {  	s1 =	rddreg [dreg:$0x1];
	p0 =	sne.s32 s2, $0x0  }
0x3a: {  	s3 =	rddreg [dreg:$0x2];
	[bflag:$0x3] =	sbarrier.arrive $0xFFFF;
	s2 =	simm.s32 @!p0 $0x1C01  }
0x3b: {  	[timem:s3], [sflag:s2] =	dma.local @!p0 [hbm:s0], s1  }
0x3c: {  	s0 =	simm.s32 @!p0 $0x1  }
0x3d: {  	_ =	swait.ge @!p0 [sflag:s0], s1  }
0x3e: {  	s1 =	ssub.s32 @!p0 $0x0, s1;
	[sflag:s0] =	ssyncset.done @!p0 $0x0  }
0x3f: {  	[sflag:s0] =	ssyncadd.s32 @!p0 s1  }
0x40: {  	[bflag:$0x3] =	sbarrier.arrive $0xFFFF  }
0x41: {  	_ =	shalt  }

</sc_bundles>
